<compile_context>
chip_gen: v7x
topology: tpu7x:2x2x1
jax: 0.10.2.dev20260603
libtpu: 0.0.44.dev20260713+nightly
codegen_flags: <defaults>
</compile_context>

<pallas_src>
import functools

import jax
import jax.numpy as jnp
from jax import lax
from jax.experimental import pallas as pl
from jax.experimental.pallas import tpu as pltpu
from jax.experimental.pallas import tpu_sc as plsc

VOCAB = 1_000_000
HIDDEN = 32
BATCH = 16384

NUM_CORES = 2
NUM_SUBCORES = 16
LANES = 16
NUM_WORKERS = NUM_CORES * NUM_SUBCORES
BPW = BATCH // NUM_WORKERS
GSIZE = 4
NGROUPS = BPW // GSIZE
NBUF = 3
WIN = 128


DMAJ = 4


def _sc_body(emb_hbm, ctx_hbm, iidx_hbm, cidx_hbm, out_hbm,
             iidx_v, cidx_v, ebuf, cbuf, out_v,
             sem_e, sem_c):
    wid = lax.axis_index("s") * NUM_CORES + lax.axis_index("c")
    base = wid * BPW

    pltpu.sync_copy(iidx_hbm.at[pl.ds(base, BPW)], iidx_v.at[pl.ds(0, BPW)])
    pltpu.sync_copy(cidx_hbm.at[pl.ds(base, BPW)], cidx_v.at[pl.ds(0, BPW)])

    lanes = lax.iota(jnp.int32, LANES)

    def issue(g, slot_base):
        b0 = g * GSIZE
        vv_e = iidx_v[pl.ds(b0, LANES)]
        vv_c = cidx_v[pl.ds(b0, LANES)]
        for i in range(GSIZE):
            c0e = pl.multiple_of((vv_e[i] >> 7) << 7, WIN)
            pltpu.async_copy(
                emb_hbm.at[:, :, pl.ds(c0e, WIN)],
                ebuf.at[slot_base + i], sem_e)
            c0c = pl.multiple_of((vv_c[i] >> 7) << 7, WIN)
            pltpu.async_copy(
                ctx_hbm.at[:, :, pl.ds(c0c, WIN)],
                cbuf.at[slot_base + i], sem_c)

    def drain():
        for i in range(GSIZE):
            pltpu.make_async_copy(
                emb_hbm.at[:, :, pl.ds(0, WIN)], ebuf.at[i], sem_e).wait()
            pltpu.make_async_copy(
                ctx_hbm.at[:, :, pl.ds(0, WIN)], cbuf.at[i], sem_c).wait()

    def compute(g, slot_base):
        b0 = g * GSIZE
        cole = iidx_v[pl.ds(b0, LANES)] & (WIN - 1)
        colc = cidx_v[pl.ds(b0, LANES)] & (WIN - 1)
        slotv = slot_base + (lanes & (GSIZE - 1))
        acc = jnp.zeros((LANES,), jnp.float32)
        for d in range(HIDDEN):
            dhi = jnp.full((LANES,), d >> 3, jnp.int32)
            dlo = jnp.full((LANES,), d & 7, jnp.int32)
            a = plsc.load_gather(ebuf, [slotv, dhi, dlo, cole])
            b = plsc.load_gather(cbuf, [slotv, dhi, dlo, colc])
            acc = acc + a * b
        sig = 1.0 / (1.0 + jnp.exp(-acc))
        plsc.store_compressed(out_v.at[pl.ds(b0, LANES)], sig, mask=lanes < GSIZE)

    def slot(g):
        return lax.rem(g, NBUF) * GSIZE

    issue(0, slot(0))
    issue(1, slot(1))

    def step(g, carry):
        issue(g + 2, slot(g + 2))
        drain()
        compute(g, slot(g))
        return carry

    lax.fori_loop(0, NGROUPS - 2, step, 0)
    drain()
    compute(NGROUPS - 2, slot(NGROUPS - 2))
    drain()
    compute(NGROUPS - 1, slot(NGROUPS - 1))

    pltpu.sync_copy(out_v.at[pl.ds(0, BPW)], out_hbm.at[pl.ds(base, BPW)])


@jax.jit
def _sc_call(emb_t, ctx_t, input_idxs, context_idxs):
    mesh = plsc.VectorSubcoreMesh(core_axis_name="c", subcore_axis_name="s")
    f = functools.partial(
        pl.kernel,
        out_type=jax.ShapeDtypeStruct((BATCH,), jnp.float32),
        mesh=mesh,
        compiler_params=pltpu.CompilerParams(needs_layout_passes=False),
        scratch_types=[
            pltpu.VMEM((BPW + LANES,), jnp.int32),
            pltpu.VMEM((BPW + LANES,), jnp.int32),
            pltpu.VMEM((NBUF * GSIZE, DMAJ, 8, WIN), jnp.float32),
            pltpu.VMEM((NBUF * GSIZE, DMAJ, 8, WIN), jnp.float32),
            pltpu.VMEM((BPW + LANES,), jnp.float32),
            pltpu.SemaphoreType.DMA,
            pltpu.SemaphoreType.DMA,
        ],
    )(_sc_body)
    return f(emb_t, ctx_t, input_idxs, context_idxs)


def kernel(embedding, context, input_idxs, context_idxs):
    out = _sc_call(embedding.T.reshape(4, 8, VOCAB), context.T.reshape(4, 8, VOCAB),
                   input_idxs.astype(jnp.int32), context_idxs.astype(jnp.int32))
    return out.reshape(-1, 1)

# --- scband reference (transcript-rebuilt; emitter-appended) ---
"""Pipeline reference for scband-w2-v-sgns-model-54125177864818 (READ-ONLY COPY).

The authoritative reference and input builder live on the scoring server;
editing this copy changes nothing except your own understanding.
"""

import jax, jax.numpy as jnp
import numpy as np

VOCAB = 1000000
HIDDEN = 32
BATCH = 16384

def setup_inputs(seed: int = 0) -> dict:
    key = jax.random.key(seed)
    k1, k2, k3, k4 = jax.random.split(key, 4)
    embedding = jax.random.normal(k1, (VOCAB, HIDDEN), dtype=jnp.float32)
    context = jax.random.normal(k2, (VOCAB, HIDDEN), dtype=jnp.float32)
    input_idxs = jax.random.randint(k3, (BATCH,), 0, VOCAB, dtype=jnp.int64 if jax.config.jax_enable_x64 else jnp.int32)
    context_idxs = jax.random.randint(k4, (BATCH,), 0, VOCAB, dtype=jnp.int64 if jax.config.jax_enable_x64 else jnp.int32)
    return {"embedding": embedding, "context": context, "input_idxs": input_idxs, "context_idxs": context_idxs}

def reference(embedding, context, input_idxs, context_idxs):
    # input/context embedding gathers (SparseCore-friendly jnp.take)
    input_embeddings = jnp.take(embedding, input_idxs, axis=0)
    context_embeddings = jnp.take(context, context_idxs, axis=0)
    # dot product per row, then sigmoid, reshape to [-1, 1]
    output = jax.nn.sigmoid(jnp.sum(input_embeddings * context_embeddings, axis=1)).reshape(-1, 1)
    return output

if __name__ == "__main__":
    import jax
    _d = setup_inputs()
    print(jax.jit(kernel)(*tuple(_d.values())))

</pallas_src>

<mosaic_0001>
#map = affine_map<(d0, d1) -> (0, 0, 0)>
#map1 = affine_map<(d0, d1) -> (0)>
module attributes {stable_mosaic.version = 14 : i64} {
  func.func @_sc_body(%arg0: i32, %arg1: i32, %arg2: memref<4x8x1000000xf32, #tpu.memory_space<hbm>>, %arg3: memref<4x8x1000000xf32, #tpu.memory_space<hbm>>, %arg4: memref<16384xi32, #tpu.memory_space<hbm>>, %arg5: memref<16384xi32, #tpu.memory_space<hbm>>, %arg6: memref<16384xf32, #tpu.memory_space<hbm>>, %arg7: memref<528xi32, #tpu.memory_space<vmem>>, %arg8: memref<528xi32, #tpu.memory_space<vmem>>, %arg9: memref<12x4x8x128xf32, #tpu.memory_space<vmem>>, %arg10: memref<12x4x8x128xf32, #tpu.memory_space<vmem>>, %arg11: memref<528xf32, #tpu.memory_space<vmem>>, %arg12: memref<!tpu.dma_semaphore, #tpu.memory_space<semaphore_mem>>, %arg13: memref<!tpu.dma_semaphore, #tpu.memory_space<semaphore_mem>>) attributes {dimension_semantics = [#tpu.dimension_semantics<core_parallel>, #tpu.dimension_semantics<subcore_parallel>], iteration_bounds = array<i64: 2, 16>, scalar_prefetch = 0 : i64, scratch_operands = 7 : i64, tpu.core_type = #tpu.core_type<sc_vector_subcore>, window_params = [{transform_indices = #map}, {transform_indices = #map}, {transform_indices = #map1}, {transform_indices = #map1}, {transform_indices = #map1}]} {
    %mul3A = arith.constant 2 : i32
    %mul3A_0 = arith.muli %arg1, %mul3A : i32
    %add3A = arith.addi %mul3A_0, %arg0 : i32
    %mul3A_1 = arith.constant 512 : i32
    %mul3A_2 = arith.muli %add3A, %mul3A_1 : i32
    "tpu.region"() ({
      %run_scoped3A = tpu.sem_alloc : memref<!tpu.dma_semaphore, #tpu.memory_space<semaphore_mem>>
      %dma_start3A_1299 = arith.constant 0 : i32
      %dma_start3A_1300 = tpu.memref_slice %arg7[%dma_start3A_1299] : memref<528xi32, #tpu.memory_space<vmem>> -> memref<512xi32, #tpu.memory_space<vmem>>
      %dma_start3A_1301 = tpu.memref_slice %arg4[%mul3A_2] : memref<16384xi32, #tpu.memory_space<hbm>> -> memref<512xi32, #tpu.memory_space<hbm>>
      %dma_start3A_1302 = arith.constant 0 : i32
      %dma_start3A_1303 = tpu.memref_slice %arg7[%dma_start3A_1302] : memref<528xi32, #tpu.memory_space<vmem>> -> memref<512xi32, #tpu.memory_space<vmem>>
      %dma_start3A_1304 = tpu.memref_slice %arg4[%mul3A_2] : memref<16384xi32, #tpu.memory_space<hbm>> -> memref<512xi32, #tpu.memory_space<hbm>>
      tpu.enqueue_dma source(%dma_start3A_1304 : memref<512xi32, #tpu.memory_space<hbm>>) target(%dma_start3A_1303 : memref<512xi32, #tpu.memory_space<vmem>>) target_semaphore(%run_scoped3A : memref<!tpu.dma_semaphore, #tpu.memory_space<semaphore_mem>>)
      %dma_wait3A_1305 = arith.constant 0 : i32
      %dma_wait3A_1306 = tpu.memref_slice %arg7[%dma_wait3A_1305] : memref<528xi32, #tpu.memory_space<vmem>> -> memref<512xi32, #tpu.memory_space<vmem>>
      %dma_wait3A_1307 = tpu.memref_slice %arg4[%mul3A_2] : memref<16384xi32, #tpu.memory_space<hbm>> -> memref<512xi32, #tpu.memory_space<hbm>>
      %dma_wait3A_1308 = arith.constant 0 : i32
      %dma_wait3A_1309 = tpu.memref_slice %arg7[%dma_wait3A_1308] : memref<528xi32, #tpu.memory_space<vmem>> -> memref<512xi32, #tpu.memory_space<vmem>>
      %dma_wait3A_1310 = tpu.memref_slice %arg4[%mul3A_2] : memref<16384xi32, #tpu.memory_space<hbm>> -> memref<512xi32, #tpu.memory_space<hbm>>
      tpu.wait_dma2 semaphore(%run_scoped3A : memref<!tpu.dma_semaphore, #tpu.memory_space<semaphore_mem>>) src(%dma_wait3A_1310 : memref<512xi32, #tpu.memory_space<hbm>>) dst(%dma_wait3A_1309 : memref<512xi32, #tpu.memory_space<vmem>>)
      tpu.yield
    }) : () -> ()
    "tpu.region"() ({
      %run_scoped3A = tpu.sem_alloc : memref<!tpu.dma_semaphore, #tpu.memory_space<semaphore_mem>>
      %dma_start3A_1299 = arith.constant 0 : i32
      %dma_start3A_1300 = tpu.memref_slice %arg8[%dma_start3A_1299] : memref<528xi32, #tpu.memory_space<vmem>> -> memref<512xi32, #tpu.memory_space<vmem>>
      %dma_start3A_1301 = tpu.memref_slice %arg5[%mul3A_2] : memref<16384xi32, #tpu.memory_space<hbm>> -> memref<512xi32, #tpu.memory_space<hbm>>
      %dma_start3A_1302 = arith.constant 0 : i32
      %dma_start3A_1303 = tpu.memref_slice %arg8[%dma_start3A_1302] : memref<528xi32, #tpu.memory_space<vmem>> -> memref<512xi32, #tpu.memory_space<vmem>>
      %dma_start3A_1304 = tpu.memref_slice %arg5[%mul3A_2] : memref<16384xi32, #tpu.memory_space<hbm>> -> memref<512xi32, #tpu.memory_space<hbm>>
      tpu.enqueue_dma source(%dma_start3A_1304 : memref<512xi32, #tpu.memory_space<hbm>>) target(%dma_start3A_1303 : memref<512xi32, #tpu.memory_space<vmem>>) target_semaphore(%run_scoped3A : memref<!tpu.dma_semaphore, #tpu.memory_space<semaphore_mem>>)
      %dma_wait3A_1305 = arith.constant 0 : i32
      %dma_wait3A_1306 = tpu.memref_slice %arg8[%dma_wait3A_1305] : memref<528xi32, #tpu.memory_space<vmem>> -> memref<512xi32, #tpu.memory_space<vmem>>
      %dma_wait3A_1307 = tpu.memref_slice %arg5[%mul3A_2] : memref<16384xi32, #tpu.memory_space<hbm>> -> memref<512xi32, #tpu.memory_space<hbm>>
      %dma_wait3A_1308 = arith.constant 0 : i32
      %dma_wait3A_1309 = tpu.memref_slice %arg8[%dma_wait3A_1308] : memref<528xi32, #tpu.memory_space<vmem>> -> memref<512xi32, #tpu.memory_space<vmem>>
      %dma_wait3A_1310 = tpu.memref_slice %arg5[%mul3A_2] : memref<16384xi32, #tpu.memory_space<hbm>> -> memref<512xi32, #tpu.memory_space<hbm>>
      tpu.wait_dma2 semaphore(%run_scoped3A : memref<!tpu.dma_semaphore, #tpu.memory_space<semaphore_mem>>) src(%dma_wait3A_1310 : memref<512xi32, #tpu.memory_space<hbm>>) dst(%dma_wait3A_1309 : memref<512xi32, #tpu.memory_space<vmem>>)
      tpu.yield
    }) : () -> ()
    %iota3A = tpu.iota {dimensions = array<i32: 0>} : vector<16xi32>
    %rem3A = arith.constant 0 : i32
    %rem3A_3 = arith.constant 3 : i32
    %rem3A_4 = arith.remsi %rem3A, %rem3A_3 : i32
    %mul3A_5 = arith.constant 4 : i32
    %mul3A_6 = arith.muli %rem3A_4, %mul3A_5 : i32
    %get3A = arith.constant 0 : index
    %get3A_7 = tpu.vector_load %arg7[%get3A] {strides = array<i32>} : memref<528xi32, #tpu.memory_space<vmem>>, vector<16xi32>,
    %get3A_8 = arith.constant 0 : index
    %get3A_9 = tpu.vector_load %arg8[%get3A_8] {strides = array<i32>} : memref<528xi32, #tpu.memory_space<vmem>>, vector<16xi32>,
    %slice3A = vector.extract_strided_slice %get3A_7 {offsets = [0], sizes = [1], strides = [1]} : vector<16xi32> to vector<1xi32>
    %squeeze3A = vector.extract %slice3A[0] : i32 from vector<1xi32>
    %shift_right_arithmetic3A = arith.constant 7 : i32
    %shift_right_arithmetic3A_10 = arith.shrsi %squeeze3A, %shift_right_arithmetic3A : i32
    %shift_left3A = arith.constant 7 : i32
    %shift_left3A_11 = arith.shli %shift_right_arithmetic3A_10, %shift_left3A : i32
    %multiple_of3A = tpu.assume_multiple %shift_left3A_11, 128 : i32
    %add3A_12 = arith.constant 0 : i32
    %add3A_13 = arith.addi %mul3A_6, %add3A_12 : i32
    %dma_start3A = arith.constant 0 : i32
    %dma_start3A_14 = arith.constant 0 : i32
    %dma_start3A_15 = arith.constant 0 : i32
    %dma_start3A_16 = tpu.memref_slice %arg9[%add3A_13, %dma_start3A, %dma_start3A_14, %dma_start3A_15] : memref<12x4x8x128xf32, #tpu.memory_space<vmem>> -> memref<1x4x8x128xf32, #tpu.memory_space<vmem>>
    %dma_start3A_17 = tpu.memref_squeeze %dma_start3A_16 : memref<1x4x8x128xf32, #tpu.memory_space<vmem>> -> memref<4x8x128xf32, #tpu.memory_space<vmem>>
    %dma_start3A_18 = arith.constant 0 : i32
    %dma_start3A_19 = arith.constant 0 : i32
    %dma_start3A_20 = tpu.memref_slice %arg2[%dma_start3A_18, %dma_start3A_19, %multiple_of3A] : memref<4x8x1000000xf32, #tpu.memory_space<hbm>> -> memref<4x8x128xf32, #tpu.memory_space<hbm>>
    %dma_start3A_21 = arith.constant 0 : i32
    %dma_start3A_22 = arith.constant 0 : i32
    %dma_start3A_23 = arith.constant 0 : i32
    %dma_start3A_24 = tpu.memref_slice %arg9[%add3A_13, %dma_start3A_21, %dma_start3A_22, %dma_start3A_23] : memref<12x4x8x128xf32, #tpu.memory_space<vmem>> -> memref<1x4x8x128xf32, #tpu.memory_space<vmem>>
    %dma_start3A_25 = tpu.memref_squeeze %dma_start3A_24 : memref<1x4x8x128xf32, #tpu.memory_space<vmem>> -> memref<4x8x128xf32, #tpu.memory_space<vmem>>
    %dma_start3A_26 = arith.constant 0 : i32
    %dma_start3A_27 = arith.constant 0 : i32
    %dma_start3A_28 = tpu.memref_slice %arg2[%dma_start3A_26, %dma_start3A_27, %multiple_of3A] : memref<4x8x1000000xf32, #tpu.memory_space<hbm>> -> memref<4x8x128xf32, #tpu.memory_space<hbm>>
    tpu.enqueue_dma source(%dma_start3A_28 : memref<4x8x128xf32, #tpu.memory_space<hbm>>) target(%dma_start3A_25 : memref<4x8x128xf32, #tpu.memory_space<vmem>>) target_semaphore(%arg12 : memref<!tpu.dma_semaphore, #tpu.memory_space<semaphore_mem>>)
    %slice3A_29 = vector.extract_strided_slice %get3A_9 {offsets = [0], sizes = [1], strides = [1]} : vector<16xi32> to vector<1xi32>
    %squeeze3A_30 = vector.extract %slice3A_29[0] : i32 from vector<1xi32>
    %shift_right_arithmetic3A_31 = arith.constant 7 : i32
    %shift_right_arithmetic3A_32 = arith.shrsi %squeeze3A_30, %shift_right_arithmetic3A_31 : i32
    %shift_left3A_33 = arith.constant 7 : i32
    %shift_left3A_34 = arith.shli %shift_right_arithmetic3A_32, %shift_left3A_33 : i32
    %multiple_of3A_35 = tpu.assume_multiple %shift_left3A_34, 128 : i32
    %add3A_36 = arith.constant 0 : i32
    %add3A_37 = arith.addi %mul3A_6, %add3A_36 : i32
    %dma_start3A_38 = arith.constant 0 : i32
    %dma_start3A_39 = arith.constant 0 : i32
    %dma_start3A_40 = arith.constant 0 : i32
    %dma_start3A_41 = tpu.memref_slice %arg10[%add3A_37, %dma_start3A_38, %dma_start3A_39, %dma_start3A_40] : memref<12x4x8x128xf32, #tpu.memory_space<vmem>> -> memref<1x4x8x128xf32, #tpu.memory_space<vmem>>
    %dma_start3A_42 = tpu.memref_squeeze %dma_start3A_41 : memref<1x4x8x128xf32, #tpu.memory_space<vmem>> -> memref<4x8x128xf32, #tpu.memory_space<vmem>>
    %dma_start3A_43 = arith.constant 0 : i32
    %dma_start3A_44 = arith.constant 0 : i32
    %dma_start3A_45 = tpu.memref_slice %arg3[%dma_start3A_43, %dma_start3A_44, %multiple_of3A_35] : memref<4x8x1000000xf32, #tpu.memory_space<hbm>> -> memref<4x8x128xf32, #tpu.memory_space<hbm>>
    %dma_start3A_46 = arith.constant 0 : i32
    %dma_start3A_47 = arith.constant 0 : i32
    %dma_start3A_48 = arith.constant 0 : i32
    %dma_start3A_49 = tpu.memref_slice %arg10[%add3A_37, %dma_start3A_46, %dma_start3A_47, %dma_start3A_48] : memref<12x4x8x128xf32, #tpu.memory_space<vmem>> -> memref<1x4x8x128xf32, #tpu.memory_space<vmem>>
    %dma_start3A_50 = tpu.memref_squeeze %dma_start3A_49 : memref<1x4x8x128xf32, #tpu.memory_space<vmem>> -> memref<4x8x128xf32, #tpu.memory_space<vmem>>
    %dma_start3A_51 = arith.constant 0 : i32
    %dma_start3A_52 = arith.constant 0 : i32
    %dma_start3A_53 = tpu.memref_slice %arg3[%dma_start3A_51, %dma_start3A_52, %multiple_of3A_35] : memref<4x8x1000000xf32, #tpu.memory_space<hbm>> -> memref<4x8x128xf32, #tpu.memory_space<hbm>>
    tpu.enqueue_dma source(%dma_start3A_53 : memref<4x8x128xf32, #tpu.memory_space<hbm>>) target(%dma_start3A_50 : memref<4x8x128xf32, #tpu.memory_space<vmem>>) target_semaphore(%arg13 : memref<!tpu.dma_semaphore, #tpu.memory_space<semaphore_mem>>)
    %slice3A_54 = vector.extract_strided_slice %get3A_7 {offsets = [1], sizes = [1], strides = [1]} : vector<16xi32> to vector<1xi32>
    %squeeze3A_55 = vector.extract %slice3A_54[0] : i32 from vector<1xi32>
    %shift_right_arithmetic3A_56 = arith.constant 7 : i32
    %shift_right_arithmetic3A_57 = arith.shrsi %squeeze3A_55, %shift_right_arithmetic3A_56 : i32
    %shift_left3A_58 = arith.constant 7 : i32
    %shift_left3A_59 = arith.shli %shift_right_arithmetic3A_57, %shift_left3A_58 : i32
    %multiple_of3A_60 = tpu.assume_multiple %shift_left3A_59, 128 : i32
    %add3A_61 = arith.constant 1 : i32
    %add3A_62 = arith.addi %mul3A_6, %add3A_61 : i32
    %dma_start3A_63 = arith.constant 0 : i32
    %dma_start3A_64 = arith.constant 0 : i32
    %dma_start3A_65 = arith.constant 0 : i32
    %dma_start3A_66 = tpu.memref_slice %arg9[%add3A_62, %dma_start3A_63, %dma_start3A_64, %dma_start3A_65] : memref<12x4x8x128xf32, #tpu.memory_space<vmem>> -> memref<1x4x8x128xf32, #tpu.memory_space<vmem>>
    %dma_start3A_67 = tpu.memref_squeeze %dma_start3A_66 : memref<1x4x8x128xf32, #tpu.memory_space<vmem>> -> memref<4x8x128xf32, #tpu.memory_space<vmem>>
    %dma_start3A_68 = arith.constant 0 : i32
    %dma_start3A_69 = arith.constant 0 : i32
    %dma_start3A_70 = tpu.memref_slice %arg2[%dma_start3A_68, %dma_start3A_69, %multiple_of3A_60] : memref<4x8x1000000xf32, #tpu.memory_space<hbm>> -> memref<4x8x128xf32, #tpu.memory_space<hbm>>
    %dma_start3A_71 = arith.constant 0 : i32
    %dma_start3A_72 = arith.constant 0 : i32
    %dma_start3A_73 = arith.constant 0 : i32
    %dma_start3A_74 = tpu.memref_slice %arg9[%add3A_62, %dma_start3A_71, %dma_start3A_72, %dma_start3A_73] : memref<12x4x8x128xf32, #tpu.memory_space<vmem>> -> memref<1x4x8x128xf32, #tpu.memory_space<vmem>>
    %dma_start3A_75 = tpu.memref_squeeze %dma_start3A_74 : memref<1x4x8x128xf32, #tpu.memory_space<vmem>> -> memref<4x8x128xf32, #tpu.memory_space<vmem>>
    %dma_start3A_76 = arith.constant 0 : i32
    %dma_start3A_77 = arith.constant 0 : i32
    %dma_start3A_78 = tpu.memref_slice %arg2[%dma_start3A_76, %dma_start3A_77, %multiple_of3A_60] : memref<4x8x1000000xf32, #tpu.memory_space<hbm>> -> memref<4x8x128xf32, #tpu.memory_space<hbm>>
    tpu.enqueue_dma source(%dma_start3A_78 : memref<4x8x128xf32, #tpu.memory_space<hbm>>) target(%dma_start3A_75 : memref<4x8x128xf32, #tpu.memory_space<vmem>>) target_semaphore(%arg12 : memref<!tpu.dma_semaphore, #tpu.memory_space<semaphore_mem>>)
    %slice3A_79 = vector.extract_strided_slice %get3A_9 {offsets = [1], sizes = [1], strides = [1]} : vector<16xi32> to vector<1xi32>
    %squeeze3A_80 = vector.extract %slice3A_79[0] : i32 from vector<1xi32>
    %shift_right_arithmetic3A_81 = arith.constant 7 : i32
    %shift_right_arithmetic3A_82 = arith.shrsi %squeeze3A_80, %shift_right_arithmetic3A_81 : i32
    %shift_left3A_83 = arith.constant 7 : i32
    %shift_left3A_84 = arith.shli %shift_right_arithmetic3A_82, %shift_left3A_83 : i32
    %multiple_of3A_85 = tpu.assume_multiple %shift_left3A_84, 128 : i32
    %add3A_86 = arith.constant 1 : i32
    %add3A_87 = arith.addi %mul3A_6, %add3A_86 : i32
    %dma_start3A_88 = arith.constant 0 : i32
    %dma_start3A_89 = arith.constant 0 : i32
    %dma_start3A_90 = arith.constant 0 : i32
    %dma_start3A_91 = tpu.memref_slice %arg10[%add3A_87, %dma_start3A_88, %dma_start3A_89, %dma_start3A_90] : memref<12x4x8x128xf32, #tpu.memory_space<vmem>> -> memref<1x4x8x128xf32, #tpu.memory_space<vmem>>
    %dma_start3A_92 = tpu.memref_squeeze %dma_start3A_91 : memref<1x4x8x128xf32, #tpu.memory_space<vmem>> -> memref<4x8x128xf32, #tpu.memory_space<vmem>>
    %dma_start3A_93 = arith.constant 0 : i32
    %dma_start3A_94 = arith.constant 0 : i32
    %dma_start3A_95 = tpu.memref_slice %arg3[%dma_start3A_93, %dma_start3A_94, %multiple_of3A_85] : memref<4x8x1000000xf32, #tpu.memory_space<hbm>> -> memref<4x8x128xf32, #tpu.memory_space<hbm>>
    %dma_start3A_96 = arith.constant 0 : i32
    %dma_start3A_97 = arith.constant 0 : i32
    %dma_start3A_98 = arith.constant 0 : i32
    %dma_start3A_99 = tpu.memref_slice %arg10[%add3A_87, %dma_start3A_96, %dma_start3A_97, %dma_start3A_98] : memref<12x4x8x128xf32, #tpu.memory_space<vmem>> -> memref<1x4x8x128xf32, #tpu.memory_space<vmem>>
    %dma_start3A_100 = tpu.memref_squeeze %dma_start3A_99 : memref<1x4x8x128xf32, #tpu.memory_space<vmem>> -> memref<4x8x128xf32, #tpu.memory_space<vmem>>
    %dma_start3A_101 = arith.constant 0 : i32
    %dma_start3A_102 = arith.constant 0 : i32
    %dma_start3A_103 = tpu.memref_slice %arg3[%dma_start3A_101, %dma_start3A_102, %multiple_of3A_85] : memref<4x8x1000000xf32, #tpu.memory_space<hbm>> -> memref<4x8x128xf32, #tpu.memory_space<hbm>>
    tpu.enqueue_dma source(%dma_start3A_103 : memref<4x8x128xf32, #tpu.memory_space<hbm>>) target(%dma_start3A_100 : memref<4x8x128xf32, #tpu.memory_space<vmem>>) target_semaphore(%arg13 : memref<!tpu.dma_semaphore, #tpu.memory_space<semaphore_mem>>)
    %slice3A_104 = vector.extract_strided_slice %get3A_7 {offsets = [2], sizes = [1], strides = [1]} : vector<16xi32> to vector<1xi32>
    %squeeze3A_105 = vector.extract %slice3A_104[0] : i32 from vector<1xi32>
    %shift_right_arithmetic3A_106 = arith.constant 7 : i32
    %shift_right_arithmetic3A_107 = arith.shrsi %squeeze3A_105, %shift_right_arithmetic3A_106 : i32
    %shift_left3A_108 = arith.constant 7 : i32
    %shift_left3A_109 = arith.shli %shift_right_arithmetic3A_107, %shift_left3A_108 : i32
    %multiple_of3A_110 = tpu.assume_multiple %shift_left3A_109, 128 : i32
    %add3A_111 = arith.constant 2 : i32
    %add3A_112 = arith.addi %mul3A_6, %add3A_111 : i32
    %dma_start3A_113 = arith.constant 0 : i32
    %dma_start3A_114 = arith.constant 0 : i32
    %dma_start3A_115 = arith.constant 0 : i32
    %dma_start3A_116 = tpu.memref_slice %arg9[%add3A_112, %dma_start3A_113, %dma_start3A_114, %dma_start3A_115] : memref<12x4x8x128xf32, #tpu.memory_space<vmem>> -> memref<1x4x8x128xf32, #tpu.memory_space<vmem>>
    %dma_start3A_117 = tpu.memref_squeeze %dma_start3A_116 : memref<1x4x8x128xf32, #tpu.memory_space<vmem>> -> memref<4x8x128xf32, #tpu.memory_space<vmem>>
    %dma_start3A_118 = arith.constant 0 : i32
    %dma_start3A_119 = arith.constant 0 : i32
    %dma_start3A_120 = tpu.memref_slice %arg2[%dma_start3A_118, %dma_start3A_119, %multiple_of3A_110] : memref<4x8x1000000xf32, #tpu.memory_space<hbm>> -> memref<4x8x128xf32, #tpu.memory_space<hbm>>
    %dma_start3A_121 = arith.constant 0 : i32
    %dma_start3A_122 = arith.constant 0 : i32
    %dma_start3A_123 = arith.constant 0 : i32
    %dma_start3A_124 = tpu.memref_slice %arg9[%add3A_112, %dma_start3A_121, %dma_start3A_122, %dma_start3A_123] : memref<12x4x8x128xf32, #tpu.memory_space<vmem>> -> memref<1x4x8x128xf32, #tpu.memory_space<vmem>>
    %dma_start3A_125 = tpu.memref_squeeze %dma_start3A_124 : memref<1x4x8x128xf32, #tpu.memory_space<vmem>> -> memref<4x8x128xf32, #tpu.memory_space<vmem>>
    %dma_start3A_126 = arith.constant 0 : i32
    %dma_start3A_127 = arith.constant 0 : i32
    %dma_start3A_128 = tpu.memref_slice %arg2[%dma_start3A_126, %dma_start3A_127, %multiple_of3A_110] : memref<4x8x1000000xf32, #tpu.memory_space<hbm>> -> memref<4x8x128xf32, #tpu.memory_space<hbm>>
    tpu.enqueue_dma source(%dma_start3A_128 : memref<4x8x128xf32, #tpu.memory_space<hbm>>) target(%dma_start3A_125 : memref<4x8x128xf32, #tpu.memory_space<vmem>>) target_semaphore(%arg12 : memref<!tpu.dma_semaphore, #tpu.memory_space<semaphore_mem>>)
    %slice3A_129 = vector.extract_strided_slice %get3A_9 {offsets = [2], sizes = [1], strides = [1]} : vector<16xi32> to vector<1xi32>
    %squeeze3A_130 = vector.extract %slice3A_129[0] : i32 from vector<1xi32>
    %shift_right_arithmetic3A_131 = arith.constant 7 : i32
    %shift_right_arithmetic3A_132 = arith.shrsi %squeeze3A_130, %shift_right_arithmetic3A_131 : i32
    %shift_left3A_133 = arith.constant 7 : i32
    %shift_left3A_134 = arith.shli %shift_right_arithmetic3A_132, %shift_left3A_133 : i32
    %multiple_of3A_135 = tpu.assume_multiple %shift_left3A_134, 128 : i32
    %add3A_136 = arith.constant 2 : i32
    %add3A_137 = arith.addi %mul3A_6, %add3A_136 : i32
    %dma_start3A_138 = arith.constant 0 : i32
    %dma_start3A_139 = arith.constant 0 : i32
    %dma_start3A_140 = arith.constant 0 : i32
    %dma_start3A_141 = tpu.memref_slice %arg10[%add3A_137, %dma_start3A_138, %dma_start3A_139, %dma_start3A_140] : memref<12x4x8x128xf32, #tpu.memory_space<vmem>> -> memref<1x4x8x128xf32, #tpu.memory_space<vmem>>
    %dma_start3A_142 = tpu.memref_squeeze %dma_start3A_141 : memref<1x4x8x128xf32, #tpu.memory_space<vmem>> -> memref<4x8x128xf32, #tpu.memory_space<vmem>>
    %dma_start3A_143 = arith.constant 0 : i32
    %dma_start3A_144 = arith.constant 0 : i32
    %dma_start3A_145 = tpu.memref_slice %arg3[%dma_start3A_143, %dma_start3A_144, %multiple_of3A_135] : memref<4x8x1000000xf32, #tpu.memory_space<hbm>> -> memref<4x8x128xf32, #tpu.memory_space<hbm>>
    %dma_start3A_146 = arith.constant 0 : i32
    %dma_start3A_147 = arith.constant 0 : i32
    %dma_start3A_148 = arith.constant 0 : i32
    %dma_start3A_149 = tpu.memref_slice %arg10[%add3A_137, %dma_start3A_146, %dma_start3A_147, %dma_start3A_148] : memref<12x4x8x128xf32, #tpu.memory_space<vmem>> -> memref<1x4x8x128xf32, #tpu.memory_space<vmem>>
    %dma_start3A_150 = tpu.memref_squeeze %dma_start3A_149 : memref<1x4x8x128xf32, #tpu.memory_space<vmem>> -> memref<4x8x128xf32, #tpu.memory_space<vmem>>
    %dma_start3A_151 = arith.constant 0 : i32
    %dma_start3A_152 = arith.constant 0 : i32
    %dma_start3A_153 = tpu.memref_slice %arg3[%dma_start3A_151, %dma_start3A_152, %multiple_of3A_135] : memref<4x8x1000000xf32, #tpu.memory_space<hbm>> -> memref<4x8x128xf32, #tpu.memory_space<hbm>>
    tpu.enqueue_dma source(%dma_start3A_153 : memref<4x8x128xf32, #tpu.memory_space<hbm>>) target(%dma_start3A_150 : memref<4x8x128xf32, #tpu.memory_space<vmem>>) target_semaphore(%arg13 : memref<!tpu.dma_semaphore, #tpu.memory_space<semaphore_mem>>)
    %slice3A_154 = vector.extract_strided_slice %get3A_7 {offsets = [3], sizes = [1], strides = [1]} : vector<16xi32> to vector<1xi32>
    %squeeze3A_155 = vector.extract %slice3A_154[0] : i32 from vector<1xi32>
    %shift_right_arithmetic3A_156 = arith.constant 7 : i32
    %shift_right_arithmetic3A_157 = arith.shrsi %squeeze3A_155, %shift_right_arithmetic3A_156 : i32
    %shift_left3A_158 = arith.constant 7 : i32
    %shift_left3A_159 = arith.shli %shift_right_arithmetic3A_157, %shift_left3A_158 : i32
    %multiple_of3A_160 = tpu.assume_multiple %shift_left3A_159, 128 : i32
    %add3A_161 = arith.constant 3 : i32
    %add3A_162 = arith.addi %mul3A_6, %add3A_161 : i32
    %dma_start3A_163 = arith.constant 0 : i32
    %dma_start3A_164 = arith.constant 0 : i32
    %dma_start3A_165 = arith.constant 0 : i32
    %dma_start3A_166 = tpu.memref_slice %arg9[%add3A_162, %dma_start3A_163, %dma_start3A_164, %dma_start3A_165] : memref<12x4x8x128xf32, #tpu.memory_space<vmem>> -> memref<1x4x8x128xf32, #tpu.memory_space<vmem>>
    %dma_start3A_167 = tpu.memref_squeeze %dma_start3A_166 : memref<1x4x8x128xf32, #tpu.memory_space<vmem>> -> memref<4x8x128xf32, #tpu.memory_space<vmem>>
    %dma_start3A_168 = arith.constant 0 : i32
    %dma_start3A_169 = arith.constant 0 : i32
    %dma_start3A_170 = tpu.memref_slice %arg2[%dma_start3A_168, %dma_start3A_169, %multiple_of3A_160] : memref<4x8x1000000xf32, #tpu.memory_space<hbm>> -> memref<4x8x128xf32, #tpu.memory_space<hbm>>
    %dma_start3A_171 = arith.constant 0 : i32
    %dma_start3A_172 = arith.constant 0 : i32
    %dma_start3A_173 = arith.constant 0 : i32
    %dma_start3A_174 = tpu.memref_slice %arg9[%add3A_162, %dma_start3A_171, %dma_start3A_172, %dma_start3A_173] : memref<12x4x8x128xf32, #tpu.memory_space<vmem>> -> memref<1x4x8x128xf32, #tpu.memory_space<vmem>>
    %dma_start3A_175 = tpu.memref_squeeze %dma_start3A_174 : memref<1x4x8x128xf32, #tpu.memory_space<vmem>> -> memref<4x8x128xf32, #tpu.memory_space<vmem>>
    %dma_start3A_176 = arith.constant 0 : i32
    %dma_start3A_177 = arith.constant 0 : i32
    %dma_start3A_178 = tpu.memref_slice %arg2[%dma_start3A_176, %dma_start3A_177, %multiple_of3A_160] : memref<4x8x1000000xf32, #tpu.memory_space<hbm>> -> memref<4x8x128xf32, #tpu.memory_space<hbm>>
    tpu.enqueue_dma source(%dma_start3A_178 : memref<4x8x128xf32, #tpu.memory_space<hbm>>) target(%dma_start3A_175 : memref<4x8x128xf32, #tpu.memory_space<vmem>>) target_semaphore(%arg12 : memref<!tpu.dma_semaphore, #tpu.memory_space<semaphore_mem>>)
    %slice3A_179 = vector.extract_strided_slice %get3A_9 {offsets = [3], sizes = [1], strides = [1]} : vector<16xi32> to vector<1xi32>
    %squeeze3A_180 = vector.extract %slice3A_179[0] : i32 from vector<1xi32>
    %shift_right_arithmetic3A_181 = arith.constant 7 : i32
    %shift_right_arithmetic3A_182 = arith.shrsi %squeeze3A_180, %shift_right_arithmetic3A_181 : i32
    %shift_left3A_183 = arith.constant 7 : i32
    %shift_left3A_184 = arith.shli %shift_right_arithmetic3A_182, %shift_left3A_183 : i32
    %multiple_of3A_185 = tpu.assume_multiple %shift_left3A_184, 128 : i32
    %add3A_186 = arith.constant 3 : i32
    %add3A_187 = arith.addi %mul3A_6, %add3A_186 : i32
    %dma_start3A_188 = arith.constant 0 : i32
    %dma_start3A_189 = arith.constant 0 : i32
    %dma_start3A_190 = arith.constant 0 : i32
    %dma_start3A_191 = tpu.memref_slice %arg10[%add3A_187, %dma_start3A_188, %dma_start3A_189, %dma_start3A_190] : memref<12x4x8x128xf32, #tpu.memory_space<vmem>> -> memref<1x4x8x128xf32, #tpu.memory_space<vmem>>
    %dma_start3A_192 = tpu.memref_squeeze %dma_start3A_191 : memref<1x4x8x128xf32, #tpu.memory_space<vmem>> -> memref<4x8x128xf32, #tpu.memory_space<vmem>>
    %dma_start3A_193 = arith.constant 0 : i32
    %dma_start3A_194 = arith.constant 0 : i32
    %dma_start3A_195 = tpu.memref_slice %arg3[%dma_start3A_193, %dma_start3A_194, %multiple_of3A_185] : memref<4x8x1000000xf32, #tpu.memory_space<hbm>> -> memref<4x8x128xf32, #tpu.memory_space<hbm>>
    %dma_start3A_196 = arith.constant 0 : i32
    %dma_start3A_197 = arith.constant 0 : i32
    %dma_start3A_198 = arith.constant 0 : i32
    %dma_start3A_199 = tpu.memref_slice %arg10[%add3A_187, %dma_start3A_196, %dma_start3A_197, %dma_start3A_198] : memref<12x4x8x128xf32, #tpu.memory_space<vmem>> -> memref<1x4x8x128xf32, #tpu.memory_space<vmem>>
    %dma_start3A_200 = tpu.memref_squeeze %dma_start3A_199 : memref<1x4x8x128xf32, #tpu.memory_space<vmem>> -> memref<4x8x128xf32, #tpu.memory_space<vmem>>
    %dma_start3A_201 = arith.constant 0 : i32
    %dma_start3A_202 = arith.constant 0 : i32
    %dma_start3A_203 = tpu.memref_slice %arg3[%dma_start3A_201, %dma_start3A_202, %multiple_of3A_185] : memref<4x8x1000000xf32, #tpu.memory_space<hbm>> -> memref<4x8x128xf32, #tpu.memory_space<hbm>>
    tpu.enqueue_dma source(%dma_start3A_203 : memref<4x8x128xf32, #tpu.memory_space<hbm>>) target(%dma_start3A_200 : memref<4x8x128xf32, #tpu.memory_space<vmem>>) target_semaphore(%arg13 : memref<!tpu.dma_semaphore, #tpu.memory_space<semaphore_mem>>)
    %rem3A_204 = arith.constant 1 : i32
    %rem3A_205 = arith.constant 3 : i32
    %rem3A_206 = arith.remsi %rem3A_204, %rem3A_205 : i32
    %mul3A_207 = arith.constant 4 : i32
    %mul3A_208 = arith.muli %rem3A_206, %mul3A_207 : i32
    %get3A_209 = arith.constant 4 : index
    %get3A_210 = tpu.vector_load %arg7[%get3A_209] {strides = array<i32>} : memref<528xi32, #tpu.memory_space<vmem>>, vector<16xi32>,
    %get3A_211 = arith.constant 4 : index
    %get3A_212 = tpu.vector_load %arg8[%get3A_211] {strides = array<i32>} : memref<528xi32, #tpu.memory_space<vmem>>, vector<16xi32>,
    %slice3A_213 = vector.extract_strided_slice %get3A_210 {offsets = [0], sizes = [1], strides = [1]} : vector<16xi32> to vector<1xi32>
    %squeeze3A_214 = vector.extract %slice3A_213[0] : i32 from vector<1xi32>
    %shift_right_arithmetic3A_215 = arith.constant 7 : i32
    %shift_right_arithmetic3A_216 = arith.shrsi %squeeze3A_214, %shift_right_arithmetic3A_215 : i32
    %shift_left3A_217 = arith.constant 7 : i32
    %shift_left3A_218 = arith.shli %shift_right_arithmetic3A_216, %shift_left3A_217 : i32
    %multiple_of3A_219 = tpu.assume_multiple %shift_left3A_218, 128 : i32
    %add3A_220 = arith.constant 0 : i32
    %add3A_221 = arith.addi %mul3A_208, %add3A_220 : i32
    %dma_start3A_222 = arith.constant 0 : i32
    %dma_start3A_223 = arith.constant 0 : i32
    %dma_start3A_224 = arith.constant 0 : i32
    %dma_start3A_225 = tpu.memref_slice %arg9[%add3A_221, %dma_start3A_222, %dma_start3A_223, %dma_start3A_224] : memref<12x4x8x128xf32, #tpu.memory_space<vmem>> -> memref<1x4x8x128xf32, #tpu.memory_space<vmem>>
    %dma_start3A_226 = tpu.memref_squeeze %dma_start3A_225 : memref<1x4x8x128xf32, #tpu.memory_space<vmem>> -> memref<4x8x128xf32, #tpu.memory_space<vmem>>
    %dma_start3A_227 = arith.constant 0 : i32
    %dma_start3A_228 = arith.constant 0 : i32
    %dma_start3A_229 = tpu.memref_slice %arg2[%dma_start3A_227, %dma_start3A_228, %multiple_of3A_219] : memref<4x8x1000000xf32, #tpu.memory_space<hbm>> -> memref<4x8x128xf32, #tpu.memory_space<hbm>>
    %dma_start3A_230 = arith.constant 0 : i32
    %dma_start3A_231 = arith.constant 0 : i32
    %dma_start3A_232 = arith.constant 0 : i32
    %dma_start3A_233 = tpu.memref_slice %arg9[%add3A_221, %dma_start3A_230, %dma_start3A_231, %dma_start3A_232] : memref<12x4x8x128xf32, #tpu.memory_space<vmem>> -> memref<1x4x8x128xf32, #tpu.memory_space<vmem>>
    %dma_start3A_234 = tpu.memref_squeeze %dma_start3A_233 : memref<1x4x8x128xf32, #tpu.memory_space<vmem>> -> memref<4x8x128xf32, #tpu.memory_space<vmem>>
    %dma_start3A_235 = arith.constant 0 : i32
    %dma_start3A_236 = arith.constant 0 : i32
    %dma_start3A_237 = tpu.memref_slice %arg2[%dma_start3A_235, %dma_start3A_236, %multiple_of3A_219] : memref<4x8x1000000xf32, #tpu.memory_space<hbm>> -> memref<4x8x128xf32, #tpu.memory_space<hbm>>
    tpu.enqueue_dma source(%dma_start3A_237 : memref<4x8x128xf32, #tpu.memory_space<hbm>>) target(%dma_start3A_234 : memref<4x8x128xf32, #tpu.memory_space<vmem>>) target_semaphore(%arg12 : memref<!tpu.dma_semaphore, #tpu.memory_space<semaphore_mem>>)
    %slice3A_238 = vector.extract_strided_slice %get3A_212 {offsets = [0], sizes = [1], strides = [1]} : vector<16xi32> to vector<1xi32>
    %squeeze3A_239 = vector.extract %slice3A_238[0] : i32 from vector<1xi32>
    %shift_right_arithmetic3A_240 = arith.constant 7 : i32
    %shift_right_arithmetic3A_241 = arith.shrsi %squeeze3A_239, %shift_right_arithmetic3A_240 : i32
    %shift_left3A_242 = arith.constant 7 : i32
    %shift_left3A_243 = arith.shli %shift_right_arithmetic3A_241, %shift_left3A_242 : i32
    %multiple_of3A_244 = tpu.assume_multiple %shift_left3A_243, 128 : i32
    %add3A_245 = arith.constant 0 : i32
    %add3A_246 = arith.addi %mul3A_208, %add3A_245 : i32
    %dma_start3A_247 = arith.constant 0 : i32
    %dma_start3A_248 = arith.constant 0 : i32
    %dma_start3A_249 = arith.constant 0 : i32
    %dma_start3A_250 = tpu.memref_slice %arg10[%add3A_246, %dma_start3A_247, %dma_start3A_248, %dma_start3A_249] : memref<12x4x8x128xf32, #tpu.memory_space<vmem>> -> memref<1x4x8x128xf32, #tpu.memory_space<vmem>>
    %dma_start3A_251 = tpu.memref_squeeze %dma_start3A_250 : memref<1x4x8x128xf32, #tpu.memory_space<vmem>> -> memref<4x8x128xf32, #tpu.memory_space<vmem>>
    %dma_start3A_252 = arith.constant 0 : i32
    %dma_start3A_253 = arith.constant 0 : i32
    %dma_start3A_254 = tpu.memref_slice %arg3[%dma_start3A_252, %dma_start3A_253, %multiple_of3A_244] : memref<4x8x1000000xf32, #tpu.memory_space<hbm>> -> memref<4x8x128xf32, #tpu.memory_space<hbm>>
    %dma_start3A_255 = arith.constant 0 : i32
    %dma_start3A_256 = arith.constant 0 : i32
    %dma_start3A_257 = arith.constant 0 : i32
    %dma_start3A_258 = tpu.memref_slice %arg10[%add3A_246, %dma_start3A_255, %dma_start3A_256, %dma_start3A_257] : memref<12x4x8x128xf32, #tpu.memory_space<vmem>> -> memref<1x4x8x128xf32, #tpu.memory_space<vmem>>
    %dma_start3A_259 = tpu.memref_squeeze %dma_start3A_258 : memref<1x4x8x128xf32, #tpu.memory_space<vmem>> -> memref<4x8x128xf32, #tpu.memory_space<vmem>>
    %dma_start3A_260 = arith.constant 0 : i32
    %dma_start3A_261 = arith.constant 0 : i32
    %dma_start3A_262 = tpu.memref_slice %arg3[%dma_start3A_260, %dma_start3A_261, %multiple_of3A_244] : memref<4x8x1000000xf32, #tpu.memory_space<hbm>> -> memref<4x8x128xf32, #tpu.memory_space<hbm>>
    tpu.enqueue_dma source(%dma_start3A_262 : memref<4x8x128xf32, #tpu.memory_space<hbm>>) target(%dma_start3A_259 : memref<4x8x128xf32, #tpu.memory_space<vmem>>) target_semaphore(%arg13 : memref<!tpu.dma_semaphore, #tpu.memory_space<semaphore_mem>>)
    %slice3A_263 = vector.extract_strided_slice %get3A_210 {offsets = [1], sizes = [1], strides = [1]} : vector<16xi32> to vector<1xi32>
    %squeeze3A_264 = vector.extract %slice3A_263[0] : i32 from vector<1xi32>
    %shift_right_arithmetic3A_265 = arith.constant 7 : i32
    %shift_right_arithmetic3A_266 = arith.shrsi %squeeze3A_264, %shift_right_arithmetic3A_265 : i32
    %shift_left3A_267 = arith.constant 7 : i32
    %shift_left3A_268 = arith.shli %shift_right_arithmetic3A_266, %shift_left3A_267 : i32
    %multiple_of3A_269 = tpu.assume_multiple %shift_left3A_268, 128 : i32
    %add3A_270 = arith.constant 1 : i32
    %add3A_271 = arith.addi %mul3A_208, %add3A_270 : i32
    %dma_start3A_272 = arith.constant 0 : i32
    %dma_start3A_273 = arith.constant 0 : i32
    %dma_start3A_274 = arith.constant 0 : i32
    %dma_start3A_275 = tpu.memref_slice %arg9[%add3A_271, %dma_start3A_272, %dma_start3A_273, %dma_start3A_274] : memref<12x4x8x128xf32, #tpu.memory_space<vmem>> -> memref<1x4x8x128xf32, #tpu.memory_space<vmem>>
    %dma_start3A_276 = tpu.memref_squeeze %dma_start3A_275 : memref<1x4x8x128xf32, #tpu.memory_space<vmem>> -> memref<4x8x128xf32, #tpu.memory_space<vmem>>
    %dma_start3A_277 = arith.constant 0 : i32
    %dma_start3A_278 = arith.constant 0 : i32
    %dma_start3A_279 = tpu.memref_slice %arg2[%dma_start3A_277, %dma_start3A_278, %multiple_of3A_269] : memref<4x8x1000000xf32, #tpu.memory_space<hbm>> -> memref<4x8x128xf32, #tpu.memory_space<hbm>>
    %dma_start3A_280 = arith.constant 0 : i32
    %dma_start3A_281 = arith.constant 0 : i32
    %dma_start3A_282 = arith.constant 0 : i32
    %dma_start3A_283 = tpu.memref_slice %arg9[%add3A_271, %dma_start3A_280, %dma_start3A_281, %dma_start3A_282] : memref<12x4x8x128xf32, #tpu.memory_space<vmem>> -> memref<1x4x8x128xf32, #tpu.memory_space<vmem>>
    %dma_start3A_284 = tpu.memref_squeeze %dma_start3A_283 : memref<1x4x8x128xf32, #tpu.memory_space<vmem>> -> memref<4x8x128xf32, #tpu.memory_space<vmem>>
    %dma_start3A_285 = arith.constant 0 : i32
    %dma_start3A_286 = arith.constant 0 : i32
    %dma_start3A_287 = tpu.memref_slice %arg2[%dma_start3A_285, %dma_start3A_286, %multiple_of3A_269] : memref<4x8x1000000xf32, #tpu.memory_space<hbm>> -> memref<4x8x128xf32, #tpu.memory_space<hbm>>
    tpu.enqueue_dma source(%dma_start3A_287 : memref<4x8x128xf32, #tpu.memory_space<hbm>>) target(%dma_start3A_284 : memref<4x8x128xf32, #tpu.memory_space<vmem>>) target_semaphore(%arg12 : memref<!tpu.dma_semaphore, #tpu.memory_space<semaphore_mem>>)
    %slice3A_288 = vector.extract_strided_slice %get3A_212 {offsets = [1], sizes = [1], strides = [1]} : vector<16xi32> to vector<1xi32>
    %squeeze3A_289 = vector.extract %slice3A_288[0] : i32 from vector<1xi32>
    %shift_right_arithmetic3A_290 = arith.constant 7 : i32
    %shift_right_arithmetic3A_291 = arith.shrsi %squeeze3A_289, %shift_right_arithmetic3A_290 : i32
    %shift_left3A_292 = arith.constant 7 : i32
    %shift_left3A_293 = arith.shli %shift_right_arithmetic3A_291, %shift_left3A_292 : i32
    %multiple_of3A_294 = tpu.assume_multiple %shift_left3A_293, 128 : i32
    %add3A_295 = arith.constant 1 : i32
    %add3A_296 = arith.addi %mul3A_208, %add3A_295 : i32
    %dma_start3A_297 = arith.constant 0 : i32
    %dma_start3A_298 = arith.constant 0 : i32
    %dma_start3A_299 = arith.constant 0 : i32
    %dma_start3A_300 = tpu.memref_slice %arg10[%add3A_296, %dma_start3A_297, %dma_start3A_298, %dma_start3A_299] : memref<12x4x8x128xf32, #tpu.memory_space<vmem>> -> memref<1x4x8x128xf32, #tpu.memory_space<vmem>>
    %dma_start3A_301 = tpu.memref_squeeze %dma_start3A_300 : memref<1x4x8x128xf32, #tpu.memory_space<vmem>> -> memref<4x8x128xf32, #tpu.memory_space<vmem>>
    %dma_start3A_302 = arith.constant 0 : i32
    %dma_start3A_303 = arith.constant 0 : i32
    %dma_start3A_304 = tpu.memref_slice %arg3[%dma_start3A_302, %dma_start3A_303, %multiple_of3A_294] : memref<4x8x1000000xf32, #tpu.memory_space<hbm>> -> memref<4x8x128xf32, #tpu.memory_space<hbm>>
    %dma_start3A_305 = arith.constant 0 : i32
    %dma_start3A_306 = arith.constant 0 : i32
    %dma_start3A_307 = arith.constant 0 : i32
    %dma_start3A_308 = tpu.memref_slice %arg10[%add3A_296, %dma_start3A_305, %dma_start3A_306, %dma_start3A_307] : memref<12x4x8x128xf32, #tpu.memory_space<vmem>> -> memref<1x4x8x128xf32, #tpu.memory_space<vmem>>
    %dma_start3A_309 = tpu.memref_squeeze %dma_start3A_308 : memref<1x4x8x128xf32, #tpu.memory_space<vmem>> -> memref<4x8x128xf32, #tpu.memory_space<vmem>>
    %dma_start3A_310 = arith.constant 0 : i32
    %dma_start3A_311 = arith.constant 0 : i32
    %dma_start3A_312 = tpu.memref_slice %arg3[%dma_start3A_310, %dma_start3A_311, %multiple_of3A_294] : memref<4x8x1000000xf32, #tpu.memory_space<hbm>> -> memref<4x8x128xf32, #tpu.memory_space<hbm>>
    tpu.enqueue_dma source(%dma_start3A_312 : memref<4x8x128xf32, #tpu.memory_space<hbm>>) target(%dma_start3A_309 : memref<4x8x128xf32, #tpu.memory_space<vmem>>) target_semaphore(%arg13 : memref<!tpu.dma_semaphore, #tpu.memory_space<semaphore_mem>>)
    %slice3A_313 = vector.extract_strided_slice %get3A_210 {offsets = [2], sizes = [1], strides = [1]} : vector<16xi32> to vector<1xi32>
    %squeeze3A_314 = vector.extract %slice3A_313[0] : i32 from vector<1xi32>
    %shift_right_arithmetic3A_315 = arith.constant 7 : i32
    %shift_right_arithmetic3A_316 = arith.shrsi %squeeze3A_314, %shift_right_arithmetic3A_315 : i32
    %shift_left3A_317 = arith.constant 7 : i32
    %shift_left3A_318 = arith.shli %shift_right_arithmetic3A_316, %shift_left3A_317 : i32
    %multiple_of3A_319 = tpu.assume_multiple %shift_left3A_318, 128 : i32
    %add3A_320 = arith.constant 2 : i32
    %add3A_321 = arith.addi %mul3A_208, %add3A_320 : i32
    %dma_start3A_322 = arith.constant 0 : i32
    %dma_start3A_323 = arith.constant 0 : i32
    %dma_start3A_324 = arith.constant 0 : i32
    %dma_start3A_325 = tpu.memref_slice %arg9[%add3A_321, %dma_start3A_322, %dma_start3A_323, %dma_start3A_324] : memref<12x4x8x128xf32, #tpu.memory_space<vmem>> -> memref<1x4x8x128xf32, #tpu.memory_space<vmem>>
    %dma_start3A_326 = tpu.memref_squeeze %dma_start3A_325 : memref<1x4x8x128xf32, #tpu.memory_space<vmem>> -> memref<4x8x128xf32, #tpu.memory_space<vmem>>
    %dma_start3A_327 = arith.constant 0 : i32
    %dma_start3A_328 = arith.constant 0 : i32
    %dma_start3A_329 = tpu.memref_slice %arg2[%dma_start3A_327, %dma_start3A_328, %multiple_of3A_319] : memref<4x8x1000000xf32, #tpu.memory_space<hbm>> -> memref<4x8x128xf32, #tpu.memory_space<hbm>>
    %dma_start3A_330 = arith.constant 0 : i32
    %dma_start3A_331 = arith.constant 0 : i32
    %dma_start3A_332 = arith.constant 0 : i32
    %dma_start3A_333 = tpu.memref_slice %arg9[%add3A_321, %dma_start3A_330, %dma_start3A_331, %dma_start3A_332] : memref<12x4x8x128xf32, #tpu.memory_space<vmem>> -> memref<1x4x8x128xf32, #tpu.memory_space<vmem>>
    %dma_start3A_334 = tpu.memref_squeeze %dma_start3A_333 : memref<1x4x8x128xf32, #tpu.memory_space<vmem>> -> memref<4x8x128xf32, #tpu.memory_space<vmem>>
    %dma_start3A_335 = arith.constant 0 : i32
    %dma_start3A_336 = arith.constant 0 : i32
    %dma_start3A_337 = tpu.memref_slice %arg2[%dma_start3A_335, %dma_start3A_336, %multiple_of3A_319] : memref<4x8x1000000xf32, #tpu.memory_space<hbm>> -> memref<4x8x128xf32, #tpu.memory_space<hbm>>
    tpu.enqueue_dma source(%dma_start3A_337 : memref<4x8x128xf32, #tpu.memory_space<hbm>>) target(%dma_start3A_334 : memref<4x8x128xf32, #tpu.memory_space<vmem>>) target_semaphore(%arg12 : memref<!tpu.dma_semaphore, #tpu.memory_space<semaphore_mem>>)
    %slice3A_338 = vector.extract_strided_slice %get3A_212 {offsets = [2], sizes = [1], strides = [1]} : vector<16xi32> to vector<1xi32>
    %squeeze3A_339 = vector.extract %slice3A_338[0] : i32 from vector<1xi32>
    %shift_right_arithmetic3A_340 = arith.constant 7 : i32
    %shift_right_arithmetic3A_341 = arith.shrsi %squeeze3A_339, %shift_right_arithmetic3A_340 : i32
    %shift_left3A_342 = arith.constant 7 : i32
    %shift_left3A_343 = arith.shli %shift_right_arithmetic3A_341, %shift_left3A_342 : i32
    %multiple_of3A_344 = tpu.assume_multiple %shift_left3A_343, 128 : i32
    %add3A_345 = arith.constant 2 : i32
    %add3A_346 = arith.addi %mul3A_208, %add3A_345 : i32
    %dma_start3A_347 = arith.constant 0 : i32
    %dma_start3A_348 = arith.constant 0 : i32
    %dma_start3A_349 = arith.constant 0 : i32
    %dma_start3A_350 = tpu.memref_slice %arg10[%add3A_346, %dma_start3A_347, %dma_start3A_348, %dma_start3A_349] : memref<12x4x8x128xf32, #tpu.memory_space<vmem>> -> memref<1x4x8x128xf32, #tpu.memory_space<vmem>>
    %dma_start3A_351 = tpu.memref_squeeze %dma_start3A_350 : memref<1x4x8x128xf32, #tpu.memory_space<vmem>> -> memref<4x8x128xf32, #tpu.memory_space<vmem>>
    %dma_start3A_352 = arith.constant 0 : i32
    %dma_start3A_353 = arith.constant 0 : i32
    %dma_start3A_354 = tpu.memref_slice %arg3[%dma_start3A_352, %dma_start3A_353, %multiple_of3A_344] : memref<4x8x1000000xf32, #tpu.memory_space<hbm>> -> memref<4x8x128xf32, #tpu.memory_space<hbm>>
    %dma_start3A_355 = arith.constant 0 : i32
    %dma_start3A_356 = arith.constant 0 : i32
    %dma_start3A_357 = arith.constant 0 : i32
    %dma_start3A_358 = tpu.memref_slice %arg10[%add3A_346, %dma_start3A_355, %dma_start3A_356, %dma_start3A_357] : memref<12x4x8x128xf32, #tpu.memory_space<vmem>> -> memref<1x4x8x128xf32, #tpu.memory_space<vmem>>
    %dma_start3A_359 = tpu.memref_squeeze %dma_start3A_358 : memref<1x4x8x128xf32, #tpu.memory_space<vmem>> -> memref<4x8x128xf32, #tpu.memory_space<vmem>>
    %dma_start3A_360 = arith.constant 0 : i32
    %dma_start3A_361 = arith.constant 0 : i32
    %dma_start3A_362 = tpu.memref_slice %arg3[%dma_start3A_360, %dma_start3A_361, %multiple_of3A_344] : memref<4x8x1000000xf32, #tpu.memory_space<hbm>> -> memref<4x8x128xf32, #tpu.memory_space<hbm>>
    tpu.enqueue_dma source(%dma_start3A_362 : memref<4x8x128xf32, #tpu.memory_space<hbm>>) target(%dma_start3A_359 : memref<4x8x128xf32, #tpu.memory_space<vmem>>) target_semaphore(%arg13 : memref<!tpu.dma_semaphore, #tpu.memory_space<semaphore_mem>>)
    %slice3A_363 = vector.extract_strided_slice %get3A_210 {offsets = [3], sizes = [1], strides = [1]} : vector<16xi32> to vector<1xi32>
    %squeeze3A_364 = vector.extract %slice3A_363[0] : i32 from vector<1xi32>
    %shift_right_arithmetic3A_365 = arith.constant 7 : i32
    %shift_right_arithmetic3A_366 = arith.shrsi %squeeze3A_364, %shift_right_arithmetic3A_365 : i32
    %shift_left3A_367 = arith.constant 7 : i32
    %shift_left3A_368 = arith.shli %shift_right_arithmetic3A_366, %shift_left3A_367 : i32
    %multiple_of3A_369 = tpu.assume_multiple %shift_left3A_368, 128 : i32
    %add3A_370 = arith.constant 3 : i32
    %add3A_371 = arith.addi %mul3A_208, %add3A_370 : i32
    %dma_start3A_372 = arith.constant 0 : i32
    %dma_start3A_373 = arith.constant 0 : i32
    %dma_start3A_374 = arith.constant 0 : i32
    %dma_start3A_375 = tpu.memref_slice %arg9[%add3A_371, %dma_start3A_372, %dma_start3A_373, %dma_start3A_374] : memref<12x4x8x128xf32, #tpu.memory_space<vmem>> -> memref<1x4x8x128xf32, #tpu.memory_space<vmem>>
    %dma_start3A_376 = tpu.memref_squeeze %dma_start3A_375 : memref<1x4x8x128xf32, #tpu.memory_space<vmem>> -> memref<4x8x128xf32, #tpu.memory_space<vmem>>
    %dma_start3A_377 = arith.constant 0 : i32
    %dma_start3A_378 = arith.constant 0 : i32
    %dma_start3A_379 = tpu.memref_slice %arg2[%dma_start3A_377, %dma_start3A_378, %multiple_of3A_369] : memref<4x8x1000000xf32, #tpu.memory_space<hbm>> -> memref<4x8x128xf32, #tpu.memory_space<hbm>>
    %dma_start3A_380 = arith.constant 0 : i32
    %dma_start3A_381 = arith.constant 0 : i32
    %dma_start3A_382 = arith.constant 0 : i32
    %dma_start3A_383 = tpu.memref_slice %arg9[%add3A_371, %dma_start3A_380, %dma_start3A_381, %dma_start3A_382] : memref<12x4x8x128xf32, #tpu.memory_space<vmem>> -> memref<1x4x8x128xf32, #tpu.memory_space<vmem>>
    %dma_start3A_384 = tpu.memref_squeeze %dma_start3A_383 : memref<1x4x8x128xf32, #tpu.memory_space<vmem>> -> memref<4x8x128xf32, #tpu.memory_space<vmem>>
    %dma_start3A_385 = arith.constant 0 : i32
    %dma_start3A_386 = arith.constant 0 : i32
    %dma_start3A_387 = tpu.memref_slice %arg2[%dma_start3A_385, %dma_start3A_386, %multiple_of3A_369] : memref<4x8x1000000xf32, #tpu.memory_space<hbm>> -> memref<4x8x128xf32, #tpu.memory_space<hbm>>
    tpu.enqueue_dma source(%dma_start3A_387 : memref<4x8x128xf32, #tpu.memory_space<hbm>>) target(%dma_start3A_384 : memref<4x8x128xf32, #tpu.memory_space<vmem>>) target_semaphore(%arg12 : memref<!tpu.dma_semaphore, #tpu.memory_space<semaphore_mem>>)
    %slice3A_388 = vector.extract_strided_slice %get3A_212 {offsets = [3], sizes = [1], strides = [1]} : vector<16xi32> to vector<1xi32>
    %squeeze3A_389 = vector.extract %slice3A_388[0] : i32 from vector<1xi32>
    %shift_right_arithmetic3A_390 = arith.constant 7 : i32
    %shift_right_arithmetic3A_391 = arith.shrsi %squeeze3A_389, %shift_right_arithmetic3A_390 : i32
    %shift_left3A_392 = arith.constant 7 : i32
    %shift_left3A_393 = arith.shli %shift_right_arithmetic3A_391, %shift_left3A_392 : i32
    %multiple_of3A_394 = tpu.assume_multiple %shift_left3A_393, 128 : i32
    %add3A_395 = arith.constant 3 : i32
    %add3A_396 = arith.addi %mul3A_208, %add3A_395 : i32
    %dma_start3A_397 = arith.constant 0 : i32
    %dma_start3A_398 = arith.constant 0 : i32
    %dma_start3A_399 = arith.constant 0 : i32
    %dma_start3A_400 = tpu.memref_slice %arg10[%add3A_396, %dma_start3A_397, %dma_start3A_398, %dma_start3A_399] : memref<12x4x8x128xf32, #tpu.memory_space<vmem>> -> memref<1x4x8x128xf32, #tpu.memory_space<vmem>>
    %dma_start3A_401 = tpu.memref_squeeze %dma_start3A_400 : memref<1x4x8x128xf32, #tpu.memory_space<vmem>> -> memref<4x8x128xf32, #tpu.memory_space<vmem>>
    %dma_start3A_402 = arith.constant 0 : i32
    %dma_start3A_403 = arith.constant 0 : i32
    %dma_start3A_404 = tpu.memref_slice %arg3[%dma_start3A_402, %dma_start3A_403, %multiple_of3A_394] : memref<4x8x1000000xf32, #tpu.memory_space<hbm>> -> memref<4x8x128xf32, #tpu.memory_space<hbm>>
    %dma_start3A_405 = arith.constant 0 : i32
    %dma_start3A_406 = arith.constant 0 : i32
    %dma_start3A_407 = arith.constant 0 : i32
    %dma_start3A_408 = tpu.memref_slice %arg10[%add3A_396, %dma_start3A_405, %dma_start3A_406, %dma_start3A_407] : memref<12x4x8x128xf32, #tpu.memory_space<vmem>> -> memref<1x4x8x128xf32, #tpu.memory_space<vmem>>
    %dma_start3A_409 = tpu.memref_squeeze %dma_start3A_408 : memref<1x4x8x128xf32, #tpu.memory_space<vmem>> -> memref<4x8x128xf32, #tpu.memory_space<vmem>>
    %dma_start3A_410 = arith.constant 0 : i32
    %dma_start3A_411 = arith.constant 0 : i32
    %dma_start3A_412 = tpu.memref_slice %arg3[%dma_start3A_410, %dma_start3A_411, %multiple_of3A_394] : memref<4x8x1000000xf32, #tpu.memory_space<hbm>> -> memref<4x8x128xf32, #tpu.memory_space<hbm>>
    tpu.enqueue_dma source(%dma_start3A_412 : memref<4x8x128xf32, #tpu.memory_space<hbm>>) target(%dma_start3A_409 : memref<4x8x128xf32, #tpu.memory_space<vmem>>) target_semaphore(%arg13 : memref<!tpu.dma_semaphore, #tpu.memory_space<semaphore_mem>>)
    %scan3A = arith.constant 0 : i32
    %scan3A_413 = arith.constant 0 : i32
    %scan3A_414 = arith.constant 126 : i32
    %scan3A_415 = arith.addi %scan3A_413, %scan3A_414 : i32
    %scan3A_416 = arith.constant 1 : i32
    scf.for %scan3A_1299 = %scan3A_413 to %scan3A_415 step %scan3A_416  : i32 {
      %add3A_1300 = arith.constant 2 : i32
      %add3A_1301 = arith.addi %scan3A_1299, %add3A_1300 : i32
      %add3A_1302 = arith.constant 2 : i32
      %add3A_1303 = arith.addi %scan3A_1299, %add3A_1302 : i32
      %rem3A_1304 = arith.constant 3 : i32
      %rem3A_1305 = arith.remsi %add3A_1303, %rem3A_1304 : i32
      %mul3A_1306 = arith.constant 4 : i32
      %mul3A_1307 = arith.muli %rem3A_1305, %mul3A_1306 : i32
      %mul3A_1308 = arith.constant 4 : i32
      %mul3A_1309 = arith.muli %add3A_1301, %mul3A_1308 : i32
      %get3A_1310 = arith.index_cast %mul3A_1309 : i32 to index
      %get3A_1311 = tpu.vector_load %arg7[%get3A_1310] {strides = array<i32>} : memref<528xi32, #tpu.memory_space<vmem>>, vector<16xi32>,
      %get3A_1312 = arith.index_cast %mul3A_1309 : i32 to index
      %get3A_1313 = tpu.vector_load %arg8[%get3A_1312] {strides = array<i32>} : memref<528xi32, #tpu.memory_space<vmem>>, vector<16xi32>,
      %slice3A_1314 = vector.extract_strided_slice %get3A_1311 {offsets = [0], sizes = [1], strides = [1]} : vector<16xi32> to vector<1xi32>
      %squeeze3A_1315 = vector.extract %slice3A_1314[0] : i32 from vector<1xi32>
      %shift_right_arithmetic3A_1316 = arith.constant 7 : i32
      %shift_right_arithmetic3A_1317 = arith.shrsi %squeeze3A_1315, %shift_right_arithmetic3A_1316 : i32
      %shift_left3A_1318 = arith.constant 7 : i32
      %shift_left3A_1319 = arith.shli %shift_right_arithmetic3A_1317, %shift_left3A_1318 : i32
      %multiple_of3A_1320 = tpu.assume_multiple %shift_left3A_1319, 128 : i32
      %add3A_1321 = arith.constant 0 : i32
      %add3A_1322 = arith.addi %mul3A_1307, %add3A_1321 : i32
      %dma_start3A_1323 = arith.constant 0 : i32
      %dma_start3A_1324 = arith.constant 0 : i32
      %dma_start3A_1325 = arith.constant 0 : i32
      %dma_start3A_1326 = tpu.memref_slice %arg9[%add3A_1322, %dma_start3A_1323, %dma_start3A_1324, %dma_start3A_1325] : memref<12x4x8x128xf32, #tpu.memory_space<vmem>> -> memref<1x4x8x128xf32, #tpu.memory_space<vmem>>
      %dma_start3A_1327 = tpu.memref_squeeze %dma_start3A_1326 : memref<1x4x8x128xf32, #tpu.memory_space<vmem>> -> memref<4x8x128xf32, #tpu.memory_space<vmem>>
      %dma_start3A_1328 = arith.constant 0 : i32
      %dma_start3A_1329 = arith.constant 0 : i32
      %dma_start3A_1330 = tpu.memref_slice %arg2[%dma_start3A_1328, %dma_start3A_1329, %multiple_of3A_1320] : memref<4x8x1000000xf32, #tpu.memory_space<hbm>> -> memref<4x8x128xf32, #tpu.memory_space<hbm>>
      %dma_start3A_1331 = arith.constant 0 : i32
      %dma_start3A_1332 = arith.constant 0 : i32
      %dma_start3A_1333 = arith.constant 0 : i32
      %dma_start3A_1334 = tpu.memref_slice %arg9[%add3A_1322, %dma_start3A_1331, %dma_start3A_1332, %dma_start3A_1333] : memref<12x4x8x128xf32, #tpu.memory_space<vmem>> -> memref<1x4x8x128xf32, #tpu.memory_space<vmem>>
      %dma_start3A_1335 = tpu.memref_squeeze %dma_start3A_1334 : memref<1x4x8x128xf32, #tpu.memory_space<vmem>> -> memref<4x8x128xf32, #tpu.memory_space<vmem>>
      %dma_start3A_1336 = arith.constant 0 : i32
      %dma_start3A_1337 = arith.constant 0 : i32
      %dma_start3A_1338 = tpu.memref_slice %arg2[%dma_start3A_1336, %dma_start3A_1337, %multiple_of3A_1320] : memref<4x8x1000000xf32, #tpu.memory_space<hbm>> -> memref<4x8x128xf32, #tpu.memory_space<hbm>>
      tpu.enqueue_dma source(%dma_start3A_1338 : memref<4x8x128xf32, #tpu.memory_space<hbm>>) target(%dma_start3A_1335 : memref<4x8x128xf32, #tpu.memory_space<vmem>>) target_semaphore(%arg12 : memref<!tpu.dma_semaphore, #tpu.memory_space<semaphore_mem>>)
      %slice3A_1339 = vector.extract_strided_slice %get3A_1313 {offsets = [0], sizes = [1], strides = [1]} : vector<16xi32> to vector<1xi32>
      %squeeze3A_1340 = vector.extract %slice3A_1339[0] : i32 from vector<1xi32>
      %shift_right_arithmetic3A_1341 = arith.constant 7 : i32
      %shift_right_arithmetic3A_1342 = arith.shrsi %squeeze3A_1340, %shift_right_arithmetic3A_1341 : i32
      %shift_left3A_1343 = arith.constant 7 : i32
      %shift_left3A_1344 = arith.shli %shift_right_arithmetic3A_1342, %shift_left3A_1343 : i32
      %multiple_of3A_1345 = tpu.assume_multiple %shift_left3A_1344, 128 : i32
      %add3A_1346 = arith.constant 0 : i32
      %add3A_1347 = arith.addi %mul3A_1307, %add3A_1346 : i32
      %dma_start3A_1348 = arith.constant 0 : i32
      %dma_start3A_1349 = arith.constant 0 : i32
      %dma_start3A_1350 = arith.constant 0 : i32
      %dma_start3A_1351 = tpu.memref_slice %arg10[%add3A_1347, %dma_start3A_1348, %dma_start3A_1349, %dma_start3A_1350] : memref<12x4x8x128xf32, #tpu.memory_space<vmem>> -> memref<1x4x8x128xf32, #tpu.memory_space<vmem>>
      %dma_start3A_1352 = tpu.memref_squeeze %dma_start3A_1351 : memref<1x4x8x128xf32, #tpu.memory_space<vmem>> -> memref<4x8x128xf32, #tpu.memory_space<vmem>>
      %dma_start3A_1353 = arith.constant 0 : i32
      %dma_start3A_1354 = arith.constant 0 : i32
      %dma_start3A_1355 = tpu.memref_slice %arg3[%dma_start3A_1353, %dma_start3A_1354, %multiple_of3A_1345] : memref<4x8x1000000xf32, #tpu.memory_space<hbm>> -> memref<4x8x128xf32, #tpu.memory_space<hbm>>
      %dma_start3A_1356 = arith.constant 0 : i32
      %dma_start3A_1357 = arith.constant 0 : i32
      %dma_start3A_1358 = arith.constant 0 : i32
      %dma_start3A_1359 = tpu.memref_slice %arg10[%add3A_1347, %dma_start3A_1356, %dma_start3A_1357, %dma_start3A_1358] : memref<12x4x8x128xf32, #tpu.memory_space<vmem>> -> memref<1x4x8x128xf32, #tpu.memory_space<vmem>>
      %dma_start3A_1360 = tpu.memref_squeeze %dma_start3A_1359 : memref<1x4x8x128xf32, #tpu.memory_space<vmem>> -> memref<4x8x128xf32, #tpu.memory_space<vmem>>
      %dma_start3A_1361 = arith.constant 0 : i32
      %dma_start3A_1362 = arith.constant 0 : i32
      %dma_start3A_1363 = tpu.memref_slice %arg3[%dma_start3A_1361, %dma_start3A_1362, %multiple_of3A_1345] : memref<4x8x1000000xf32, #tpu.memory_space<hbm>> -> memref<4x8x128xf32, #tpu.memory_space<hbm>>
      tpu.enqueue_dma source(%dma_start3A_1363 : memref<4x8x128xf32, #tpu.memory_space<hbm>>) target(%dma_start3A_1360 : memref<4x8x128xf32, #tpu.memory_space<vmem>>) target_semaphore(%arg13 : memref<!tpu.dma_semaphore, #tpu.memory_space<semaphore_mem>>)
      %slice3A_1364 = vector.extract_strided_slice %get3A_1311 {offsets = [1], sizes = [1], strides = [1]} : vector<16xi32> to vector<1xi32>
      %squeeze3A_1365 = vector.extract %slice3A_1364[0] : i32 from vector<1xi32>
      %shift_right_arithmetic3A_1366 = arith.constant 7 : i32
      %shift_right_arithmetic3A_1367 = arith.shrsi %squeeze3A_1365, %shift_right_arithmetic3A_1366 : i32
      %shift_left3A_1368 = arith.constant 7 : i32
      %shift_left3A_1369 = arith.shli %shift_right_arithmetic3A_1367, %shift_left3A_1368 : i32
      %multiple_of3A_1370 = tpu.assume_multiple %shift_left3A_1369, 128 : i32
      %add3A_1371 = arith.constant 1 : i32
      %add3A_1372 = arith.addi %mul3A_1307, %add3A_1371 : i32
      %dma_start3A_1373 = arith.constant 0 : i32
      %dma_start3A_1374 = arith.constant 0 : i32
      %dma_start3A_1375 = arith.constant 0 : i32
      %dma_start3A_1376 = tpu.memref_slice %arg9[%add3A_1372, %dma_start3A_1373, %dma_start3A_1374, %dma_start3A_1375] : memref<12x4x8x128xf32, #tpu.memory_space<vmem>> -> memref<1x4x8x128xf32, #tpu.memory_space<vmem>>
      %dma_start3A_1377 = tpu.memref_squeeze %dma_start3A_1376 : memref<1x4x8x128xf32, #tpu.memory_space<vmem>> -> memref<4x8x128xf32, #tpu.memory_space<vmem>>
      %dma_start3A_1378 = arith.constant 0 : i32
      %dma_start3A_1379 = arith.constant 0 : i32
      %dma_start3A_1380 = tpu.memref_slice %arg2[%dma_start3A_1378, %dma_start3A_1379, %multiple_of3A_1370] : memref<4x8x1000000xf32, #tpu.memory_space<hbm>> -> memref<4x8x128xf32, #tpu.memory_space<hbm>>
      %dma_start3A_1381 = arith.constant 0 : i32
      %dma_start3A_1382 = arith.constant 0 : i32
      %dma_start3A_1383 = arith.constant 0 : i32
      %dma_start3A_1384 = tpu.memref_slice %arg9[%add3A_1372, %dma_start3A_1381, %dma_start3A_1382, %dma_start3A_1383] : memref<12x4x8x128xf32, #tpu.memory_space<vmem>> -> memref<1x4x8x128xf32, #tpu.memory_space<vmem>>
      %dma_start3A_1385 = tpu.memref_squeeze %dma_start3A_1384 : memref<1x4x8x128xf32, #tpu.memory_space<vmem>> -> memref<4x8x128xf32, #tpu.memory_space<vmem>>
      %dma_start3A_1386 = arith.constant 0 : i32
      %dma_start3A_1387 = arith.constant 0 : i32
      %dma_start3A_1388 = tpu.memref_slice %arg2[%dma_start3A_1386, %dma_start3A_1387, %multiple_of3A_1370] : memref<4x8x1000000xf32, #tpu.memory_space<hbm>> -> memref<4x8x128xf32, #tpu.memory_space<hbm>>
      tpu.enqueue_dma source(%dma_start3A_1388 : memref<4x8x128xf32, #tpu.memory_space<hbm>>) target(%dma_start3A_1385 : memref<4x8x128xf32, #tpu.memory_space<vmem>>) target_semaphore(%arg12 : memref<!tpu.dma_semaphore, #tpu.memory_space<semaphore_mem>>)
      %slice3A_1389 = vector.extract_strided_slice %get3A_1313 {offsets = [1], sizes = [1], strides = [1]} : vector<16xi32> to vector<1xi32>
      %squeeze3A_1390 = vector.extract %slice3A_1389[0] : i32 from vector<1xi32>
      %shift_right_arithmetic3A_1391 = arith.constant 7 : i32
      %shift_right_arithmetic3A_1392 = arith.shrsi %squeeze3A_1390, %shift_right_arithmetic3A_1391 : i32
      %shift_left3A_1393 = arith.constant 7 : i32
      %shift_left3A_1394 = arith.shli %shift_right_arithmetic3A_1392, %shift_left3A_1393 : i32
      %multiple_of3A_1395 = tpu.assume_multiple %shift_left3A_1394, 128 : i32
      %add3A_1396 = arith.constant 1 : i32
      %add3A_1397 = arith.addi %mul3A_1307, %add3A_1396 : i32
      %dma_start3A_1398 = arith.constant 0 : i32
      %dma_start3A_1399 = arith.constant 0 : i32
      %dma_start3A_1400 = arith.constant 0 : i32
      %dma_start3A_1401 = tpu.memref_slice %arg10[%add3A_1397, %dma_start3A_1398, %dma_start3A_1399, %dma_start3A_1400] : memref<12x4x8x128xf32, #tpu.memory_space<vmem>> -> memref<1x4x8x128xf32, #tpu.memory_space<vmem>>
      %dma_start3A_1402 = tpu.memref_squeeze %dma_start3A_1401 : memref<1x4x8x128xf32, #tpu.memory_space<vmem>> -> memref<4x8x128xf32, #tpu.memory_space<vmem>>
      %dma_start3A_1403 = arith.constant 0 : i32
      %dma_start3A_1404 = arith.constant 0 : i32
      %dma_start3A_1405 = tpu.memref_slice %arg3[%dma_start3A_1403, %dma_start3A_1404, %multiple_of3A_1395] : memref<4x8x1000000xf32, #tpu.memory_space<hbm>> -> memref<4x8x128xf32, #tpu.memory_space<hbm>>
      %dma_start3A_1406 = arith.constant 0 : i32
      %dma_start3A_1407 = arith.constant 0 : i32
      %dma_start3A_1408 = arith.constant 0 : i32
      %dma_start3A_1409 = tpu.memref_slice %arg10[%add3A_1397, %dma_start3A_1406, %dma_start3A_1407, %dma_start3A_1408] : memref<12x4x8x128xf32, #tpu.memory_space<vmem>> -> memref<1x4x8x128xf32, #tpu.memory_space<vmem>>
      %dma_start3A_1410 = tpu.memref_squeeze %dma_start3A_1409 : memref<1x4x8x128xf32, #tpu.memory_space<vmem>> -> memref<4x8x128xf32, #tpu.memory_space<vmem>>
      %dma_start3A_1411 = arith.constant 0 : i32
      %dma_start3A_1412 = arith.constant 0 : i32
      %dma_start3A_1413 = tpu.memref_slice %arg3[%dma_start3A_1411, %dma_start3A_1412, %multiple_of3A_1395] : memref<4x8x1000000xf32, #tpu.memory_space<hbm>> -> memref<4x8x128xf32, #tpu.memory_space<hbm>>
      tpu.enqueue_dma source(%dma_start3A_1413 : memref<4x8x128xf32, #tpu.memory_space<hbm>>) target(%dma_start3A_1410 : memref<4x8x128xf32, #tpu.memory_space<vmem>>) target_semaphore(%arg13 : memref<!tpu.dma_semaphore, #tpu.memory_space<semaphore_mem>>)
      %slice3A_1414 = vector.extract_strided_slice %get3A_1311 {offsets = [2], sizes = [1], strides = [1]} : vector<16xi32> to vector<1xi32>
      %squeeze3A_1415 = vector.extract %slice3A_1414[0] : i32 from vector<1xi32>
      %shift_right_arithmetic3A_1416 = arith.constant 7 : i32
      %shift_right_arithmetic3A_1417 = arith.shrsi %squeeze3A_1415, %shift_right_arithmetic3A_1416 : i32
      %shift_left3A_1418 = arith.constant 7 : i32
      %shift_left3A_1419 = arith.shli %shift_right_arithmetic3A_1417, %shift_left3A_1418 : i32
      %multiple_of3A_1420 = tpu.assume_multiple %shift_left3A_1419, 128 : i32
      %add3A_1421 = arith.constant 2 : i32
      %add3A_1422 = arith.addi %mul3A_1307, %add3A_1421 : i32
      %dma_start3A_1423 = arith.constant 0 : i32
      %dma_start3A_1424 = arith.constant 0 : i32
      %dma_start3A_1425 = arith.constant 0 : i32
      %dma_start3A_1426 = tpu.memref_slice %arg9[%add3A_1422, %dma_start3A_1423, %dma_start3A_1424, %dma_start3A_1425] : memref<12x4x8x128xf32, #tpu.memory_space<vmem>> -> memref<1x4x8x128xf32, #tpu.memory_space<vmem>>
      %dma_start3A_1427 = tpu.memref_squeeze %dma_start3A_1426 : memref<1x4x8x128xf32, #tpu.memory_space<vmem>> -> memref<4x8x128xf32, #tpu.memory_space<vmem>>
      %dma_start3A_1428 = arith.constant 0 : i32
      %dma_start3A_1429 = arith.constant 0 : i32
      %dma_start3A_1430 = tpu.memref_slice %arg2[%dma_start3A_1428, %dma_start3A_1429, %multiple_of3A_1420] : memref<4x8x1000000xf32, #tpu.memory_space<hbm>> -> memref<4x8x128xf32, #tpu.memory_space<hbm>>
      %dma_start3A_1431 = arith.constant 0 : i32
      %dma_start3A_1432 = arith.constant 0 : i32
      %dma_start3A_1433 = arith.constant 0 : i32
      %dma_start3A_1434 = tpu.memref_slice %arg9[%add3A_1422, %dma_start3A_1431, %dma_start3A_1432, %dma_start3A_1433] : memref<12x4x8x128xf32, #tpu.memory_space<vmem>> -> memref<1x4x8x128xf32, #tpu.memory_space<vmem>>
      %dma_start3A_1435 = tpu.memref_squeeze %dma_start3A_1434 : memref<1x4x8x128xf32, #tpu.memory_space<vmem>> -> memref<4x8x128xf32, #tpu.memory_space<vmem>>
      %dma_start3A_1436 = arith.constant 0 : i32
      %dma_start3A_1437 = arith.constant 0 : i32
      %dma_start3A_1438 = tpu.memref_slice %arg2[%dma_start3A_1436, %dma_start3A_1437, %multiple_of3A_1420] : memref<4x8x1000000xf32, #tpu.memory_space<hbm>> -> memref<4x8x128xf32, #tpu.memory_space<hbm>>
      tpu.enqueue_dma source(%dma_start3A_1438 : memref<4x8x128xf32, #tpu.memory_space<hbm>>) target(%dma_start3A_1435 : memref<4x8x128xf32, #tpu.memory_space<vmem>>) target_semaphore(%arg12 : memref<!tpu.dma_semaphore, #tpu.memory_space<semaphore_mem>>)
      %slice3A_1439 = vector.extract_strided_slice %get3A_1313 {offsets = [2], sizes = [1], strides = [1]} : vector<16xi32> to vector<1xi32>
      %squeeze3A_1440 = vector.extract %slice3A_1439[0] : i32 from vector<1xi32>
      %shift_right_arithmetic3A_1441 = arith.constant 7 : i32
      %shift_right_arithmetic3A_1442 = arith.shrsi %squeeze3A_1440, %shift_right_arithmetic3A_1441 : i32
      %shift_left3A_1443 = arith.constant 7 : i32
      %shift_left3A_1444 = arith.shli %shift_right_arithmetic3A_1442, %shift_left3A_1443 : i32
      %multiple_of3A_1445 = tpu.assume_multiple %shift_left3A_1444, 128 : i32
      %add3A_1446 = arith.constant 2 : i32
      %add3A_1447 = arith.addi %mul3A_1307, %add3A_1446 : i32
      %dma_start3A_1448 = arith.constant 0 : i32
      %dma_start3A_1449 = arith.constant 0 : i32
      %dma_start3A_1450 = arith.constant 0 : i32
      %dma_start3A_1451 = tpu.memref_slice %arg10[%add3A_1447, %dma_start3A_1448, %dma_start3A_1449, %dma_start3A_1450] : memref<12x4x8x128xf32, #tpu.memory_space<vmem>> -> memref<1x4x8x128xf32, #tpu.memory_space<vmem>>
      %dma_start3A_1452 = tpu.memref_squeeze %dma_start3A_1451 : memref<1x4x8x128xf32, #tpu.memory_space<vmem>> -> memref<4x8x128xf32, #tpu.memory_space<vmem>>
      %dma_start3A_1453 = arith.constant 0 : i32
      %dma_start3A_1454 = arith.constant 0 : i32
      %dma_start3A_1455 = tpu.memref_slice %arg3[%dma_start3A_1453, %dma_start3A_1454, %multiple_of3A_1445] : memref<4x8x1000000xf32, #tpu.memory_space<hbm>> -> memref<4x8x128xf32, #tpu.memory_space<hbm>>
      %dma_start3A_1456 = arith.constant 0 : i32
      %dma_start3A_1457 = arith.constant 0 : i32
      %dma_start3A_1458 = arith.constant 0 : i32
      %dma_start3A_1459 = tpu.memref_slice %arg10[%add3A_1447, %dma_start3A_1456, %dma_start3A_1457, %dma_start3A_1458] : memref<12x4x8x128xf32, #tpu.memory_space<vmem>> -> memref<1x4x8x128xf32, #tpu.memory_space<vmem>>
      %dma_start3A_1460 = tpu.memref_squeeze %dma_start3A_1459 : memref<1x4x8x128xf32, #tpu.memory_space<vmem>> -> memref<4x8x128xf32, #tpu.memory_space<vmem>>
      %dma_start3A_1461 = arith.constant 0 : i32
      %dma_start3A_1462 = arith.constant 0 : i32
      %dma_start3A_1463 = tpu.memref_slice %arg3[%dma_start3A_1461, %dma_start3A_1462, %multiple_of3A_1445] : memref<4x8x1000000xf32, #tpu.memory_space<hbm>> -> memref<4x8x128xf32, #tpu.memory_space<hbm>>
      tpu.enqueue_dma source(%dma_start3A_1463 : memref<4x8x128xf32, #tpu.memory_space<hbm>>) target(%dma_start3A_1460 : memref<4x8x128xf32, #tpu.memory_space<vmem>>) target_semaphore(%arg13 : memref<!tpu.dma_semaphore, #tpu.memory_space<semaphore_mem>>)
      %slice3A_1464 = vector.extract_strided_slice %get3A_1311 {offsets = [3], sizes = [1], strides = [1]} : vector<16xi32> to vector<1xi32>
      %squeeze3A_1465 = vector.extract %slice3A_1464[0] : i32 from vector<1xi32>
      %shift_right_arithmetic3A_1466 = arith.constant 7 : i32
      %shift_right_arithmetic3A_1467 = arith.shrsi %squeeze3A_1465, %shift_right_arithmetic3A_1466 : i32
      %shift_left3A_1468 = arith.constant 7 : i32
      %shift_left3A_1469 = arith.shli %shift_right_arithmetic3A_1467, %shift_left3A_1468 : i32
      %multiple_of3A_1470 = tpu.assume_multiple %shift_left3A_1469, 128 : i32
      %add3A_1471 = arith.constant 3 : i32
      %add3A_1472 = arith.addi %mul3A_1307, %add3A_1471 : i32
      %dma_start3A_1473 = arith.constant 0 : i32
      %dma_start3A_1474 = arith.constant 0 : i32
      %dma_start3A_1475 = arith.constant 0 : i32
      %dma_start3A_1476 = tpu.memref_slice %arg9[%add3A_1472, %dma_start3A_1473, %dma_start3A_1474, %dma_start3A_1475] : memref<12x4x8x128xf32, #tpu.memory_space<vmem>> -> memref<1x4x8x128xf32, #tpu.memory_space<vmem>>
      %dma_start3A_1477 = tpu.memref_squeeze %dma_start3A_1476 : memref<1x4x8x128xf32, #tpu.memory_space<vmem>> -> memref<4x8x128xf32, #tpu.memory_space<vmem>>
      %dma_start3A_1478 = arith.constant 0 : i32
      %dma_start3A_1479 = arith.constant 0 : i32
      %dma_start3A_1480 = tpu.memref_slice %arg2[%dma_start3A_1478, %dma_start3A_1479, %multiple_of3A_1470] : memref<4x8x1000000xf32, #tpu.memory_space<hbm>> -> memref<4x8x128xf32, #tpu.memory_space<hbm>>
      %dma_start3A_1481 = arith.constant 0 : i32
      %dma_start3A_1482 = arith.constant 0 : i32
      %dma_start3A_1483 = arith.constant 0 : i32
      %dma_start3A_1484 = tpu.memref_slice %arg9[%add3A_1472, %dma_start3A_1481, %dma_start3A_1482, %dma_start3A_1483] : memref<12x4x8x128xf32, #tpu.memory_space<vmem>> -> memref<1x4x8x128xf32, #tpu.memory_space<vmem>>
      %dma_start3A_1485 = tpu.memref_squeeze %dma_start3A_1484 : memref<1x4x8x128xf32, #tpu.memory_space<vmem>> -> memref<4x8x128xf32, #tpu.memory_space<vmem>>
      %dma_start3A_1486 = arith.constant 0 : i32
      %dma_start3A_1487 = arith.constant 0 : i32
      %dma_start3A_1488 = tpu.memref_slice %arg2[%dma_start3A_1486, %dma_start3A_1487, %multiple_of3A_1470] : memref<4x8x1000000xf32, #tpu.memory_space<hbm>> -> memref<4x8x128xf32, #tpu.memory_space<hbm>>
      tpu.enqueue_dma source(%dma_start3A_1488 : memref<4x8x128xf32, #tpu.memory_space<hbm>>) target(%dma_start3A_1485 : memref<4x8x128xf32, #tpu.memory_space<vmem>>) target_semaphore(%arg12 : memref<!tpu.dma_semaphore, #tpu.memory_space<semaphore_mem>>)
      %slice3A_1489 = vector.extract_strided_slice %get3A_1313 {offsets = [3], sizes = [1], strides = [1]} : vector<16xi32> to vector<1xi32>
      %squeeze3A_1490 = vector.extract %slice3A_1489[0] : i32 from vector<1xi32>
      %shift_right_arithmetic3A_1491 = arith.constant 7 : i32
      %shift_right_arithmetic3A_1492 = arith.shrsi %squeeze3A_1490, %shift_right_arithmetic3A_1491 : i32
      %shift_left3A_1493 = arith.constant 7 : i32
      %shift_left3A_1494 = arith.shli %shift_right_arithmetic3A_1492, %shift_left3A_1493 : i32
      %multiple_of3A_1495 = tpu.assume_multiple %shift_left3A_1494, 128 : i32
      %add3A_1496 = arith.constant 3 : i32
      %add3A_1497 = arith.addi %mul3A_1307, %add3A_1496 : i32
      %dma_start3A_1498 = arith.constant 0 : i32
      %dma_start3A_1499 = arith.constant 0 : i32
      %dma_start3A_1500 = arith.constant 0 : i32
      %dma_start3A_1501 = tpu.memref_slice %arg10[%add3A_1497, %dma_start3A_1498, %dma_start3A_1499, %dma_start3A_1500] : memref<12x4x8x128xf32, #tpu.memory_space<vmem>> -> memref<1x4x8x128xf32, #tpu.memory_space<vmem>>
      %dma_start3A_1502 = tpu.memref_squeeze %dma_start3A_1501 : memref<1x4x8x128xf32, #tpu.memory_space<vmem>> -> memref<4x8x128xf32, #tpu.memory_space<vmem>>
      %dma_start3A_1503 = arith.constant 0 : i32
      %dma_start3A_1504 = arith.constant 0 : i32
      %dma_start3A_1505 = tpu.memref_slice %arg3[%dma_start3A_1503, %dma_start3A_1504, %multiple_of3A_1495] : memref<4x8x1000000xf32, #tpu.memory_space<hbm>> -> memref<4x8x128xf32, #tpu.memory_space<hbm>>
      %dma_start3A_1506 = arith.constant 0 : i32
      %dma_start3A_1507 = arith.constant 0 : i32
      %dma_start3A_1508 = arith.constant 0 : i32
      %dma_start3A_1509 = tpu.memref_slice %arg10[%add3A_1497, %dma_start3A_1506, %dma_start3A_1507, %dma_start3A_1508] : memref<12x4x8x128xf32, #tpu.memory_space<vmem>> -> memref<1x4x8x128xf32, #tpu.memory_space<vmem>>
      %dma_start3A_1510 = tpu.memref_squeeze %dma_start3A_1509 : memref<1x4x8x128xf32, #tpu.memory_space<vmem>> -> memref<4x8x128xf32, #tpu.memory_space<vmem>>
      %dma_start3A_1511 = arith.constant 0 : i32
      %dma_start3A_1512 = arith.constant 0 : i32
      %dma_start3A_1513 = tpu.memref_slice %arg3[%dma_start3A_1511, %dma_start3A_1512, %multiple_of3A_1495] : memref<4x8x1000000xf32, #tpu.memory_space<hbm>> -> memref<4x8x128xf32, #tpu.memory_space<hbm>>
      tpu.enqueue_dma source(%dma_start3A_1513 : memref<4x8x128xf32, #tpu.memory_space<hbm>>) target(%dma_start3A_1510 : memref<4x8x128xf32, #tpu.memory_space<vmem>>) target_semaphore(%arg13 : memref<!tpu.dma_semaphore, #tpu.memory_space<semaphore_mem>>)
      %dma_wait3A_1514 = arith.constant 0 : i32
      %dma_wait3A_1515 = arith.constant 0 : i32
      %dma_wait3A_1516 = arith.constant 0 : i32
      %dma_wait3A_1517 = arith.constant 0 : i32
      %dma_wait3A_1518 = tpu.memref_slice %arg9[%dma_wait3A_1514, %dma_wait3A_1515, %dma_wait3A_1516, %dma_wait3A_1517] : memref<12x4x8x128xf32, #tpu.memory_space<vmem>> -> memref<1x4x8x128xf32, #tpu.memory_space<vmem>>
      %dma_wait3A_1519 = tpu.memref_squeeze %dma_wait3A_1518 : memref<1x4x8x128xf32, #tpu.memory_space<vmem>> -> memref<4x8x128xf32, #tpu.memory_space<vmem>>
      %dma_wait3A_1520 = arith.constant 0 : i32
      %dma_wait3A_1521 = arith.constant 0 : i32
      %dma_wait3A_1522 = arith.constant 0 : i32
      %dma_wait3A_1523 = tpu.memref_slice %arg2[%dma_wait3A_1520, %dma_wait3A_1521, %dma_wait3A_1522] : memref<4x8x1000000xf32, #tpu.memory_space<hbm>> -> memref<4x8x128xf32, #tpu.memory_space<hbm>>
      %dma_wait3A_1524 = arith.constant 0 : i32
      %dma_wait3A_1525 = arith.constant 0 : i32
      %dma_wait3A_1526 = arith.constant 0 : i32
      %dma_wait3A_1527 = tpu.memref_slice %arg9[%dma_wait3A_1514, %dma_wait3A_1524, %dma_wait3A_1525, %dma_wait3A_1526] : memref<12x4x8x128xf32, #tpu.memory_space<vmem>> -> memref<1x4x8x128xf32, #tpu.memory_space<vmem>>
      %dma_wait3A_1528 = tpu.memref_squeeze %dma_wait3A_1527 : memref<1x4x8x128xf32, #tpu.memory_space<vmem>> -> memref<4x8x128xf32, #tpu.memory_space<vmem>>
      %dma_wait3A_1529 = arith.constant 0 : i32
      %dma_wait3A_1530 = arith.constant 0 : i32
      %dma_wait3A_1531 = arith.constant 0 : i32
      %dma_wait3A_1532 = tpu.memref_slice %arg2[%dma_wait3A_1529, %dma_wait3A_1530, %dma_wait3A_1531] : memref<4x8x1000000xf32, #tpu.memory_space<hbm>> -> memref<4x8x128xf32, #tpu.memory_space<hbm>>
      tpu.wait_dma2 semaphore(%arg12 : memref<!tpu.dma_semaphore, #tpu.memory_space<semaphore_mem>>) src(%dma_wait3A_1532 : memref<4x8x128xf32, #tpu.memory_space<hbm>>) dst(%dma_wait3A_1528 : memref<4x8x128xf32, #tpu.memory_space<vmem>>)
      %dma_wait3A_1533 = arith.constant 0 : i32
      %dma_wait3A_1534 = arith.constant 0 : i32
      %dma_wait3A_1535 = arith.constant 0 : i32
      %dma_wait3A_1536 = arith.constant 0 : i32
      %dma_wait3A_1537 = tpu.memref_slice %arg10[%dma_wait3A_1533, %dma_wait3A_1534, %dma_wait3A_1535, %dma_wait3A_1536] : memref<12x4x8x128xf32, #tpu.memory_space<vmem>> -> memref<1x4x8x128xf32, #tpu.memory_space<vmem>>
      %dma_wait3A_1538 = tpu.memref_squeeze %dma_wait3A_1537 : memref<1x4x8x128xf32, #tpu.memory_space<vmem>> -> memref<4x8x128xf32, #tpu.memory_space<vmem>>
      %dma_wait3A_1539 = arith.constant 0 : i32
      %dma_wait3A_1540 = arith.constant 0 : i32
      %dma_wait3A_1541 = arith.constant 0 : i32
      %dma_wait3A_1542 = tpu.memref_slice %arg3[%dma_wait3A_1539, %dma_wait3A_1540, %dma_wait3A_1541] : memref<4x8x1000000xf32, #tpu.memory_space<hbm>> -> memref<4x8x128xf32, #tpu.memory_space<hbm>>
      %dma_wait3A_1543 = arith.constant 0 : i32
      %dma_wait3A_1544 = arith.constant 0 : i32
      %dma_wait3A_1545 = arith.constant 0 : i32
      %dma_wait3A_1546 = tpu.memref_slice %arg10[%dma_wait3A_1533, %dma_wait3A_1543, %dma_wait3A_1544, %dma_wait3A_1545] : memref<12x4x8x128xf32, #tpu.memory_space<vmem>> -> memref<1x4x8x128xf32, #tpu.memory_space<vmem>>
      %dma_wait3A_1547 = tpu.memref_squeeze %dma_wait3A_1546 : memref<1x4x8x128xf32, #tpu.memory_space<vmem>> -> memref<4x8x128xf32, #tpu.memory_space<vmem>>
      %dma_wait3A_1548 = arith.constant 0 : i32
      %dma_wait3A_1549 = arith.constant 0 : i32
      %dma_wait3A_1550 = arith.constant 0 : i32
      %dma_wait3A_1551 = tpu.memref_slice %arg3[%dma_wait3A_1548, %dma_wait3A_1549, %dma_wait3A_1550] : memref<4x8x1000000xf32, #tpu.memory_space<hbm>> -> memref<4x8x128xf32, #tpu.memory_space<hbm>>
      tpu.wait_dma2 semaphore(%arg13 : memref<!tpu.dma_semaphore, #tpu.memory_space<semaphore_mem>>) src(%dma_wait3A_1551 : memref<4x8x128xf32, #tpu.memory_space<hbm>>) dst(%dma_wait3A_1547 : memref<4x8x128xf32, #tpu.memory_space<vmem>>)
      %dma_wait3A_1552 = arith.constant 1 : i32
      %dma_wait3A_1553 = arith.constant 0 : i32
      %dma_wait3A_1554 = arith.constant 0 : i32
      %dma_wait3A_1555 = arith.constant 0 : i32
      %dma_wait3A_1556 = tpu.memref_slice %arg9[%dma_wait3A_1552, %dma_wait3A_1553, %dma_wait3A_1554, %dma_wait3A_1555] : memref<12x4x8x128xf32, #tpu.memory_space<vmem>> -> memref<1x4x8x128xf32, #tpu.memory_space<vmem>>
      %dma_wait3A_1557 = tpu.memref_squeeze %dma_wait3A_1556 : memref<1x4x8x128xf32, #tpu.memory_space<vmem>> -> memref<4x8x128xf32, #tpu.memory_space<vmem>>
      %dma_wait3A_1558 = arith.constant 0 : i32
      %dma_wait3A_1559 = arith.constant 0 : i32
      %dma_wait3A_1560 = arith.constant 0 : i32
      %dma_wait3A_1561 = tpu.memref_slice %arg2[%dma_wait3A_1558, %dma_wait3A_1559, %dma_wait3A_1560] : memref<4x8x1000000xf32, #tpu.memory_space<hbm>> -> memref<4x8x128xf32, #tpu.memory_space<hbm>>
      %dma_wait3A_1562 = arith.constant 0 : i32
      %dma_wait3A_1563 = arith.constant 0 : i32
      %dma_wait3A_1564 = arith.constant 0 : i32
      %dma_wait3A_1565 = tpu.memref_slice %arg9[%dma_wait3A_1552, %dma_wait3A_1562, %dma_wait3A_1563, %dma_wait3A_1564] : memref<12x4x8x128xf32, #tpu.memory_space<vmem>> -> memref<1x4x8x128xf32, #tpu.memory_space<vmem>>
      %dma_wait3A_1566 = tpu.memref_squeeze %dma_wait3A_1565 : memref<1x4x8x128xf32, #tpu.memory_space<vmem>> -> memref<4x8x128xf32, #tpu.memory_space<vmem>>
      %dma_wait3A_1567 = arith.constant 0 : i32
      %dma_wait3A_1568 = arith.constant 0 : i32
      %dma_wait3A_1569 = arith.constant 0 : i32
      %dma_wait3A_1570 = tpu.memref_slice %arg2[%dma_wait3A_1567, %dma_wait3A_1568, %dma_wait3A_1569] : memref<4x8x1000000xf32, #tpu.memory_space<hbm>> -> memref<4x8x128xf32, #tpu.memory_space<hbm>>
      tpu.wait_dma2 semaphore(%arg12 : memref<!tpu.dma_semaphore, #tpu.memory_space<semaphore_mem>>) src(%dma_wait3A_1570 : memref<4x8x128xf32, #tpu.memory_space<hbm>>) dst(%dma_wait3A_1566 : memref<4x8x128xf32, #tpu.memory_space<vmem>>)
      %dma_wait3A_1571 = arith.constant 1 : i32
      %dma_wait3A_1572 = arith.constant 0 : i32
      %dma_wait3A_1573 = arith.constant 0 : i32
      %dma_wait3A_1574 = arith.constant 0 : i32
      %dma_wait3A_1575 = tpu.memref_slice %arg10[%dma_wait3A_1571, %dma_wait3A_1572, %dma_wait3A_1573, %dma_wait3A_1574] : memref<12x4x8x128xf32, #tpu.memory_space<vmem>> -> memref<1x4x8x128xf32, #tpu.memory_space<vmem>>
      %dma_wait3A_1576 = tpu.memref_squeeze %dma_wait3A_1575 : memref<1x4x8x128xf32, #tpu.memory_space<vmem>> -> memref<4x8x128xf32, #tpu.memory_space<vmem>>
      %dma_wait3A_1577 = arith.constant 0 : i32
      %dma_wait3A_1578 = arith.constant 0 : i32
      %dma_wait3A_1579 = arith.constant 0 : i32
      %dma_wait3A_1580 = tpu.memref_slice %arg3[%dma_wait3A_1577, %dma_wait3A_1578, %dma_wait3A_1579] : memref<4x8x1000000xf32, #tpu.memory_space<hbm>> -> memref<4x8x128xf32, #tpu.memory_space<hbm>>
      %dma_wait3A_1581 = arith.constant 0 : i32
      %dma_wait3A_1582 = arith.constant 0 : i32
      %dma_wait3A_1583 = arith.constant 0 : i32
      %dma_wait3A_1584 = tpu.memref_slice %arg10[%dma_wait3A_1571, %dma_wait3A_1581, %dma_wait3A_1582, %dma_wait3A_1583] : memref<12x4x8x128xf32, #tpu.memory_space<vmem>> -> memref<1x4x8x128xf32, #tpu.memory_space<vmem>>
      %dma_wait3A_1585 = tpu.memref_squeeze %dma_wait3A_1584 : memref<1x4x8x128xf32, #tpu.memory_space<vmem>> -> memref<4x8x128xf32, #tpu.memory_space<vmem>>
      %dma_wait3A_1586 = arith.constant 0 : i32
      %dma_wait3A_1587 = arith.constant 0 : i32
      %dma_wait3A_1588 = arith.constant 0 : i32
      %dma_wait3A_1589 = tpu.memref_slice %arg3[%dma_wait3A_1586, %dma_wait3A_1587, %dma_wait3A_1588] : memref<4x8x1000000xf32, #tpu.memory_space<hbm>> -> memref<4x8x128xf32, #tpu.memory_space<hbm>>
      tpu.wait_dma2 semaphore(%arg13 : memref<!tpu.dma_semaphore, #tpu.memory_space<semaphore_mem>>) src(%dma_wait3A_1589 : memref<4x8x128xf32, #tpu.memory_space<hbm>>) dst(%dma_wait3A_1585 : memref<4x8x128xf32, #tpu.memory_space<vmem>>)
      %dma_wait3A_1590 = arith.constant 2 : i32
      %dma_wait3A_1591 = arith.constant 0 : i32
      %dma_wait3A_1592 = arith.constant 0 : i32
      %dma_wait3A_1593 = arith.constant 0 : i32
      %dma_wait3A_1594 = tpu.memref_slice %arg9[%dma_wait3A_1590, %dma_wait3A_1591, %dma_wait3A_1592, %dma_wait3A_1593] : memref<12x4x8x128xf32, #tpu.memory_space<vmem>> -> memref<1x4x8x128xf32, #tpu.memory_space<vmem>>
      %dma_wait3A_1595 = tpu.memref_squeeze %dma_wait3A_1594 : memref<1x4x8x128xf32, #tpu.memory_space<vmem>> -> memref<4x8x128xf32, #tpu.memory_space<vmem>>
      %dma_wait3A_1596 = arith.constant 0 : i32
      %dma_wait3A_1597 = arith.constant 0 : i32
      %dma_wait3A_1598 = arith.constant 0 : i32
      %dma_wait3A_1599 = tpu.memref_slice %arg2[%dma_wait3A_1596, %dma_wait3A_1597, %dma_wait3A_1598] : memref<4x8x1000000xf32, #tpu.memory_space<hbm>> -> memref<4x8x128xf32, #tpu.memory_space<hbm>>
      %dma_wait3A_1600 = arith.constant 0 : i32
      %dma_wait3A_1601 = arith.constant 0 : i32
      %dma_wait3A_1602 = arith.constant 0 : i32
      %dma_wait3A_1603 = tpu.memref_slice %arg9[%dma_wait3A_1590, %dma_wait3A_1600, %dma_wait3A_1601, %dma_wait3A_1602] : memref<12x4x8x128xf32, #tpu.memory_space<vmem>> -> memref<1x4x8x128xf32, #tpu.memory_space<vmem>>
      %dma_wait3A_1604 = tpu.memref_squeeze %dma_wait3A_1603 : memref<1x4x8x128xf32, #tpu.memory_space<vmem>> -> memref<4x8x128xf32, #tpu.memory_space<vmem>>
      %dma_wait3A_1605 = arith.constant 0 : i32
      %dma_wait3A_1606 = arith.constant 0 : i32
      %dma_wait3A_1607 = arith.constant 0 : i32
      %dma_wait3A_1608 = tpu.memref_slice %arg2[%dma_wait3A_1605, %dma_wait3A_1606, %dma_wait3A_1607] : memref<4x8x1000000xf32, #tpu.memory_space<hbm>> -> memref<4x8x128xf32, #tpu.memory_space<hbm>>
      tpu.wait_dma2 semaphore(%arg12 : memref<!tpu.dma_semaphore, #tpu.memory_space<semaphore_mem>>) src(%dma_wait3A_1608 : memref<4x8x128xf32, #tpu.memory_space<hbm>>) dst(%dma_wait3A_1604 : memref<4x8x128xf32, #tpu.memory_space<vmem>>)
      %dma_wait3A_1609 = arith.constant 2 : i32
      %dma_wait3A_1610 = arith.constant 0 : i32
      %dma_wait3A_1611 = arith.constant 0 : i32
      %dma_wait3A_1612 = arith.constant 0 : i32
      %dma_wait3A_1613 = tpu.memref_slice %arg10[%dma_wait3A_1609, %dma_wait3A_1610, %dma_wait3A_1611, %dma_wait3A_1612] : memref<12x4x8x128xf32, #tpu.memory_space<vmem>> -> memref<1x4x8x128xf32, #tpu.memory_space<vmem>>
      %dma_wait3A_1614 = tpu.memref_squeeze %dma_wait3A_1613 : memref<1x4x8x128xf32, #tpu.memory_space<vmem>> -> memref<4x8x128xf32, #tpu.memory_space<vmem>>
      %dma_wait3A_1615 = arith.constant 0 : i32
      %dma_wait3A_1616 = arith.constant 0 : i32
      %dma_wait3A_1617 = arith.constant 0 : i32
      %dma_wait3A_1618 = tpu.memref_slice %arg3[%dma_wait3A_1615, %dma_wait3A_1616, %dma_wait3A_1617] : memref<4x8x1000000xf32, #tpu.memory_space<hbm>> -> memref<4x8x128xf32, #tpu.memory_space<hbm>>
      %dma_wait3A_1619 = arith.constant 0 : i32
      %dma_wait3A_1620 = arith.constant 0 : i32
      %dma_wait3A_1621 = arith.constant 0 : i32
      %dma_wait3A_1622 = tpu.memref_slice %arg10[%dma_wait3A_1609, %dma_wait3A_1619, %dma_wait3A_1620, %dma_wait3A_1621] : memref<12x4x8x128xf32, #tpu.memory_space<vmem>> -> memref<1x4x8x128xf32, #tpu.memory_space<vmem>>
      %dma_wait3A_1623 = tpu.memref_squeeze %dma_wait3A_1622 : memref<1x4x8x128xf32, #tpu.memory_space<vmem>> -> memref<4x8x128xf32, #tpu.memory_space<vmem>>
      %dma_wait3A_1624 = arith.constant 0 : i32
      %dma_wait3A_1625 = arith.constant 0 : i32
      %dma_wait3A_1626 = arith.constant 0 : i32
      %dma_wait3A_1627 = tpu.memref_slice %arg3[%dma_wait3A_1624, %dma_wait3A_1625, %dma_wait3A_1626] : memref<4x8x1000000xf32, #tpu.memory_space<hbm>> -> memref<4x8x128xf32, #tpu.memory_space<hbm>>
      tpu.wait_dma2 semaphore(%arg13 : memref<!tpu.dma_semaphore, #tpu.memory_space<semaphore_mem>>) src(%dma_wait3A_1627 : memref<4x8x128xf32, #tpu.memory_space<hbm>>) dst(%dma_wait3A_1623 : memref<4x8x128xf32, #tpu.memory_space<vmem>>)
      %dma_wait3A_1628 = arith.constant 3 : i32
      %dma_wait3A_1629 = arith.constant 0 : i32
      %dma_wait3A_1630 = arith.constant 0 : i32
      %dma_wait3A_1631 = arith.constant 0 : i32
      %dma_wait3A_1632 = tpu.memref_slice %arg9[%dma_wait3A_1628, %dma_wait3A_1629, %dma_wait3A_1630, %dma_wait3A_1631] : memref<12x4x8x128xf32, #tpu.memory_space<vmem>> -> memref<1x4x8x128xf32, #tpu.memory_space<vmem>>
      %dma_wait3A_1633 = tpu.memref_squeeze %dma_wait3A_1632 : memref<1x4x8x128xf32, #tpu.memory_space<vmem>> -> memref<4x8x128xf32, #tpu.memory_space<vmem>>
      %dma_wait3A_1634 = arith.constant 0 : i32
      %dma_wait3A_1635 = arith.constant 0 : i32
      %dma_wait3A_1636 = arith.constant 0 : i32
      %dma_wait3A_1637 = tpu.memref_slice %arg2[%dma_wait3A_1634, %dma_wait3A_1635, %dma_wait3A_1636] : memref<4x8x1000000xf32, #tpu.memory_space<hbm>> -> memref<4x8x128xf32, #tpu.memory_space<hbm>>
      %dma_wait3A_1638 = arith.constant 0 : i32
      %dma_wait3A_1639 = arith.constant 0 : i32
      %dma_wait3A_1640 = arith.constant 0 : i32
      %dma_wait3A_1641 = tpu.memref_slice %arg9[%dma_wait3A_1628, %dma_wait3A_1638, %dma_wait3A_1639, %dma_wait3A_1640] : memref<12x4x8x128xf32, #tpu.memory_space<vmem>> -> memref<1x4x8x128xf32, #tpu.memory_space<vmem>>
      %dma_wait3A_1642 = tpu.memref_squeeze %dma_wait3A_1641 : memref<1x4x8x128xf32, #tpu.memory_space<vmem>> -> memref<4x8x128xf32, #tpu.memory_space<vmem>>
      %dma_wait3A_1643 = arith.constant 0 : i32
      %dma_wait3A_1644 = arith.constant 0 : i32
      %dma_wait3A_1645 = arith.constant 0 : i32
      %dma_wait3A_1646 = tpu.memref_slice %arg2[%dma_wait3A_1643, %dma_wait3A_1644, %dma_wait3A_1645] : memref<4x8x1000000xf32, #tpu.memory_space<hbm>> -> memref<4x8x128xf32, #tpu.memory_space<hbm>>
      tpu.wait_dma2 semaphore(%arg12 : memref<!tpu.dma_semaphore, #tpu.memory_space<semaphore_mem>>) src(%dma_wait3A_1646 : memref<4x8x128xf32, #tpu.memory_space<hbm>>) dst(%dma_wait3A_1642 : memref<4x8x128xf32, #tpu.memory_space<vmem>>)
      %dma_wait3A_1647 = arith.constant 3 : i32
      %dma_wait3A_1648 = arith.constant 0 : i32
      %dma_wait3A_1649 = arith.constant 0 : i32
      %dma_wait3A_1650 = arith.constant 0 : i32
      %dma_wait3A_1651 = tpu.memref_slice %arg10[%dma_wait3A_1647, %dma_wait3A_1648, %dma_wait3A_1649, %dma_wait3A_1650] : memref<12x4x8x128xf32, #tpu.memory_space<vmem>> -> memref<1x4x8x128xf32, #tpu.memory_space<vmem>>
      %dma_wait3A_1652 = tpu.memref_squeeze %dma_wait3A_1651 : memref<1x4x8x128xf32, #tpu.memory_space<vmem>> -> memref<4x8x128xf32, #tpu.memory_space<vmem>>
      %dma_wait3A_1653 = arith.constant 0 : i32
      %dma_wait3A_1654 = arith.constant 0 : i32
      %dma_wait3A_1655 = arith.constant 0 : i32
      %dma_wait3A_1656 = tpu.memref_slice %arg3[%dma_wait3A_1653, %dma_wait3A_1654, %dma_wait3A_1655] : memref<4x8x1000000xf32, #tpu.memory_space<hbm>> -> memref<4x8x128xf32, #tpu.memory_space<hbm>>
      %dma_wait3A_1657 = arith.constant 0 : i32
      %dma_wait3A_1658 = arith.constant 0 : i32
      %dma_wait3A_1659 = arith.constant 0 : i32
      %dma_wait3A_1660 = tpu.memref_slice %arg10[%dma_wait3A_1647, %dma_wait3A_1657, %dma_wait3A_1658, %dma_wait3A_1659] : memref<12x4x8x128xf32, #tpu.memory_space<vmem>> -> memref<1x4x8x128xf32, #tpu.memory_space<vmem>>
      %dma_wait3A_1661 = tpu.memref_squeeze %dma_wait3A_1660 : memref<1x4x8x128xf32, #tpu.memory_space<vmem>> -> memref<4x8x128xf32, #tpu.memory_space<vmem>>
      %dma_wait3A_1662 = arith.constant 0 : i32
      %dma_wait3A_1663 = arith.constant 0 : i32
      %dma_wait3A_1664 = arith.constant 0 : i32
      %dma_wait3A_1665 = tpu.memref_slice %arg3[%dma_wait3A_1662, %dma_wait3A_1663, %dma_wait3A_1664] : memref<4x8x1000000xf32, #tpu.memory_space<hbm>> -> memref<4x8x128xf32, #tpu.memory_space<hbm>>
      tpu.wait_dma2 semaphore(%arg13 : memref<!tpu.dma_semaphore, #tpu.memory_space<semaphore_mem>>) src(%dma_wait3A_1665 : memref<4x8x128xf32, #tpu.memory_space<hbm>>) dst(%dma_wait3A_1661 : memref<4x8x128xf32, #tpu.memory_space<vmem>>)
      %rem3A_1666 = arith.constant 3 : i32
      %rem3A_1667 = arith.remsi %scan3A_1299, %rem3A_1666 : i32
      %mul3A_1668 = arith.constant 4 : i32
      %mul3A_1669 = arith.muli %rem3A_1667, %mul3A_1668 : i32
      %mul3A_1670 = arith.constant 4 : i32
      %mul3A_1671 = arith.muli %scan3A_1299, %mul3A_1670 : i32
      %get3A_1672 = arith.index_cast %mul3A_1671 : i32 to index
      %get3A_1673 = tpu.vector_load %arg7[%get3A_1672] {strides = array<i32>} : memref<528xi32, #tpu.memory_space<vmem>>, vector<16xi32>,
      %and3A_1674 = arith.constant 127 : i32
      %and3A_1675 = vector.broadcast %and3A_1674 : i32 to vector<16xi32>
      %and3A_1676 = arith.andi %get3A_1673, %and3A_1675 : vector<16xi32>
      %get3A_1677 = arith.index_cast %mul3A_1671 : i32 to index
      %get3A_1678 = tpu.vector_load %arg8[%get3A_1677] {strides = array<i32>} : memref<528xi32, #tpu.memory_space<vmem>>, vector<16xi32>,
      %and3A_1679 = arith.constant 127 : i32
      %and3A_1680 = vector.broadcast %and3A_1679 : i32 to vector<16xi32>
      %and3A_1681 = arith.andi %get3A_1678, %and3A_1680 : vector<16xi32>
      %and3A_1682 = arith.constant 3 : i32
      %and3A_1683 = vector.broadcast %and3A_1682 : i32 to vector<16xi32>
      %and3A_1684 = arith.andi %iota3A, %and3A_1683 : vector<16xi32>
      %add3A_1685 = vector.broadcast %mul3A_1669 : i32 to vector<16xi32>
      %add3A_1686 = arith.addi %add3A_1685, %and3A_1684 : vector<16xi32>
      %broadcast_in_dim3A_1687 = arith.constant 0.000000e+00 : f32
      %broadcast_in_dim3A_1688 = vector.broadcast %broadcast_in_dim3A_1687 : f32 to vector<16xf32>
      %broadcast_in_dim3A_1689 = arith.constant 0 : i32
      %broadcast_in_dim3A_1690 = vector.broadcast %broadcast_in_dim3A_1689 : i32 to vector<16xi32>
      %broadcast_in_dim3A_1691 = arith.constant 0 : i32
      %broadcast_in_dim3A_1692 = vector.broadcast %broadcast_in_dim3A_1691 : i32 to vector<16xi32>
      %gather3A_1693 = tpu.vector_load_idx %arg9[%add3A_1686, %broadcast_in_dim3A_1690, %broadcast_in_dim3A_1692, %and3A_1676] : memref<12x4x8x128xf32, #tpu.memory_space<vmem>>[vector<16xi32>, vector<16xi32>, vector<16xi32>, vector<16xi32>], vector<16xf32>,
      %gather3A_1694 = tpu.vector_load_idx %arg10[%add3A_1686, %broadcast_in_dim3A_1690, %broadcast_in_dim3A_1692, %and3A_1681] : memref<12x4x8x128xf32, #tpu.memory_space<vmem>>[vector<16xi32>, vector<16xi32>, vector<16xi32>, vector<16xi32>], vector<16xf32>,
      %mul3A_1695 = arith.mulf %gather3A_1693, %gather3A_1694 : vector<16xf32>
      %add3A_1696 = arith.addf %broadcast_in_dim3A_1688, %mul3A_1695 : vector<16xf32>
      %broadcast_in_dim3A_1697 = arith.constant 0 : i32
      %broadcast_in_dim3A_1698 = vector.broadcast %broadcast_in_dim3A_1697 : i32 to vector<16xi32>
      %broadcast_in_dim3A_1699 = arith.constant 1 : i32
      %broadcast_in_dim3A_1700 = vector.broadcast %broadcast_in_dim3A_1699 : i32 to vector<16xi32>
      %gather3A_1701 = tpu.vector_load_idx %arg9[%add3A_1686, %broadcast_in_dim3A_1698, %broadcast_in_dim3A_1700, %and3A_1676] : memref<12x4x8x128xf32, #tpu.memory_space<vmem>>[vector<16xi32>, vector<16xi32>, vector<16xi32>, vector<16xi32>], vector<16xf32>,
      %gather3A_1702 = tpu.vector_load_idx %arg10[%add3A_1686, %broadcast_in_dim3A_1698, %broadcast_in_dim3A_1700, %and3A_1681] : memref<12x4x8x128xf32, #tpu.memory_space<vmem>>[vector<16xi32>, vector<16xi32>, vector<16xi32>, vector<16xi32>], vector<16xf32>,
      %mul3A_1703 = arith.mulf %gather3A_1701, %gather3A_1702 : vector<16xf32>
      %add3A_1704 = arith.addf %add3A_1696, %mul3A_1703 : vector<16xf32>
      %broadcast_in_dim3A_1705 = arith.constant 0 : i32
      %broadcast_in_dim3A_1706 = vector.broadcast %broadcast_in_dim3A_1705 : i32 to vector<16xi32>
      %broadcast_in_dim3A_1707 = arith.constant 2 : i32
      %broadcast_in_dim3A_1708 = vector.broadcast %broadcast_in_dim3A_1707 : i32 to vector<16xi32>
      %gather3A_1709 = tpu.vector_load_idx %arg9[%add3A_1686, %broadcast_in_dim3A_1706, %broadcast_in_dim3A_1708, %and3A_1676] : memref<12x4x8x128xf32, #tpu.memory_space<vmem>>[vector<16xi32>, vector<16xi32>, vector<16xi32>, vector<16xi32>], vector<16xf32>,
      %gather3A_1710 = tpu.vector_load_idx %arg10[%add3A_1686, %broadcast_in_dim3A_1706, %broadcast_in_dim3A_1708, %and3A_1681] : memref<12x4x8x128xf32, #tpu.memory_space<vmem>>[vector<16xi32>, vector<16xi32>, vector<16xi32>, vector<16xi32>], vector<16xf32>,
      %mul3A_1711 = arith.mulf %gather3A_1709, %gather3A_1710 : vector<16xf32>
      %add3A_1712 = arith.addf %add3A_1704, %mul3A_1711 : vector<16xf32>
      %broadcast_in_dim3A_1713 = arith.constant 0 : i32
      %broadcast_in_dim3A_1714 = vector.broadcast %broadcast_in_dim3A_1713 : i32 to vector<16xi32>
      %broadcast_in_dim3A_1715 = arith.constant 3 : i32
      %broadcast_in_dim3A_1716 = vector.broadcast %broadcast_in_dim3A_1715 : i32 to vector<16xi32>
      %gather3A_1717 = tpu.vector_load_idx %arg9[%add3A_1686, %broadcast_in_dim3A_1714, %broadcast_in_dim3A_1716, %and3A_1676] : memref<12x4x8x128xf32, #tpu.memory_space<vmem>>[vector<16xi32>, vector<16xi32>, vector<16xi32>, vector<16xi32>], vector<16xf32>,
      %gather3A_1718 = tpu.vector_load_idx %arg10[%add3A_1686, %broadcast_in_dim3A_1714, %broadcast_in_dim3A_1716, %and3A_1681] : memref<12x4x8x128xf32, #tpu.memory_space<vmem>>[vector<16xi32>, vector<16xi32>, vector<16xi32>, vector<16xi32>], vector<16xf32>,
      %mul3A_1719 = arith.mulf %gather3A_1717, %gather3A_1718 : vector<16xf32>
      %add3A_1720 = arith.addf %add3A_1712, %mul3A_1719 : vector<16xf32>
      %broadcast_in_dim3A_1721 = arith.constant 0 : i32
      %broadcast_in_dim3A_1722 = vector.broadcast %broadcast_in_dim3A_1721 : i32 to vector<16xi32>
      %broadcast_in_dim3A_1723 = arith.constant 4 : i32
      %broadcast_in_dim3A_1724 = vector.broadcast %broadcast_in_dim3A_1723 : i32 to vector<16xi32>
      %gather3A_1725 = tpu.vector_load_idx %arg9[%add3A_1686, %broadcast_in_dim3A_1722, %broadcast_in_dim3A_1724, %and3A_1676] : memref<12x4x8x128xf32, #tpu.memory_space<vmem>>[vector<16xi32>, vector<16xi32>, vector<16xi32>, vector<16xi32>], vector<16xf32>,
      %gather3A_1726 = tpu.vector_load_idx %arg10[%add3A_1686, %broadcast_in_dim3A_1722, %broadcast_in_dim3A_1724, %and3A_1681] : memref<12x4x8x128xf32, #tpu.memory_space<vmem>>[vector<16xi32>, vector<16xi32>, vector<16xi32>, vector<16xi32>], vector<16xf32>,
      %mul3A_1727 = arith.mulf %gather3A_1725, %gather3A_1726 : vector<16xf32>
      %add3A_1728 = arith.addf %add3A_1720, %mul3A_1727 : vector<16xf32>
      %broadcast_in_dim3A_1729 = arith.constant 0 : i32
      %broadcast_in_dim3A_1730 = vector.broadcast %broadcast_in_dim3A_1729 : i32 to vector<16xi32>
      %broadcast_in_dim3A_1731 = arith.constant 5 : i32
      %broadcast_in_dim3A_1732 = vector.broadcast %broadcast_in_dim3A_1731 : i32 to vector<16xi32>
      %gather3A_1733 = tpu.vector_load_idx %arg9[%add3A_1686, %broadcast_in_dim3A_1730, %broadcast_in_dim3A_1732, %and3A_1676] : memref<12x4x8x128xf32, #tpu.memory_space<vmem>>[vector<16xi32>, vector<16xi32>, vector<16xi32>, vector<16xi32>], vector<16xf32>,
      %gather3A_1734 = tpu.vector_load_idx %arg10[%add3A_1686, %broadcast_in_dim3A_1730, %broadcast_in_dim3A_1732, %and3A_1681] : memref<12x4x8x128xf32, #tpu.memory_space<vmem>>[vector<16xi32>, vector<16xi32>, vector<16xi32>, vector<16xi32>], vector<16xf32>,
      %mul3A_1735 = arith.mulf %gather3A_1733, %gather3A_1734 : vector<16xf32>
      %add3A_1736 = arith.addf %add3A_1728, %mul3A_1735 : vector<16xf32>
      %broadcast_in_dim3A_1737 = arith.constant 0 : i32
      %broadcast_in_dim3A_1738 = vector.broadcast %broadcast_in_dim3A_1737 : i32 to vector<16xi32>
      %broadcast_in_dim3A_1739 = arith.constant 6 : i32
      %broadcast_in_dim3A_1740 = vector.broadcast %broadcast_in_dim3A_1739 : i32 to vector<16xi32>
      %gather3A_1741 = tpu.vector_load_idx %arg9[%add3A_1686, %broadcast_in_dim3A_1738, %broadcast_in_dim3A_1740, %and3A_1676] : memref<12x4x8x128xf32, #tpu.memory_space<vmem>>[vector<16xi32>, vector<16xi32>, vector<16xi32>, vector<16xi32>], vector<16xf32>,
      %gather3A_1742 = tpu.vector_load_idx %arg10[%add3A_1686, %broadcast_in_dim3A_1738, %broadcast_in_dim3A_1740, %and3A_1681] : memref<12x4x8x128xf32, #tpu.memory_space<vmem>>[vector<16xi32>, vector<16xi32>, vector<16xi32>, vector<16xi32>], vector<16xf32>,
      %mul3A_1743 = arith.mulf %gather3A_1741, %gather3A_1742 : vector<16xf32>
      %add3A_1744 = arith.addf %add3A_1736, %mul3A_1743 : vector<16xf32>
      %broadcast_in_dim3A_1745 = arith.constant 0 : i32
      %broadcast_in_dim3A_1746 = vector.broadcast %broadcast_in_dim3A_1745 : i32 to vector<16xi32>
      %broadcast_in_dim3A_1747 = arith.constant 7 : i32
      %broadcast_in_dim3A_1748 = vector.broadcast %broadcast_in_dim3A_1747 : i32 to vector<16xi32>
      %gather3A_1749 = tpu.vector_load_idx %arg9[%add3A_1686, %broadcast_in_dim3A_1746, %broadcast_in_dim3A_1748, %and3A_1676] : memref<12x4x8x128xf32, #tpu.memory_space<vmem>>[vector<16xi32>, vector<16xi32>, vector<16xi32>, vector<16xi32>], vector<16xf32>,
      %gather3A_1750 = tpu.vector_load_idx %arg10[%add3A_1686, %broadcast_in_dim3A_1746, %broadcast_in_dim3A_1748, %and3A_1681] : memref<12x4x8x128xf32, #tpu.memory_space<vmem>>[vector<16xi32>, vector<16xi32>, vector<16xi32>, vector<16xi32>], vector<16xf32>,
      %mul3A_1751 = arith.mulf %gather3A_1749, %gather3A_1750 : vector<16xf32>
      %add3A_1752 = arith.addf %add3A_1744, %mul3A_1751 : vector<16xf32>
      %broadcast_in_dim3A_1753 = arith.constant 1 : i32
      %broadcast_in_dim3A_1754 = vector.broadcast %broadcast_in_dim3A_1753 : i32 to vector<16xi32>
      %broadcast_in_dim3A_1755 = arith.constant 0 : i32
      %broadcast_in_dim3A_1756 = vector.broadcast %broadcast_in_dim3A_1755 : i32 to vector<16xi32>
      %gather3A_1757 = tpu.vector_load_idx %arg9[%add3A_1686, %broadcast_in_dim3A_1754, %broadcast_in_dim3A_1756, %and3A_1676] : memref<12x4x8x128xf32, #tpu.memory_space<vmem>>[vector<16xi32>, vector<16xi32>, vector<16xi32>, vector<16xi32>], vector<16xf32>,
      %gather3A_1758 = tpu.vector_load_idx %arg10[%add3A_1686, %broadcast_in_dim3A_1754, %broadcast_in_dim3A_1756, %and3A_1681] : memref<12x4x8x128xf32, #tpu.memory_space<vmem>>[vector<16xi32>, vector<16xi32>, vector<16xi32>, vector<16xi32>], vector<16xf32>,
      %mul3A_1759 = arith.mulf %gather3A_1757, %gather3A_1758 : vector<16xf32>
      %add3A_1760 = arith.addf %add3A_1752, %mul3A_1759 : vector<16xf32>
      %broadcast_in_dim3A_1761 = arith.constant 1 : i32
      %broadcast_in_dim3A_1762 = vector.broadcast %broadcast_in_dim3A_1761 : i32 to vector<16xi32>
      %broadcast_in_dim3A_1763 = arith.constant 1 : i32
      %broadcast_in_dim3A_1764 = vector.broadcast %broadcast_in_dim3A_1763 : i32 to vector<16xi32>
      %gather3A_1765 = tpu.vector_load_idx %arg9[%add3A_1686, %broadcast_in_dim3A_1762, %broadcast_in_dim3A_1764, %and3A_1676] : memref<12x4x8x128xf32, #tpu.memory_space<vmem>>[vector<16xi32>, vector<16xi32>, vector<16xi32>, vector<16xi32>], vector<16xf32>,
      %gather3A_1766 = tpu.vector_load_idx %arg10[%add3A_1686, %broadcast_in_dim3A_1762, %broadcast_in_dim3A_1764, %and3A_1681] : memref<12x4x8x128xf32, #tpu.memory_space<vmem>>[vector<16xi32>, vector<16xi32>, vector<16xi32>, vector<16xi32>], vector<16xf32>,
      %mul3A_1767 = arith.mulf %gather3A_1765, %gather3A_1766 : vector<16xf32>
      %add3A_1768 = arith.addf %add3A_1760, %mul3A_1767 : vector<16xf32>
      %broadcast_in_dim3A_1769 = arith.constant 1 : i32
      %broadcast_in_dim3A_1770 = vector.broadcast %broadcast_in_dim3A_1769 : i32 to vector<16xi32>
      %broadcast_in_dim3A_1771 = arith.constant 2 : i32
      %broadcast_in_dim3A_1772 = vector.broadcast %broadcast_in_dim3A_1771 : i32 to vector<16xi32>
      %gather3A_1773 = tpu.vector_load_idx %arg9[%add3A_1686, %broadcast_in_dim3A_1770, %broadcast_in_dim3A_1772, %and3A_1676] : memref<12x4x8x128xf32, #tpu.memory_space<vmem>>[vector<16xi32>, vector<16xi32>, vector<16xi32>, vector<16xi32>], vector<16xf32>,
      %gather3A_1774 = tpu.vector_load_idx %arg10[%add3A_1686, %broadcast_in_dim3A_1770, %broadcast_in_dim3A_1772, %and3A_1681] : memref<12x4x8x128xf32, #tpu.memory_space<vmem>>[vector<16xi32>, vector<16xi32>, vector<16xi32>, vector<16xi32>], vector<16xf32>,
      %mul3A_1775 = arith.mulf %gather3A_1773, %gather3A_1774 : vector<16xf32>
      %add3A_1776 = arith.addf %add3A_1768, %mul3A_1775 : vector<16xf32>
      %broadcast_in_dim3A_1777 = arith.constant 1 : i32
      %broadcast_in_dim3A_1778 = vector.broadcast %broadcast_in_dim3A_1777 : i32 to vector<16xi32>
      %broadcast_in_dim3A_1779 = arith.constant 3 : i32
      %broadcast_in_dim3A_1780 = vector.broadcast %broadcast_in_dim3A_1779 : i32 to vector<16xi32>
      %gather3A_1781 = tpu.vector_load_idx %arg9[%add3A_1686, %broadcast_in_dim3A_1778, %broadcast_in_dim3A_1780, %and3A_1676] : memref<12x4x8x128xf32, #tpu.memory_space<vmem>>[vector<16xi32>, vector<16xi32>, vector<16xi32>, vector<16xi32>], vector<16xf32>,
      %gather3A_1782 = tpu.vector_load_idx %arg10[%add3A_1686, %broadcast_in_dim3A_1778, %broadcast_in_dim3A_1780, %and3A_1681] : memref<12x4x8x128xf32, #tpu.memory_space<vmem>>[vector<16xi32>, vector<16xi32>, vector<16xi32>, vector<16xi32>], vector<16xf32>,
      %mul3A_1783 = arith.mulf %gather3A_1781, %gather3A_1782 : vector<16xf32>
      %add3A_1784 = arith.addf %add3A_1776, %mul3A_1783 : vector<16xf32>
      %broadcast_in_dim3A_1785 = arith.constant 1 : i32
      %broadcast_in_dim3A_1786 = vector.broadcast %broadcast_in_dim3A_1785 : i32 to vector<16xi32>
      %broadcast_in_dim3A_1787 = arith.constant 4 : i32
      %broadcast_in_dim3A_1788 = vector.broadcast %broadcast_in_dim3A_1787 : i32 to vector<16xi32>
      %gather3A_1789 = tpu.vector_load_idx %arg9[%add3A_1686, %broadcast_in_dim3A_1786, %broadcast_in_dim3A_1788, %and3A_1676] : memref<12x4x8x128xf32, #tpu.memory_space<vmem>>[vector<16xi32>, vector<16xi32>, vector<16xi32>, vector<16xi32>], vector<16xf32>,
      %gather3A_1790 = tpu.vector_load_idx %arg10[%add3A_1686, %broadcast_in_dim3A_1786, %broadcast_in_dim3A_1788, %and3A_1681] : memref<12x4x8x128xf32, #tpu.memory_space<vmem>>[vector<16xi32>, vector<16xi32>, vector<16xi32>, vector<16xi32>], vector<16xf32>,
      %mul3A_1791 = arith.mulf %gather3A_1789, %gather3A_1790 : vector<16xf32>
      %add3A_1792 = arith.addf %add3A_1784, %mul3A_1791 : vector<16xf32>
      %broadcast_in_dim3A_1793 = arith.constant 1 : i32
      %broadcast_in_dim3A_1794 = vector.broadcast %broadcast_in_dim3A_1793 : i32 to vector<16xi32>
      %broadcast_in_dim3A_1795 = arith.constant 5 : i32
      %broadcast_in_dim3A_1796 = vector.broadcast %broadcast_in_dim3A_1795 : i32 to vector<16xi32>
      %gather3A_1797 = tpu.vector_load_idx %arg9[%add3A_1686, %broadcast_in_dim3A_1794, %broadcast_in_dim3A_1796, %and3A_1676] : memref<12x4x8x128xf32, #tpu.memory_space<vmem>>[vector<16xi32>, vector<16xi32>, vector<16xi32>, vector<16xi32>], vector<16xf32>,
      %gather3A_1798 = tpu.vector_load_idx %arg10[%add3A_1686, %broadcast_in_dim3A_1794, %broadcast_in_dim3A_1796, %and3A_1681] : memref<12x4x8x128xf32, #tpu.memory_space<vmem>>[vector<16xi32>, vector<16xi32>, vector<16xi32>, vector<16xi32>], vector<16xf32>,
      %mul3A_1799 = arith.mulf %gather3A_1797, %gather3A_1798 : vector<16xf32>
      %add3A_1800 = arith.addf %add3A_1792, %mul3A_1799 : vector<16xf32>
      %broadcast_in_dim3A_1801 = arith.constant 1 : i32
      %broadcast_in_dim3A_1802 = vector.broadcast %broadcast_in_dim3A_1801 : i32 to vector<16xi32>
      %broadcast_in_dim3A_1803 = arith.constant 6 : i32
      %broadcast_in_dim3A_1804 = vector.broadcast %broadcast_in_dim3A_1803 : i32 to vector<16xi32>
      %gather3A_1805 = tpu.vector_load_idx %arg9[%add3A_1686, %broadcast_in_dim3A_1802, %broadcast_in_dim3A_1804, %and3A_1676] : memref<12x4x8x128xf32, #tpu.memory_space<vmem>>[vector<16xi32>, vector<16xi32>, vector<16xi32>, vector<16xi32>], vector<16xf32>,
      %gather3A_1806 = tpu.vector_load_idx %arg10[%add3A_1686, %broadcast_in_dim3A_1802, %broadcast_in_dim3A_1804, %and3A_1681] : memref<12x4x8x128xf32, #tpu.memory_space<vmem>>[vector<16xi32>, vector<16xi32>, vector<16xi32>, vector<16xi32>], vector<16xf32>,
      %mul3A_1807 = arith.mulf %gather3A_1805, %gather3A_1806 : vector<16xf32>
      %add3A_1808 = arith.addf %add3A_1800, %mul3A_1807 : vector<16xf32>
      %broadcast_in_dim3A_1809 = arith.constant 1 : i32
      %broadcast_in_dim3A_1810 = vector.broadcast %broadcast_in_dim3A_1809 : i32 to vector<16xi32>
      %broadcast_in_dim3A_1811 = arith.constant 7 : i32
      %broadcast_in_dim3A_1812 = vector.broadcast %broadcast_in_dim3A_1811 : i32 to vector<16xi32>
      %gather3A_1813 = tpu.vector_load_idx %arg9[%add3A_1686, %broadcast_in_dim3A_1810, %broadcast_in_dim3A_1812, %and3A_1676] : memref<12x4x8x128xf32, #tpu.memory_space<vmem>>[vector<16xi32>, vector<16xi32>, vector<16xi32>, vector<16xi32>], vector<16xf32>,
      %gather3A_1814 = tpu.vector_load_idx %arg10[%add3A_1686, %broadcast_in_dim3A_1810, %broadcast_in_dim3A_1812, %and3A_1681] : memref<12x4x8x128xf32, #tpu.memory_space<vmem>>[vector<16xi32>, vector<16xi32>, vector<16xi32>, vector<16xi32>], vector<16xf32>,
      %mul3A_1815 = arith.mulf %gather3A_1813, %gather3A_1814 : vector<16xf32>
      %add3A_1816 = arith.addf %add3A_1808, %mul3A_1815 : vector<16xf32>
      %broadcast_in_dim3A_1817 = arith.constant 2 : i32
      %broadcast_in_dim3A_1818 = vector.broadcast %broadcast_in_dim3A_1817 : i32 to vector<16xi32>
      %broadcast_in_dim3A_1819 = arith.constant 0 : i32
      %broadcast_in_dim3A_1820 = vector.broadcast %broadcast_in_dim3A_1819 : i32 to vector<16xi32>
      %gather3A_1821 = tpu.vector_load_idx %arg9[%add3A_1686, %broadcast_in_dim3A_1818, %broadcast_in_dim3A_1820, %and3A_1676] : memref<12x4x8x128xf32, #tpu.memory_space<vmem>>[vector<16xi32>, vector<16xi32>, vector<16xi32>, vector<16xi32>], vector<16xf32>,
      %gather3A_1822 = tpu.vector_load_idx %arg10[%add3A_1686, %broadcast_in_dim3A_1818, %broadcast_in_dim3A_1820, %and3A_1681] : memref<12x4x8x128xf32, #tpu.memory_space<vmem>>[vector<16xi32>, vector<16xi32>, vector<16xi32>, vector<16xi32>], vector<16xf32>,
      %mul3A_1823 = arith.mulf %gather3A_1821, %gather3A_1822 : vector<16xf32>
      %add3A_1824 = arith.addf %add3A_1816, %mul3A_1823 : vector<16xf32>
      %broadcast_in_dim3A_1825 = arith.constant 2 : i32
      %broadcast_in_dim3A_1826 = vector.broadcast %broadcast_in_dim3A_1825 : i32 to vector<16xi32>
      %broadcast_in_dim3A_1827 = arith.constant 1 : i32
      %broadcast_in_dim3A_1828 = vector.broadcast %broadcast_in_dim3A_1827 : i32 to vector<16xi32>
      %gather3A_1829 = tpu.vector_load_idx %arg9[%add3A_1686, %broadcast_in_dim3A_1826, %broadcast_in_dim3A_1828, %and3A_1676] : memref<12x4x8x128xf32, #tpu.memory_space<vmem>>[vector<16xi32>, vector<16xi32>, vector<16xi32>, vector<16xi32>], vector<16xf32>,
      %gather3A_1830 = tpu.vector_load_idx %arg10[%add3A_1686, %broadcast_in_dim3A_1826, %broadcast_in_dim3A_1828, %and3A_1681] : memref<12x4x8x128xf32, #tpu.memory_space<vmem>>[vector<16xi32>, vector<16xi32>, vector<16xi32>, vector<16xi32>], vector<16xf32>,
      %mul3A_1831 = arith.mulf %gather3A_1829, %gather3A_1830 : vector<16xf32>
      %add3A_1832 = arith.addf %add3A_1824, %mul3A_1831 : vector<16xf32>
      %broadcast_in_dim3A_1833 = arith.constant 2 : i32
      %broadcast_in_dim3A_1834 = vector.broadcast %broadcast_in_dim3A_1833 : i32 to vector<16xi32>
      %broadcast_in_dim3A_1835 = arith.constant 2 : i32
      %broadcast_in_dim3A_1836 = vector.broadcast %broadcast_in_dim3A_1835 : i32 to vector<16xi32>
      %gather3A_1837 = tpu.vector_load_idx %arg9[%add3A_1686, %broadcast_in_dim3A_1834, %broadcast_in_dim3A_1836, %and3A_1676] : memref<12x4x8x128xf32, #tpu.memory_space<vmem>>[vector<16xi32>, vector<16xi32>, vector<16xi32>, vector<16xi32>], vector<16xf32>,
      %gather3A_1838 = tpu.vector_load_idx %arg10[%add3A_1686, %broadcast_in_dim3A_1834, %broadcast_in_dim3A_1836, %and3A_1681] : memref<12x4x8x128xf32, #tpu.memory_space<vmem>>[vector<16xi32>, vector<16xi32>, vector<16xi32>, vector<16xi32>], vector<16xf32>,
      %mul3A_1839 = arith.mulf %gather3A_1837, %gather3A_1838 : vector<16xf32>
      %add3A_1840 = arith.addf %add3A_1832, %mul3A_1839 : vector<16xf32>
      %broadcast_in_dim3A_1841 = arith.constant 2 : i32
      %broadcast_in_dim3A_1842 = vector.broadcast %broadcast_in_dim3A_1841 : i32 to vector<16xi32>
      %broadcast_in_dim3A_1843 = arith.constant 3 : i32
      %broadcast_in_dim3A_1844 = vector.broadcast %broadcast_in_dim3A_1843 : i32 to vector<16xi32>
      %gather3A_1845 = tpu.vector_load_idx %arg9[%add3A_1686, %broadcast_in_dim3A_1842, %broadcast_in_dim3A_1844, %and3A_1676] : memref<12x4x8x128xf32, #tpu.memory_space<vmem>>[vector<16xi32>, vector<16xi32>, vector<16xi32>, vector<16xi32>], vector<16xf32>,
      %gather3A_1846 = tpu.vector_load_idx %arg10[%add3A_1686, %broadcast_in_dim3A_1842, %broadcast_in_dim3A_1844, %and3A_1681] : memref<12x4x8x128xf32, #tpu.memory_space<vmem>>[vector<16xi32>, vector<16xi32>, vector<16xi32>, vector<16xi32>], vector<16xf32>,
      %mul3A_1847 = arith.mulf %gather3A_1845, %gather3A_1846 : vector<16xf32>
      %add3A_1848 = arith.addf %add3A_1840, %mul3A_1847 : vector<16xf32>
      %broadcast_in_dim3A_1849 = arith.constant 2 : i32
      %broadcast_in_dim3A_1850 = vector.broadcast %broadcast_in_dim3A_1849 : i32 to vector<16xi32>
      %broadcast_in_dim3A_1851 = arith.constant 4 : i32
      %broadcast_in_dim3A_1852 = vector.broadcast %broadcast_in_dim3A_1851 : i32 to vector<16xi32>
      %gather3A_1853 = tpu.vector_load_idx %arg9[%add3A_1686, %broadcast_in_dim3A_1850, %broadcast_in_dim3A_1852, %and3A_1676] : memref<12x4x8x128xf32, #tpu.memory_space<vmem>>[vector<16xi32>, vector<16xi32>, vector<16xi32>, vector<16xi32>], vector<16xf32>,
      %gather3A_1854 = tpu.vector_load_idx %arg10[%add3A_1686, %broadcast_in_dim3A_1850, %broadcast_in_dim3A_1852, %and3A_1681] : memref<12x4x8x128xf32, #tpu.memory_space<vmem>>[vector<16xi32>, vector<16xi32>, vector<16xi32>, vector<16xi32>], vector<16xf32>,
      %mul3A_1855 = arith.mulf %gather3A_1853, %gather3A_1854 : vector<16xf32>
      %add3A_1856 = arith.addf %add3A_1848, %mul3A_1855 : vector<16xf32>
      %broadcast_in_dim3A_1857 = arith.constant 2 : i32
      %broadcast_in_dim3A_1858 = vector.broadcast %broadcast_in_dim3A_1857 : i32 to vector<16xi32>
      %broadcast_in_dim3A_1859 = arith.constant 5 : i32
      %broadcast_in_dim3A_1860 = vector.broadcast %broadcast_in_dim3A_1859 : i32 to vector<16xi32>
      %gather3A_1861 = tpu.vector_load_idx %arg9[%add3A_1686, %broadcast_in_dim3A_1858, %broadcast_in_dim3A_1860, %and3A_1676] : memref<12x4x8x128xf32, #tpu.memory_space<vmem>>[vector<16xi32>, vector<16xi32>, vector<16xi32>, vector<16xi32>], vector<16xf32>,
      %gather3A_1862 = tpu.vector_load_idx %arg10[%add3A_1686, %broadcast_in_dim3A_1858, %broadcast_in_dim3A_1860, %and3A_1681] : memref<12x4x8x128xf32, #tpu.memory_space<vmem>>[vector<16xi32>, vector<16xi32>, vector<16xi32>, vector<16xi32>], vector<16xf32>,
      %mul3A_1863 = arith.mulf %gather3A_1861, %gather3A_1862 : vector<16xf32>
      %add3A_1864 = arith.addf %add3A_1856, %mul3A_1863 : vector<16xf32>
      %broadcast_in_dim3A_1865 = arith.constant 2 : i32
      %broadcast_in_dim3A_1866 = vector.broadcast %broadcast_in_dim3A_1865 : i32 to vector<16xi32>
      %broadcast_in_dim3A_1867 = arith.constant 6 : i32
      %broadcast_in_dim3A_1868 = vector.broadcast %broadcast_in_dim3A_1867 : i32 to vector<16xi32>
      %gather3A_1869 = tpu.vector_load_idx %arg9[%add3A_1686, %broadcast_in_dim3A_1866, %broadcast_in_dim3A_1868, %and3A_1676] : memref<12x4x8x128xf32, #tpu.memory_space<vmem>>[vector<16xi32>, vector<16xi32>, vector<16xi32>, vector<16xi32>], vector<16xf32>,
      %gather3A_1870 = tpu.vector_load_idx %arg10[%add3A_1686, %broadcast_in_dim3A_1866, %broadcast_in_dim3A_1868, %and3A_1681] : memref<12x4x8x128xf32, #tpu.memory_space<vmem>>[vector<16xi32>, vector<16xi32>, vector<16xi32>, vector<16xi32>], vector<16xf32>,
      %mul3A_1871 = arith.mulf %gather3A_1869, %gather3A_1870 : vector<16xf32>
      %add3A_1872 = arith.addf %add3A_1864, %mul3A_1871 : vector<16xf32>
      %broadcast_in_dim3A_1873 = arith.constant 2 : i32
      %broadcast_in_dim3A_1874 = vector.broadcast %broadcast_in_dim3A_1873 : i32 to vector<16xi32>
      %broadcast_in_dim3A_1875 = arith.constant 7 : i32
      %broadcast_in_dim3A_1876 = vector.broadcast %broadcast_in_dim3A_1875 : i32 to vector<16xi32>
      %gather3A_1877 = tpu.vector_load_idx %arg9[%add3A_1686, %broadcast_in_dim3A_1874, %broadcast_in_dim3A_1876, %and3A_1676] : memref<12x4x8x128xf32, #tpu.memory_space<vmem>>[vector<16xi32>, vector<16xi32>, vector<16xi32>, vector<16xi32>], vector<16xf32>,
      %gather3A_1878 = tpu.vector_load_idx %arg10[%add3A_1686, %broadcast_in_dim3A_1874, %broadcast_in_dim3A_1876, %and3A_1681] : memref<12x4x8x128xf32, #tpu.memory_space<vmem>>[vector<16xi32>, vector<16xi32>, vector<16xi32>, vector<16xi32>], vector<16xf32>,
      %mul3A_1879 = arith.mulf %gather3A_1877, %gather3A_1878 : vector<16xf32>
      %add3A_1880 = arith.addf %add3A_1872, %mul3A_1879 : vector<16xf32>
      %broadcast_in_dim3A_1881 = arith.constant 3 : i32
      %broadcast_in_dim3A_1882 = vector.broadcast %broadcast_in_dim3A_1881 : i32 to vector<16xi32>
      %broadcast_in_dim3A_1883 = arith.constant 0 : i32
      %broadcast_in_dim3A_1884 = vector.broadcast %broadcast_in_dim3A_1883 : i32 to vector<16xi32>
      %gather3A_1885 = tpu.vector_load_idx %arg9[%add3A_1686, %broadcast_in_dim3A_1882, %broadcast_in_dim3A_1884, %and3A_1676] : memref<12x4x8x128xf32, #tpu.memory_space<vmem>>[vector<16xi32>, vector<16xi32>, vector<16xi32>, vector<16xi32>], vector<16xf32>,
      %gather3A_1886 = tpu.vector_load_idx %arg10[%add3A_1686, %broadcast_in_dim3A_1882, %broadcast_in_dim3A_1884, %and3A_1681] : memref<12x4x8x128xf32, #tpu.memory_space<vmem>>[vector<16xi32>, vector<16xi32>, vector<16xi32>, vector<16xi32>], vector<16xf32>,
      %mul3A_1887 = arith.mulf %gather3A_1885, %gather3A_1886 : vector<16xf32>
      %add3A_1888 = arith.addf %add3A_1880, %mul3A_1887 : vector<16xf32>
      %broadcast_in_dim3A_1889 = arith.constant 3 : i32
      %broadcast_in_dim3A_1890 = vector.broadcast %broadcast_in_dim3A_1889 : i32 to vector<16xi32>
      %broadcast_in_dim3A_1891 = arith.constant 1 : i32
      %broadcast_in_dim3A_1892 = vector.broadcast %broadcast_in_dim3A_1891 : i32 to vector<16xi32>
      %gather3A_1893 = tpu.vector_load_idx %arg9[%add3A_1686, %broadcast_in_dim3A_1890, %broadcast_in_dim3A_1892, %and3A_1676] : memref<12x4x8x128xf32, #tpu.memory_space<vmem>>[vector<16xi32>, vector<16xi32>, vector<16xi32>, vector<16xi32>], vector<16xf32>,
      %gather3A_1894 = tpu.vector_load_idx %arg10[%add3A_1686, %broadcast_in_dim3A_1890, %broadcast_in_dim3A_1892, %and3A_1681] : memref<12x4x8x128xf32, #tpu.memory_space<vmem>>[vector<16xi32>, vector<16xi32>, vector<16xi32>, vector<16xi32>], vector<16xf32>,
      %mul3A_1895 = arith.mulf %gather3A_1893, %gather3A_1894 : vector<16xf32>
      %add3A_1896 = arith.addf %add3A_1888, %mul3A_1895 : vector<16xf32>
      %broadcast_in_dim3A_1897 = arith.constant 3 : i32
      %broadcast_in_dim3A_1898 = vector.broadcast %broadcast_in_dim3A_1897 : i32 to vector<16xi32>
      %broadcast_in_dim3A_1899 = arith.constant 2 : i32
      %broadcast_in_dim3A_1900 = vector.broadcast %broadcast_in_dim3A_1899 : i32 to vector<16xi32>
      %gather3A_1901 = tpu.vector_load_idx %arg9[%add3A_1686, %broadcast_in_dim3A_1898, %broadcast_in_dim3A_1900, %and3A_1676] : memref<12x4x8x128xf32, #tpu.memory_space<vmem>>[vector<16xi32>, vector<16xi32>, vector<16xi32>, vector<16xi32>], vector<16xf32>,
      %gather3A_1902 = tpu.vector_load_idx %arg10[%add3A_1686, %broadcast_in_dim3A_1898, %broadcast_in_dim3A_1900, %and3A_1681] : memref<12x4x8x128xf32, #tpu.memory_space<vmem>>[vector<16xi32>, vector<16xi32>, vector<16xi32>, vector<16xi32>], vector<16xf32>,
      %mul3A_1903 = arith.mulf %gather3A_1901, %gather3A_1902 : vector<16xf32>
      %add3A_1904 = arith.addf %add3A_1896, %mul3A_1903 : vector<16xf32>
      %broadcast_in_dim3A_1905 = arith.constant 3 : i32
      %broadcast_in_dim3A_1906 = vector.broadcast %broadcast_in_dim3A_1905 : i32 to vector<16xi32>
      %broadcast_in_dim3A_1907 = arith.constant 3 : i32
      %broadcast_in_dim3A_1908 = vector.broadcast %broadcast_in_dim3A_1907 : i32 to vector<16xi32>
      %gather3A_1909 = tpu.vector_load_idx %arg9[%add3A_1686, %broadcast_in_dim3A_1906, %broadcast_in_dim3A_1908, %and3A_1676] : memref<12x4x8x128xf32, #tpu.memory_space<vmem>>[vector<16xi32>, vector<16xi32>, vector<16xi32>, vector<16xi32>], vector<16xf32>,
      %gather3A_1910 = tpu.vector_load_idx %arg10[%add3A_1686, %broadcast_in_dim3A_1906, %broadcast_in_dim3A_1908, %and3A_1681] : memref<12x4x8x128xf32, #tpu.memory_space<vmem>>[vector<16xi32>, vector<16xi32>, vector<16xi32>, vector<16xi32>], vector<16xf32>,
      %mul3A_1911 = arith.mulf %gather3A_1909, %gather3A_1910 : vector<16xf32>
      %add3A_1912 = arith.addf %add3A_1904, %mul3A_1911 : vector<16xf32>
      %broadcast_in_dim3A_1913 = arith.constant 3 : i32
      %broadcast_in_dim3A_1914 = vector.broadcast %broadcast_in_dim3A_1913 : i32 to vector<16xi32>
      %broadcast_in_dim3A_1915 = arith.constant 4 : i32
      %broadcast_in_dim3A_1916 = vector.broadcast %broadcast_in_dim3A_1915 : i32 to vector<16xi32>
      %gather3A_1917 = tpu.vector_load_idx %arg9[%add3A_1686, %broadcast_in_dim3A_1914, %broadcast_in_dim3A_1916, %and3A_1676] : memref<12x4x8x128xf32, #tpu.memory_space<vmem>>[vector<16xi32>, vector<16xi32>, vector<16xi32>, vector<16xi32>], vector<16xf32>,
      %gather3A_1918 = tpu.vector_load_idx %arg10[%add3A_1686, %broadcast_in_dim3A_1914, %broadcast_in_dim3A_1916, %and3A_1681] : memref<12x4x8x128xf32, #tpu.memory_space<vmem>>[vector<16xi32>, vector<16xi32>, vector<16xi32>, vector<16xi32>], vector<16xf32>,
      %mul3A_1919 = arith.mulf %gather3A_1917, %gather3A_1918 : vector<16xf32>
      %add3A_1920 = arith.addf %add3A_1912, %mul3A_1919 : vector<16xf32>
      %broadcast_in_dim3A_1921 = arith.constant 3 : i32
      %broadcast_in_dim3A_1922 = vector.broadcast %broadcast_in_dim3A_1921 : i32 to vector<16xi32>
      %broadcast_in_dim3A_1923 = arith.constant 5 : i32
      %broadcast_in_dim3A_1924 = vector.broadcast %broadcast_in_dim3A_1923 : i32 to vector<16xi32>
      %gather3A_1925 = tpu.vector_load_idx %arg9[%add3A_1686, %broadcast_in_dim3A_1922, %broadcast_in_dim3A_1924, %and3A_1676] : memref<12x4x8x128xf32, #tpu.memory_space<vmem>>[vector<16xi32>, vector<16xi32>, vector<16xi32>, vector<16xi32>], vector<16xf32>,
      %gather3A_1926 = tpu.vector_load_idx %arg10[%add3A_1686, %broadcast_in_dim3A_1922, %broadcast_in_dim3A_1924, %and3A_1681] : memref<12x4x8x128xf32, #tpu.memory_space<vmem>>[vector<16xi32>, vector<16xi32>, vector<16xi32>, vector<16xi32>], vector<16xf32>,
      %mul3A_1927 = arith.mulf %gather3A_1925, %gather3A_1926 : vector<16xf32>
      %add3A_1928 = arith.addf %add3A_1920, %mul3A_1927 : vector<16xf32>
      %broadcast_in_dim3A_1929 = arith.constant 3 : i32
      %broadcast_in_dim3A_1930 = vector.broadcast %broadcast_in_dim3A_1929 : i32 to vector<16xi32>
      %broadcast_in_dim3A_1931 = arith.constant 6 : i32
      %broadcast_in_dim3A_1932 = vector.broadcast %broadcast_in_dim3A_1931 : i32 to vector<16xi32>
      %gather3A_1933 = tpu.vector_load_idx %arg9[%add3A_1686, %broadcast_in_dim3A_1930, %broadcast_in_dim3A_1932, %and3A_1676] : memref<12x4x8x128xf32, #tpu.memory_space<vmem>>[vector<16xi32>, vector<16xi32>, vector<16xi32>, vector<16xi32>], vector<16xf32>,
      %gather3A_1934 = tpu.vector_load_idx %arg10[%add3A_1686, %broadcast_in_dim3A_1930, %broadcast_in_dim3A_1932, %and3A_1681] : memref<12x4x8x128xf32, #tpu.memory_space<vmem>>[vector<16xi32>, vector<16xi32>, vector<16xi32>, vector<16xi32>], vector<16xf32>,
      %mul3A_1935 = arith.mulf %gather3A_1933, %gather3A_1934 : vector<16xf32>
      %add3A_1936 = arith.addf %add3A_1928, %mul3A_1935 : vector<16xf32>
      %broadcast_in_dim3A_1937 = arith.constant 3 : i32
      %broadcast_in_dim3A_1938 = vector.broadcast %broadcast_in_dim3A_1937 : i32 to vector<16xi32>
      %broadcast_in_dim3A_1939 = arith.constant 7 : i32
      %broadcast_in_dim3A_1940 = vector.broadcast %broadcast_in_dim3A_1939 : i32 to vector<16xi32>
      %gather3A_1941 = tpu.vector_load_idx %arg9[%add3A_1686, %broadcast_in_dim3A_1938, %broadcast_in_dim3A_1940, %and3A_1676] : memref<12x4x8x128xf32, #tpu.memory_space<vmem>>[vector<16xi32>, vector<16xi32>, vector<16xi32>, vector<16xi32>], vector<16xf32>,
      %gather3A_1942 = tpu.vector_load_idx %arg10[%add3A_1686, %broadcast_in_dim3A_1938, %broadcast_in_dim3A_1940, %and3A_1681] : memref<12x4x8x128xf32, #tpu.memory_space<vmem>>[vector<16xi32>, vector<16xi32>, vector<16xi32>, vector<16xi32>], vector<16xf32>,
      %mul3A_1943 = arith.mulf %gather3A_1941, %gather3A_1942 : vector<16xf32>
      %add3A_1944 = arith.addf %add3A_1936, %mul3A_1943 : vector<16xf32>
      %neg3A_1945 = arith.constant 0.000000e+00 : f32
      %neg3A_1946 = vector.broadcast %neg3A_1945 : f32 to vector<16xf32>
      %neg3A_1947 = arith.subf %neg3A_1946, %add3A_1944 : vector<16xf32>
      %exp3A_1948 = math.exp %neg3A_1947 : vector<16xf32>
      %add3A_1949 = arith.constant 1.000000e+00 : f32
      %add3A_1950 = vector.broadcast %add3A_1949 : f32 to vector<16xf32>
      %add3A_1951 = arith.addf %add3A_1950, %exp3A_1948 : vector<16xf32>
      %div3A_1952 = arith.constant 1.000000e+00 : f32
      %div3A_1953 = vector.broadcast %div3A_1952 : f32 to vector<16xf32>
      %div3A_1954 = arith.divf %div3A_1953, %add3A_1951 : vector<16xf32>
      %lt3A_1955 = arith.constant 4 : i32
      %lt3A_1956 = vector.broadcast %lt3A_1955 : i32 to vector<16xi32>
      %lt3A_1957 = arith.cmpi slt, %iota3A, %lt3A_1956 : vector<16xi32>
      %swap3A_1958 = arith.index_cast %mul3A_1671 : i32 to index
      %swap3A_1959 = tpu.vector_load %arg11[%swap3A_1958] masked %lt3A_1957 {strides = array<i32>} : memref<528xf32, #tpu.memory_space<vmem>>, vector<16xf32>, vector<16xi1>
      tpu.vector_store %arg11[%swap3A_1958], %div3A_1954 masked %lt3A_1957 {strides = array<i32>} : memref<528xf32, #tpu.memory_space<vmem>>, vector<16xf32>, vector<16xi1>
    }
    %scan3A_417 = arith.constant 126 : i32
    %dma_wait3A = arith.constant 0 : i32
    %dma_wait3A_418 = arith.constant 0 : i32
    %dma_wait3A_419 = arith.constant 0 : i32
    %dma_wait3A_420 = arith.constant 0 : i32
    %dma_wait3A_421 = tpu.memref_slice %arg9[%dma_wait3A, %dma_wait3A_418, %dma_wait3A_419, %dma_wait3A_420] : memref<12x4x8x128xf32, #tpu.memory_space<vmem>> -> memref<1x4x8x128xf32, #tpu.memory_space<vmem>>
    %dma_wait3A_422 = tpu.memref_squeeze %dma_wait3A_421 : memref<1x4x8x128xf32, #tpu.memory_space<vmem>> -> memref<4x8x128xf32, #tpu.memory_space<vmem>>
    %dma_wait3A_423 = arith.constant 0 : i32
    %dma_wait3A_424 = arith.constant 0 : i32
    %dma_wait3A_425 = arith.constant 0 : i32
    %dma_wait3A_426 = tpu.memref_slice %arg2[%dma_wait3A_423, %dma_wait3A_424, %dma_wait3A_425] : memref<4x8x1000000xf32, #tpu.memory_space<hbm>> -> memref<4x8x128xf32, #tpu.memory_space<hbm>>
    %dma_wait3A_427 = arith.constant 0 : i32
    %dma_wait3A_428 = arith.constant 0 : i32
    %dma_wait3A_429 = arith.constant 0 : i32
    %dma_wait3A_430 = tpu.memref_slice %arg9[%dma_wait3A, %dma_wait3A_427, %dma_wait3A_428, %dma_wait3A_429] : memref<12x4x8x128xf32, #tpu.memory_space<vmem>> -> memref<1x4x8x128xf32, #tpu.memory_space<vmem>>
    %dma_wait3A_431 = tpu.memref_squeeze %dma_wait3A_430 : memref<1x4x8x128xf32, #tpu.memory_space<vmem>> -> memref<4x8x128xf32, #tpu.memory_space<vmem>>
    %dma_wait3A_432 = arith.constant 0 : i32
    %dma_wait3A_433 = arith.constant 0 : i32
    %dma_wait3A_434 = arith.constant 0 : i32
    %dma_wait3A_435 = tpu.memref_slice %arg2[%dma_wait3A_432, %dma_wait3A_433, %dma_wait3A_434] : memref<4x8x1000000xf32, #tpu.memory_space<hbm>> -> memref<4x8x128xf32, #tpu.memory_space<hbm>>
    tpu.wait_dma2 semaphore(%arg12 : memref<!tpu.dma_semaphore, #tpu.memory_space<semaphore_mem>>) src(%dma_wait3A_435 : memref<4x8x128xf32, #tpu.memory_space<hbm>>) dst(%dma_wait3A_431 : memref<4x8x128xf32, #tpu.memory_space<vmem>>)
    %dma_wait3A_436 = arith.constant 0 : i32
    %dma_wait3A_437 = arith.constant 0 : i32
    %dma_wait3A_438 = arith.constant 0 : i32
    %dma_wait3A_439 = arith.constant 0 : i32
    %dma_wait3A_440 = tpu.memref_slice %arg10[%dma_wait3A_436, %dma_wait3A_437, %dma_wait3A_438, %dma_wait3A_439] : memref<12x4x8x128xf32, #tpu.memory_space<vmem>> -> memref<1x4x8x128xf32, #tpu.memory_space<vmem>>
    %dma_wait3A_441 = tpu.memref_squeeze %dma_wait3A_440 : memref<1x4x8x128xf32, #tpu.memory_space<vmem>> -> memref<4x8x128xf32, #tpu.memory_space<vmem>>
    %dma_wait3A_442 = arith.constant 0 : i32
    %dma_wait3A_443 = arith.constant 0 : i32
    %dma_wait3A_444 = arith.constant 0 : i32
    %dma_wait3A_445 = tpu.memref_slice %arg3[%dma_wait3A_442, %dma_wait3A_443, %dma_wait3A_444] : memref<4x8x1000000xf32, #tpu.memory_space<hbm>> -> memref<4x8x128xf32, #tpu.memory_space<hbm>>
    %dma_wait3A_446 = arith.constant 0 : i32
    %dma_wait3A_447 = arith.constant 0 : i32
    %dma_wait3A_448 = arith.constant 0 : i32
    %dma_wait3A_449 = tpu.memref_slice %arg10[%dma_wait3A_436, %dma_wait3A_446, %dma_wait3A_447, %dma_wait3A_448] : memref<12x4x8x128xf32, #tpu.memory_space<vmem>> -> memref<1x4x8x128xf32, #tpu.memory_space<vmem>>
    %dma_wait3A_450 = tpu.memref_squeeze %dma_wait3A_449 : memref<1x4x8x128xf32, #tpu.memory_space<vmem>> -> memref<4x8x128xf32, #tpu.memory_space<vmem>>
    %dma_wait3A_451 = arith.constant 0 : i32
    %dma_wait3A_452 = arith.constant 0 : i32
    %dma_wait3A_453 = arith.constant 0 : i32
    %dma_wait3A_454 = tpu.memref_slice %arg3[%dma_wait3A_451, %dma_wait3A_452, %dma_wait3A_453] : memref<4x8x1000000xf32, #tpu.memory_space<hbm>> -> memref<4x8x128xf32, #tpu.memory_space<hbm>>
    tpu.wait_dma2 semaphore(%arg13 : memref<!tpu.dma_semaphore, #tpu.memory_space<semaphore_mem>>) src(%dma_wait3A_454 : memref<4x8x128xf32, #tpu.memory_space<hbm>>) dst(%dma_wait3A_450 : memref<4x8x128xf32, #tpu.memory_space<vmem>>)
    %dma_wait3A_455 = arith.constant 1 : i32
    %dma_wait3A_456 = arith.constant 0 : i32
    %dma_wait3A_457 = arith.constant 0 : i32
    %dma_wait3A_458 = arith.constant 0 : i32
    %dma_wait3A_459 = tpu.memref_slice %arg9[%dma_wait3A_455, %dma_wait3A_456, %dma_wait3A_457, %dma_wait3A_458] : memref<12x4x8x128xf32, #tpu.memory_space<vmem>> -> memref<1x4x8x128xf32, #tpu.memory_space<vmem>>
    %dma_wait3A_460 = tpu.memref_squeeze %dma_wait3A_459 : memref<1x4x8x128xf32, #tpu.memory_space<vmem>> -> memref<4x8x128xf32, #tpu.memory_space<vmem>>
    %dma_wait3A_461 = arith.constant 0 : i32
    %dma_wait3A_462 = arith.constant 0 : i32
    %dma_wait3A_463 = arith.constant 0 : i32
    %dma_wait3A_464 = tpu.memref_slice %arg2[%dma_wait3A_461, %dma_wait3A_462, %dma_wait3A_463] : memref<4x8x1000000xf32, #tpu.memory_space<hbm>> -> memref<4x8x128xf32, #tpu.memory_space<hbm>>
    %dma_wait3A_465 = arith.constant 0 : i32
    %dma_wait3A_466 = arith.constant 0 : i32
    %dma_wait3A_467 = arith.constant 0 : i32
    %dma_wait3A_468 = tpu.memref_slice %arg9[%dma_wait3A_455, %dma_wait3A_465, %dma_wait3A_466, %dma_wait3A_467] : memref<12x4x8x128xf32, #tpu.memory_space<vmem>> -> memref<1x4x8x128xf32, #tpu.memory_space<vmem>>
    %dma_wait3A_469 = tpu.memref_squeeze %dma_wait3A_468 : memref<1x4x8x128xf32, #tpu.memory_space<vmem>> -> memref<4x8x128xf32, #tpu.memory_space<vmem>>
    %dma_wait3A_470 = arith.constant 0 : i32
    %dma_wait3A_471 = arith.constant 0 : i32
    %dma_wait3A_472 = arith.constant 0 : i32
    %dma_wait3A_473 = tpu.memref_slice %arg2[%dma_wait3A_470, %dma_wait3A_471, %dma_wait3A_472] : memref<4x8x1000000xf32, #tpu.memory_space<hbm>> -> memref<4x8x128xf32, #tpu.memory_space<hbm>>
    tpu.wait_dma2 semaphore(%arg12 : memref<!tpu.dma_semaphore, #tpu.memory_space<semaphore_mem>>) src(%dma_wait3A_473 : memref<4x8x128xf32, #tpu.memory_space<hbm>>) dst(%dma_wait3A_469 : memref<4x8x128xf32, #tpu.memory_space<vmem>>)
    %dma_wait3A_474 = arith.constant 1 : i32
    %dma_wait3A_475 = arith.constant 0 : i32
    %dma_wait3A_476 = arith.constant 0 : i32
    %dma_wait3A_477 = arith.constant 0 : i32
    %dma_wait3A_478 = tpu.memref_slice %arg10[%dma_wait3A_474, %dma_wait3A_475, %dma_wait3A_476, %dma_wait3A_477] : memref<12x4x8x128xf32, #tpu.memory_space<vmem>> -> memref<1x4x8x128xf32, #tpu.memory_space<vmem>>
    %dma_wait3A_479 = tpu.memref_squeeze %dma_wait3A_478 : memref<1x4x8x128xf32, #tpu.memory_space<vmem>> -> memref<4x8x128xf32, #tpu.memory_space<vmem>>
    %dma_wait3A_480 = arith.constant 0 : i32
    %dma_wait3A_481 = arith.constant 0 : i32
    %dma_wait3A_482 = arith.constant 0 : i32
    %dma_wait3A_483 = tpu.memref_slice %arg3[%dma_wait3A_480, %dma_wait3A_481, %dma_wait3A_482] : memref<4x8x1000000xf32, #tpu.memory_space<hbm>> -> memref<4x8x128xf32, #tpu.memory_space<hbm>>
    %dma_wait3A_484 = arith.constant 0 : i32
    %dma_wait3A_485 = arith.constant 0 : i32
    %dma_wait3A_486 = arith.constant 0 : i32
    %dma_wait3A_487 = tpu.memref_slice %arg10[%dma_wait3A_474, %dma_wait3A_484, %dma_wait3A_485, %dma_wait3A_486] : memref<12x4x8x128xf32, #tpu.memory_space<vmem>> -> memref<1x4x8x128xf32, #tpu.memory_space<vmem>>
    %dma_wait3A_488 = tpu.memref_squeeze %dma_wait3A_487 : memref<1x4x8x128xf32, #tpu.memory_space<vmem>> -> memref<4x8x128xf32, #tpu.memory_space<vmem>>
    %dma_wait3A_489 = arith.constant 0 : i32
    %dma_wait3A_490 = arith.constant 0 : i32
    %dma_wait3A_491 = arith.constant 0 : i32
    %dma_wait3A_492 = tpu.memref_slice %arg3[%dma_wait3A_489, %dma_wait3A_490, %dma_wait3A_491] : memref<4x8x1000000xf32, #tpu.memory_space<hbm>> -> memref<4x8x128xf32, #tpu.memory_space<hbm>>
    tpu.wait_dma2 semaphore(%arg13 : memref<!tpu.dma_semaphore, #tpu.memory_space<semaphore_mem>>) src(%dma_wait3A_492 : memref<4x8x128xf32, #tpu.memory_space<hbm>>) dst(%dma_wait3A_488 : memref<4x8x128xf32, #tpu.memory_space<vmem>>)
    %dma_wait3A_493 = arith.constant 2 : i32
    %dma_wait3A_494 = arith.constant 0 : i32
    %dma_wait3A_495 = arith.constant 0 : i32
    %dma_wait3A_496 = arith.constant 0 : i32
    %dma_wait3A_497 = tpu.memref_slice %arg9[%dma_wait3A_493, %dma_wait3A_494, %dma_wait3A_495, %dma_wait3A_496] : memref<12x4x8x128xf32, #tpu.memory_space<vmem>> -> memref<1x4x8x128xf32, #tpu.memory_space<vmem>>
    %dma_wait3A_498 = tpu.memref_squeeze %dma_wait3A_497 : memref<1x4x8x128xf32, #tpu.memory_space<vmem>> -> memref<4x8x128xf32, #tpu.memory_space<vmem>>
    %dma_wait3A_499 = arith.constant 0 : i32
    %dma_wait3A_500 = arith.constant 0 : i32
    %dma_wait3A_501 = arith.constant 0 : i32
    %dma_wait3A_502 = tpu.memref_slice %arg2[%dma_wait3A_499, %dma_wait3A_500, %dma_wait3A_501] : memref<4x8x1000000xf32, #tpu.memory_space<hbm>> -> memref<4x8x128xf32, #tpu.memory_space<hbm>>
    %dma_wait3A_503 = arith.constant 0 : i32
    %dma_wait3A_504 = arith.constant 0 : i32
    %dma_wait3A_505 = arith.constant 0 : i32
    %dma_wait3A_506 = tpu.memref_slice %arg9[%dma_wait3A_493, %dma_wait3A_503, %dma_wait3A_504, %dma_wait3A_505] : memref<12x4x8x128xf32, #tpu.memory_space<vmem>> -> memref<1x4x8x128xf32, #tpu.memory_space<vmem>>
    %dma_wait3A_507 = tpu.memref_squeeze %dma_wait3A_506 : memref<1x4x8x128xf32, #tpu.memory_space<vmem>> -> memref<4x8x128xf32, #tpu.memory_space<vmem>>
    %dma_wait3A_508 = arith.constant 0 : i32
    %dma_wait3A_509 = arith.constant 0 : i32
    %dma_wait3A_510 = arith.constant 0 : i32
    %dma_wait3A_511 = tpu.memref_slice %arg2[%dma_wait3A_508, %dma_wait3A_509, %dma_wait3A_510] : memref<4x8x1000000xf32, #tpu.memory_space<hbm>> -> memref<4x8x128xf32, #tpu.memory_space<hbm>>
    tpu.wait_dma2 semaphore(%arg12 : memref<!tpu.dma_semaphore, #tpu.memory_space<semaphore_mem>>) src(%dma_wait3A_511 : memref<4x8x128xf32, #tpu.memory_space<hbm>>) dst(%dma_wait3A_507 : memref<4x8x128xf32, #tpu.memory_space<vmem>>)
    %dma_wait3A_512 = arith.constant 2 : i32
    %dma_wait3A_513 = arith.constant 0 : i32
    %dma_wait3A_514 = arith.constant 0 : i32
    %dma_wait3A_515 = arith.constant 0 : i32
    %dma_wait3A_516 = tpu.memref_slice %arg10[%dma_wait3A_512, %dma_wait3A_513, %dma_wait3A_514, %dma_wait3A_515] : memref<12x4x8x128xf32, #tpu.memory_space<vmem>> -> memref<1x4x8x128xf32, #tpu.memory_space<vmem>>
    %dma_wait3A_517 = tpu.memref_squeeze %dma_wait3A_516 : memref<1x4x8x128xf32, #tpu.memory_space<vmem>> -> memref<4x8x128xf32, #tpu.memory_space<vmem>>
    %dma_wait3A_518 = arith.constant 0 : i32
    %dma_wait3A_519 = arith.constant 0 : i32
    %dma_wait3A_520 = arith.constant 0 : i32
    %dma_wait3A_521 = tpu.memref_slice %arg3[%dma_wait3A_518, %dma_wait3A_519, %dma_wait3A_520] : memref<4x8x1000000xf32, #tpu.memory_space<hbm>> -> memref<4x8x128xf32, #tpu.memory_space<hbm>>
    %dma_wait3A_522 = arith.constant 0 : i32
    %dma_wait3A_523 = arith.constant 0 : i32
    %dma_wait3A_524 = arith.constant 0 : i32
    %dma_wait3A_525 = tpu.memref_slice %arg10[%dma_wait3A_512, %dma_wait3A_522, %dma_wait3A_523, %dma_wait3A_524] : memref<12x4x8x128xf32, #tpu.memory_space<vmem>> -> memref<1x4x8x128xf32, #tpu.memory_space<vmem>>
    %dma_wait3A_526 = tpu.memref_squeeze %dma_wait3A_525 : memref<1x4x8x128xf32, #tpu.memory_space<vmem>> -> memref<4x8x128xf32, #tpu.memory_space<vmem>>
    %dma_wait3A_527 = arith.constant 0 : i32
    %dma_wait3A_528 = arith.constant 0 : i32
    %dma_wait3A_529 = arith.constant 0 : i32
    %dma_wait3A_530 = tpu.memref_slice %arg3[%dma_wait3A_527, %dma_wait3A_528, %dma_wait3A_529] : memref<4x8x1000000xf32, #tpu.memory_space<hbm>> -> memref<4x8x128xf32, #tpu.memory_space<hbm>>
    tpu.wait_dma2 semaphore(%arg13 : memref<!tpu.dma_semaphore, #tpu.memory_space<semaphore_mem>>) src(%dma_wait3A_530 : memref<4x8x128xf32, #tpu.memory_space<hbm>>) dst(%dma_wait3A_526 : memref<4x8x128xf32, #tpu.memory_space<vmem>>)
    %dma_wait3A_531 = arith.constant 3 : i32
    %dma_wait3A_532 = arith.constant 0 : i32
    %dma_wait3A_533 = arith.constant 0 : i32
    %dma_wait3A_534 = arith.constant 0 : i32
    %dma_wait3A_535 = tpu.memref_slice %arg9[%dma_wait3A_531, %dma_wait3A_532, %dma_wait3A_533, %dma_wait3A_534] : memref<12x4x8x128xf32, #tpu.memory_space<vmem>> -> memref<1x4x8x128xf32, #tpu.memory_space<vmem>>
    %dma_wait3A_536 = tpu.memref_squeeze %dma_wait3A_535 : memref<1x4x8x128xf32, #tpu.memory_space<vmem>> -> memref<4x8x128xf32, #tpu.memory_space<vmem>>
    %dma_wait3A_537 = arith.constant 0 : i32
    %dma_wait3A_538 = arith.constant 0 : i32
    %dma_wait3A_539 = arith.constant 0 : i32
    %dma_wait3A_540 = tpu.memref_slice %arg2[%dma_wait3A_537, %dma_wait3A_538, %dma_wait3A_539] : memref<4x8x1000000xf32, #tpu.memory_space<hbm>> -> memref<4x8x128xf32, #tpu.memory_space<hbm>>
    %dma_wait3A_541 = arith.constant 0 : i32
    %dma_wait3A_542 = arith.constant 0 : i32
    %dma_wait3A_543 = arith.constant 0 : i32
    %dma_wait3A_544 = tpu.memref_slice %arg9[%dma_wait3A_531, %dma_wait3A_541, %dma_wait3A_542, %dma_wait3A_543] : memref<12x4x8x128xf32, #tpu.memory_space<vmem>> -> memref<1x4x8x128xf32, #tpu.memory_space<vmem>>
    %dma_wait3A_545 = tpu.memref_squeeze %dma_wait3A_544 : memref<1x4x8x128xf32, #tpu.memory_space<vmem>> -> memref<4x8x128xf32, #tpu.memory_space<vmem>>
    %dma_wait3A_546 = arith.constant 0 : i32
    %dma_wait3A_547 = arith.constant 0 : i32
    %dma_wait3A_548 = arith.constant 0 : i32
    %dma_wait3A_549 = tpu.memref_slice %arg2[%dma_wait3A_546, %dma_wait3A_547, %dma_wait3A_548] : memref<4x8x1000000xf32, #tpu.memory_space<hbm>> -> memref<4x8x128xf32, #tpu.memory_space<hbm>>
    tpu.wait_dma2 semaphore(%arg12 : memref<!tpu.dma_semaphore, #tpu.memory_space<semaphore_mem>>) src(%dma_wait3A_549 : memref<4x8x128xf32, #tpu.memory_space<hbm>>) dst(%dma_wait3A_545 : memref<4x8x128xf32, #tpu.memory_space<vmem>>)
    %dma_wait3A_550 = arith.constant 3 : i32
    %dma_wait3A_551 = arith.constant 0 : i32
    %dma_wait3A_552 = arith.constant 0 : i32
    %dma_wait3A_553 = arith.constant 0 : i32
    %dma_wait3A_554 = tpu.memref_slice %arg10[%dma_wait3A_550, %dma_wait3A_551, %dma_wait3A_552, %dma_wait3A_553] : memref<12x4x8x128xf32, #tpu.memory_space<vmem>> -> memref<1x4x8x128xf32, #tpu.memory_space<vmem>>
    %dma_wait3A_555 = tpu.memref_squeeze %dma_wait3A_554 : memref<1x4x8x128xf32, #tpu.memory_space<vmem>> -> memref<4x8x128xf32, #tpu.memory_space<vmem>>
    %dma_wait3A_556 = arith.constant 0 : i32
    %dma_wait3A_557 = arith.constant 0 : i32
    %dma_wait3A_558 = arith.constant 0 : i32
    %dma_wait3A_559 = tpu.memref_slice %arg3[%dma_wait3A_556, %dma_wait3A_557, %dma_wait3A_558] : memref<4x8x1000000xf32, #tpu.memory_space<hbm>> -> memref<4x8x128xf32, #tpu.memory_space<hbm>>
    %dma_wait3A_560 = arith.constant 0 : i32
    %dma_wait3A_561 = arith.constant 0 : i32
    %dma_wait3A_562 = arith.constant 0 : i32
    %dma_wait3A_563 = tpu.memref_slice %arg10[%dma_wait3A_550, %dma_wait3A_560, %dma_wait3A_561, %dma_wait3A_562] : memref<12x4x8x128xf32, #tpu.memory_space<vmem>> -> memref<1x4x8x128xf32, #tpu.memory_space<vmem>>
    %dma_wait3A_564 = tpu.memref_squeeze %dma_wait3A_563 : memref<1x4x8x128xf32, #tpu.memory_space<vmem>> -> memref<4x8x128xf32, #tpu.memory_space<vmem>>
    %dma_wait3A_565 = arith.constant 0 : i32
    %dma_wait3A_566 = arith.constant 0 : i32
    %dma_wait3A_567 = arith.constant 0 : i32
    %dma_wait3A_568 = tpu.memref_slice %arg3[%dma_wait3A_565, %dma_wait3A_566, %dma_wait3A_567] : memref<4x8x1000000xf32, #tpu.memory_space<hbm>> -> memref<4x8x128xf32, #tpu.memory_space<hbm>>
    tpu.wait_dma2 semaphore(%arg13 : memref<!tpu.dma_semaphore, #tpu.memory_space<semaphore_mem>>) src(%dma_wait3A_568 : memref<4x8x128xf32, #tpu.memory_space<hbm>>) dst(%dma_wait3A_564 : memref<4x8x128xf32, #tpu.memory_space<vmem>>)
    %rem3A_569 = arith.constant 126 : i32
    %rem3A_570 = arith.constant 3 : i32
    %rem3A_571 = arith.remsi %rem3A_569, %rem3A_570 : i32
    %mul3A_572 = arith.constant 4 : i32
    %mul3A_573 = arith.muli %rem3A_571, %mul3A_572 : i32
    %get3A_574 = arith.constant 504 : index
    %get3A_575 = tpu.vector_load %arg7[%get3A_574] {strides = array<i32>} : memref<528xi32, #tpu.memory_space<vmem>>, vector<16xi32>,
    %and3A = arith.constant 127 : i32
    %and3A_576 = vector.broadcast %and3A : i32 to vector<16xi32>
    %and3A_577 = arith.andi %get3A_575, %and3A_576 : vector<16xi32>
    %get3A_578 = arith.constant 504 : index
    %get3A_579 = tpu.vector_load %arg8[%get3A_578] {strides = array<i32>} : memref<528xi32, #tpu.memory_space<vmem>>, vector<16xi32>,
    %and3A_580 = arith.constant 127 : i32
    %and3A_581 = vector.broadcast %and3A_580 : i32 to vector<16xi32>
    %and3A_582 = arith.andi %get3A_579, %and3A_581 : vector<16xi32>
    %and3A_583 = arith.constant 3 : i32
    %and3A_584 = vector.broadcast %and3A_583 : i32 to vector<16xi32>
    %and3A_585 = arith.andi %iota3A, %and3A_584 : vector<16xi32>
    %add3A_586 = vector.broadcast %mul3A_573 : i32 to vector<16xi32>
    %add3A_587 = arith.addi %add3A_586, %and3A_585 : vector<16xi32>
    %broadcast_in_dim3A = arith.constant 0.000000e+00 : f32
    %broadcast_in_dim3A_588 = vector.broadcast %broadcast_in_dim3A : f32 to vector<16xf32>
    %broadcast_in_dim3A_589 = arith.constant 0 : i32
    %broadcast_in_dim3A_590 = vector.broadcast %broadcast_in_dim3A_589 : i32 to vector<16xi32>
    %broadcast_in_dim3A_591 = arith.constant 0 : i32
    %broadcast_in_dim3A_592 = vector.broadcast %broadcast_in_dim3A_591 : i32 to vector<16xi32>
    %gather3A = tpu.vector_load_idx %arg9[%add3A_587, %broadcast_in_dim3A_590, %broadcast_in_dim3A_592, %and3A_577] : memref<12x4x8x128xf32, #tpu.memory_space<vmem>>[vector<16xi32>, vector<16xi32>, vector<16xi32>, vector<16xi32>], vector<16xf32>,
    %gather3A_593 = tpu.vector_load_idx %arg10[%add3A_587, %broadcast_in_dim3A_590, %broadcast_in_dim3A_592, %and3A_582] : memref<12x4x8x128xf32, #tpu.memory_space<vmem>>[vector<16xi32>, vector<16xi32>, vector<16xi32>, vector<16xi32>], vector<16xf32>,
    %mul3A_594 = arith.mulf %gather3A, %gather3A_593 : vector<16xf32>
    %add3A_595 = arith.addf %broadcast_in_dim3A_588, %mul3A_594 : vector<16xf32>
    %broadcast_in_dim3A_596 = arith.constant 0 : i32
    %broadcast_in_dim3A_597 = vector.broadcast %broadcast_in_dim3A_596 : i32 to vector<16xi32>
    %broadcast_in_dim3A_598 = arith.constant 1 : i32
    %broadcast_in_dim3A_599 = vector.broadcast %broadcast_in_dim3A_598 : i32 to vector<16xi32>
    %gather3A_600 = tpu.vector_load_idx %arg9[%add3A_587, %broadcast_in_dim3A_597, %broadcast_in_dim3A_599, %and3A_577] : memref<12x4x8x128xf32, #tpu.memory_space<vmem>>[vector<16xi32>, vector<16xi32>, vector<16xi32>, vector<16xi32>], vector<16xf32>,
    %gather3A_601 = tpu.vector_load_idx %arg10[%add3A_587, %broadcast_in_dim3A_597, %broadcast_in_dim3A_599, %and3A_582] : memref<12x4x8x128xf32, #tpu.memory_space<vmem>>[vector<16xi32>, vector<16xi32>, vector<16xi32>, vector<16xi32>], vector<16xf32>,
    %mul3A_602 = arith.mulf %gather3A_600, %gather3A_601 : vector<16xf32>
    %add3A_603 = arith.addf %add3A_595, %mul3A_602 : vector<16xf32>
    %broadcast_in_dim3A_604 = arith.constant 0 : i32
    %broadcast_in_dim3A_605 = vector.broadcast %broadcast_in_dim3A_604 : i32 to vector<16xi32>
    %broadcast_in_dim3A_606 = arith.constant 2 : i32
    %broadcast_in_dim3A_607 = vector.broadcast %broadcast_in_dim3A_606 : i32 to vector<16xi32>
    %gather3A_608 = tpu.vector_load_idx %arg9[%add3A_587, %broadcast_in_dim3A_605, %broadcast_in_dim3A_607, %and3A_577] : memref<12x4x8x128xf32, #tpu.memory_space<vmem>>[vector<16xi32>, vector<16xi32>, vector<16xi32>, vector<16xi32>], vector<16xf32>,
    %gather3A_609 = tpu.vector_load_idx %arg10[%add3A_587, %broadcast_in_dim3A_605, %broadcast_in_dim3A_607, %and3A_582] : memref<12x4x8x128xf32, #tpu.memory_space<vmem>>[vector<16xi32>, vector<16xi32>, vector<16xi32>, vector<16xi32>], vector<16xf32>,
    %mul3A_610 = arith.mulf %gather3A_608, %gather3A_609 : vector<16xf32>
    %add3A_611 = arith.addf %add3A_603, %mul3A_610 : vector<16xf32>
    %broadcast_in_dim3A_612 = arith.constant 0 : i32
    %broadcast_in_dim3A_613 = vector.broadcast %broadcast_in_dim3A_612 : i32 to vector<16xi32>
    %broadcast_in_dim3A_614 = arith.constant 3 : i32
    %broadcast_in_dim3A_615 = vector.broadcast %broadcast_in_dim3A_614 : i32 to vector<16xi32>
    %gather3A_616 = tpu.vector_load_idx %arg9[%add3A_587, %broadcast_in_dim3A_613, %broadcast_in_dim3A_615, %and3A_577] : memref<12x4x8x128xf32, #tpu.memory_space<vmem>>[vector<16xi32>, vector<16xi32>, vector<16xi32>, vector<16xi32>], vector<16xf32>,
    %gather3A_617 = tpu.vector_load_idx %arg10[%add3A_587, %broadcast_in_dim3A_613, %broadcast_in_dim3A_615, %and3A_582] : memref<12x4x8x128xf32, #tpu.memory_space<vmem>>[vector<16xi32>, vector<16xi32>, vector<16xi32>, vector<16xi32>], vector<16xf32>,
    %mul3A_618 = arith.mulf %gather3A_616, %gather3A_617 : vector<16xf32>
    %add3A_619 = arith.addf %add3A_611, %mul3A_618 : vector<16xf32>
    %broadcast_in_dim3A_620 = arith.constant 0 : i32
    %broadcast_in_dim3A_621 = vector.broadcast %broadcast_in_dim3A_620 : i32 to vector<16xi32>
    %broadcast_in_dim3A_622 = arith.constant 4 : i32
    %broadcast_in_dim3A_623 = vector.broadcast %broadcast_in_dim3A_622 : i32 to vector<16xi32>
    %gather3A_624 = tpu.vector_load_idx %arg9[%add3A_587, %broadcast_in_dim3A_621, %broadcast_in_dim3A_623, %and3A_577] : memref<12x4x8x128xf32, #tpu.memory_space<vmem>>[vector<16xi32>, vector<16xi32>, vector<16xi32>, vector<16xi32>], vector<16xf32>,
    %gather3A_625 = tpu.vector_load_idx %arg10[%add3A_587, %broadcast_in_dim3A_621, %broadcast_in_dim3A_623, %and3A_582] : memref<12x4x8x128xf32, #tpu.memory_space<vmem>>[vector<16xi32>, vector<16xi32>, vector<16xi32>, vector<16xi32>], vector<16xf32>,
    %mul3A_626 = arith.mulf %gather3A_624, %gather3A_625 : vector<16xf32>
    %add3A_627 = arith.addf %add3A_619, %mul3A_626 : vector<16xf32>
    %broadcast_in_dim3A_628 = arith.constant 0 : i32
    %broadcast_in_dim3A_629 = vector.broadcast %broadcast_in_dim3A_628 : i32 to vector<16xi32>
    %broadcast_in_dim3A_630 = arith.constant 5 : i32
    %broadcast_in_dim3A_631 = vector.broadcast %broadcast_in_dim3A_630 : i32 to vector<16xi32>
    %gather3A_632 = tpu.vector_load_idx %arg9[%add3A_587, %broadcast_in_dim3A_629, %broadcast_in_dim3A_631, %and3A_577] : memref<12x4x8x128xf32, #tpu.memory_space<vmem>>[vector<16xi32>, vector<16xi32>, vector<16xi32>, vector<16xi32>], vector<16xf32>,
    %gather3A_633 = tpu.vector_load_idx %arg10[%add3A_587, %broadcast_in_dim3A_629, %broadcast_in_dim3A_631, %and3A_582] : memref<12x4x8x128xf32, #tpu.memory_space<vmem>>[vector<16xi32>, vector<16xi32>, vector<16xi32>, vector<16xi32>], vector<16xf32>,
    %mul3A_634 = arith.mulf %gather3A_632, %gather3A_633 : vector<16xf32>
    %add3A_635 = arith.addf %add3A_627, %mul3A_634 : vector<16xf32>
    %broadcast_in_dim3A_636 = arith.constant 0 : i32
    %broadcast_in_dim3A_637 = vector.broadcast %broadcast_in_dim3A_636 : i32 to vector<16xi32>
    %broadcast_in_dim3A_638 = arith.constant 6 : i32
    %broadcast_in_dim3A_639 = vector.broadcast %broadcast_in_dim3A_638 : i32 to vector<16xi32>
    %gather3A_640 = tpu.vector_load_idx %arg9[%add3A_587, %broadcast_in_dim3A_637, %broadcast_in_dim3A_639, %and3A_577] : memref<12x4x8x128xf32, #tpu.memory_space<vmem>>[vector<16xi32>, vector<16xi32>, vector<16xi32>, vector<16xi32>], vector<16xf32>,
    %gather3A_641 = tpu.vector_load_idx %arg10[%add3A_587, %broadcast_in_dim3A_637, %broadcast_in_dim3A_639, %and3A_582] : memref<12x4x8x128xf32, #tpu.memory_space<vmem>>[vector<16xi32>, vector<16xi32>, vector<16xi32>, vector<16xi32>], vector<16xf32>,
    %mul3A_642 = arith.mulf %gather3A_640, %gather3A_641 : vector<16xf32>
    %add3A_643 = arith.addf %add3A_635, %mul3A_642 : vector<16xf32>
    %broadcast_in_dim3A_644 = arith.constant 0 : i32
    %broadcast_in_dim3A_645 = vector.broadcast %broadcast_in_dim3A_644 : i32 to vector<16xi32>
    %broadcast_in_dim3A_646 = arith.constant 7 : i32
    %broadcast_in_dim3A_647 = vector.broadcast %broadcast_in_dim3A_646 : i32 to vector<16xi32>
    %gather3A_648 = tpu.vector_load_idx %arg9[%add3A_587, %broadcast_in_dim3A_645, %broadcast_in_dim3A_647, %and3A_577] : memref<12x4x8x128xf32, #tpu.memory_space<vmem>>[vector<16xi32>, vector<16xi32>, vector<16xi32>, vector<16xi32>], vector<16xf32>,
    %gather3A_649 = tpu.vector_load_idx %arg10[%add3A_587, %broadcast_in_dim3A_645, %broadcast_in_dim3A_647, %and3A_582] : memref<12x4x8x128xf32, #tpu.memory_space<vmem>>[vector<16xi32>, vector<16xi32>, vector<16xi32>, vector<16xi32>], vector<16xf32>,
    %mul3A_650 = arith.mulf %gather3A_648, %gather3A_649 : vector<16xf32>
    %add3A_651 = arith.addf %add3A_643, %mul3A_650 : vector<16xf32>
    %broadcast_in_dim3A_652 = arith.constant 1 : i32
    %broadcast_in_dim3A_653 = vector.broadcast %broadcast_in_dim3A_652 : i32 to vector<16xi32>
    %broadcast_in_dim3A_654 = arith.constant 0 : i32
    %broadcast_in_dim3A_655 = vector.broadcast %broadcast_in_dim3A_654 : i32 to vector<16xi32>
    %gather3A_656 = tpu.vector_load_idx %arg9[%add3A_587, %broadcast_in_dim3A_653, %broadcast_in_dim3A_655, %and3A_577] : memref<12x4x8x128xf32, #tpu.memory_space<vmem>>[vector<16xi32>, vector<16xi32>, vector<16xi32>, vector<16xi32>], vector<16xf32>,
    %gather3A_657 = tpu.vector_load_idx %arg10[%add3A_587, %broadcast_in_dim3A_653, %broadcast_in_dim3A_655, %and3A_582] : memref<12x4x8x128xf32, #tpu.memory_space<vmem>>[vector<16xi32>, vector<16xi32>, vector<16xi32>, vector<16xi32>], vector<16xf32>,
    %mul3A_658 = arith.mulf %gather3A_656, %gather3A_657 : vector<16xf32>
    %add3A_659 = arith.addf %add3A_651, %mul3A_658 : vector<16xf32>
    %broadcast_in_dim3A_660 = arith.constant 1 : i32
    %broadcast_in_dim3A_661 = vector.broadcast %broadcast_in_dim3A_660 : i32 to vector<16xi32>
    %broadcast_in_dim3A_662 = arith.constant 1 : i32
    %broadcast_in_dim3A_663 = vector.broadcast %broadcast_in_dim3A_662 : i32 to vector<16xi32>
    %gather3A_664 = tpu.vector_load_idx %arg9[%add3A_587, %broadcast_in_dim3A_661, %broadcast_in_dim3A_663, %and3A_577] : memref<12x4x8x128xf32, #tpu.memory_space<vmem>>[vector<16xi32>, vector<16xi32>, vector<16xi32>, vector<16xi32>], vector<16xf32>,
    %gather3A_665 = tpu.vector_load_idx %arg10[%add3A_587, %broadcast_in_dim3A_661, %broadcast_in_dim3A_663, %and3A_582] : memref<12x4x8x128xf32, #tpu.memory_space<vmem>>[vector<16xi32>, vector<16xi32>, vector<16xi32>, vector<16xi32>], vector<16xf32>,
    %mul3A_666 = arith.mulf %gather3A_664, %gather3A_665 : vector<16xf32>
    %add3A_667 = arith.addf %add3A_659, %mul3A_666 : vector<16xf32>
    %broadcast_in_dim3A_668 = arith.constant 1 : i32
    %broadcast_in_dim3A_669 = vector.broadcast %broadcast_in_dim3A_668 : i32 to vector<16xi32>
    %broadcast_in_dim3A_670 = arith.constant 2 : i32
    %broadcast_in_dim3A_671 = vector.broadcast %broadcast_in_dim3A_670 : i32 to vector<16xi32>
    %gather3A_672 = tpu.vector_load_idx %arg9[%add3A_587, %broadcast_in_dim3A_669, %broadcast_in_dim3A_671, %and3A_577] : memref<12x4x8x128xf32, #tpu.memory_space<vmem>>[vector<16xi32>, vector<16xi32>, vector<16xi32>, vector<16xi32>], vector<16xf32>,
    %gather3A_673 = tpu.vector_load_idx %arg10[%add3A_587, %broadcast_in_dim3A_669, %broadcast_in_dim3A_671, %and3A_582] : memref<12x4x8x128xf32, #tpu.memory_space<vmem>>[vector<16xi32>, vector<16xi32>, vector<16xi32>, vector<16xi32>], vector<16xf32>,
    %mul3A_674 = arith.mulf %gather3A_672, %gather3A_673 : vector<16xf32>
    %add3A_675 = arith.addf %add3A_667, %mul3A_674 : vector<16xf32>
    %broadcast_in_dim3A_676 = arith.constant 1 : i32
    %broadcast_in_dim3A_677 = vector.broadcast %broadcast_in_dim3A_676 : i32 to vector<16xi32>
    %broadcast_in_dim3A_678 = arith.constant 3 : i32
    %broadcast_in_dim3A_679 = vector.broadcast %broadcast_in_dim3A_678 : i32 to vector<16xi32>
    %gather3A_680 = tpu.vector_load_idx %arg9[%add3A_587, %broadcast_in_dim3A_677, %broadcast_in_dim3A_679, %and3A_577] : memref<12x4x8x128xf32, #tpu.memory_space<vmem>>[vector<16xi32>, vector<16xi32>, vector<16xi32>, vector<16xi32>], vector<16xf32>,
    %gather3A_681 = tpu.vector_load_idx %arg10[%add3A_587, %broadcast_in_dim3A_677, %broadcast_in_dim3A_679, %and3A_582] : memref<12x4x8x128xf32, #tpu.memory_space<vmem>>[vector<16xi32>, vector<16xi32>, vector<16xi32>, vector<16xi32>], vector<16xf32>,
    %mul3A_682 = arith.mulf %gather3A_680, %gather3A_681 : vector<16xf32>
    %add3A_683 = arith.addf %add3A_675, %mul3A_682 : vector<16xf32>
    %broadcast_in_dim3A_684 = arith.constant 1 : i32
    %broadcast_in_dim3A_685 = vector.broadcast %broadcast_in_dim3A_684 : i32 to vector<16xi32>
    %broadcast_in_dim3A_686 = arith.constant 4 : i32
    %broadcast_in_dim3A_687 = vector.broadcast %broadcast_in_dim3A_686 : i32 to vector<16xi32>
    %gather3A_688 = tpu.vector_load_idx %arg9[%add3A_587, %broadcast_in_dim3A_685, %broadcast_in_dim3A_687, %and3A_577] : memref<12x4x8x128xf32, #tpu.memory_space<vmem>>[vector<16xi32>, vector<16xi32>, vector<16xi32>, vector<16xi32>], vector<16xf32>,
    %gather3A_689 = tpu.vector_load_idx %arg10[%add3A_587, %broadcast_in_dim3A_685, %broadcast_in_dim3A_687, %and3A_582] : memref<12x4x8x128xf32, #tpu.memory_space<vmem>>[vector<16xi32>, vector<16xi32>, vector<16xi32>, vector<16xi32>], vector<16xf32>,
    %mul3A_690 = arith.mulf %gather3A_688, %gather3A_689 : vector<16xf32>
    %add3A_691 = arith.addf %add3A_683, %mul3A_690 : vector<16xf32>
    %broadcast_in_dim3A_692 = arith.constant 1 : i32
    %broadcast_in_dim3A_693 = vector.broadcast %broadcast_in_dim3A_692 : i32 to vector<16xi32>
    %broadcast_in_dim3A_694 = arith.constant 5 : i32
    %broadcast_in_dim3A_695 = vector.broadcast %broadcast_in_dim3A_694 : i32 to vector<16xi32>
    %gather3A_696 = tpu.vector_load_idx %arg9[%add3A_587, %broadcast_in_dim3A_693, %broadcast_in_dim3A_695, %and3A_577] : memref<12x4x8x128xf32, #tpu.memory_space<vmem>>[vector<16xi32>, vector<16xi32>, vector<16xi32>, vector<16xi32>], vector<16xf32>,
    %gather3A_697 = tpu.vector_load_idx %arg10[%add3A_587, %broadcast_in_dim3A_693, %broadcast_in_dim3A_695, %and3A_582] : memref<12x4x8x128xf32, #tpu.memory_space<vmem>>[vector<16xi32>, vector<16xi32>, vector<16xi32>, vector<16xi32>], vector<16xf32>,
    %mul3A_698 = arith.mulf %gather3A_696, %gather3A_697 : vector<16xf32>
    %add3A_699 = arith.addf %add3A_691, %mul3A_698 : vector<16xf32>
    %broadcast_in_dim3A_700 = arith.constant 1 : i32
    %broadcast_in_dim3A_701 = vector.broadcast %broadcast_in_dim3A_700 : i32 to vector<16xi32>
    %broadcast_in_dim3A_702 = arith.constant 6 : i32
    %broadcast_in_dim3A_703 = vector.broadcast %broadcast_in_dim3A_702 : i32 to vector<16xi32>
    %gather3A_704 = tpu.vector_load_idx %arg9[%add3A_587, %broadcast_in_dim3A_701, %broadcast_in_dim3A_703, %and3A_577] : memref<12x4x8x128xf32, #tpu.memory_space<vmem>>[vector<16xi32>, vector<16xi32>, vector<16xi32>, vector<16xi32>], vector<16xf32>,
    %gather3A_705 = tpu.vector_load_idx %arg10[%add3A_587, %broadcast_in_dim3A_701, %broadcast_in_dim3A_703, %and3A_582] : memref<12x4x8x128xf32, #tpu.memory_space<vmem>>[vector<16xi32>, vector<16xi32>, vector<16xi32>, vector<16xi32>], vector<16xf32>,
    %mul3A_706 = arith.mulf %gather3A_704, %gather3A_705 : vector<16xf32>
    %add3A_707 = arith.addf %add3A_699, %mul3A_706 : vector<16xf32>
    %broadcast_in_dim3A_708 = arith.constant 1 : i32
    %broadcast_in_dim3A_709 = vector.broadcast %broadcast_in_dim3A_708 : i32 to vector<16xi32>
    %broadcast_in_dim3A_710 = arith.constant 7 : i32
    %broadcast_in_dim3A_711 = vector.broadcast %broadcast_in_dim3A_710 : i32 to vector<16xi32>
    %gather3A_712 = tpu.vector_load_idx %arg9[%add3A_587, %broadcast_in_dim3A_709, %broadcast_in_dim3A_711, %and3A_577] : memref<12x4x8x128xf32, #tpu.memory_space<vmem>>[vector<16xi32>, vector<16xi32>, vector<16xi32>, vector<16xi32>], vector<16xf32>,
    %gather3A_713 = tpu.vector_load_idx %arg10[%add3A_587, %broadcast_in_dim3A_709, %broadcast_in_dim3A_711, %and3A_582] : memref<12x4x8x128xf32, #tpu.memory_space<vmem>>[vector<16xi32>, vector<16xi32>, vector<16xi32>, vector<16xi32>], vector<16xf32>,
    %mul3A_714 = arith.mulf %gather3A_712, %gather3A_713 : vector<16xf32>
    %add3A_715 = arith.addf %add3A_707, %mul3A_714 : vector<16xf32>
    %broadcast_in_dim3A_716 = arith.constant 2 : i32
    %broadcast_in_dim3A_717 = vector.broadcast %broadcast_in_dim3A_716 : i32 to vector<16xi32>
    %broadcast_in_dim3A_718 = arith.constant 0 : i32
    %broadcast_in_dim3A_719 = vector.broadcast %broadcast_in_dim3A_718 : i32 to vector<16xi32>
    %gather3A_720 = tpu.vector_load_idx %arg9[%add3A_587, %broadcast_in_dim3A_717, %broadcast_in_dim3A_719, %and3A_577] : memref<12x4x8x128xf32, #tpu.memory_space<vmem>>[vector<16xi32>, vector<16xi32>, vector<16xi32>, vector<16xi32>], vector<16xf32>,
    %gather3A_721 = tpu.vector_load_idx %arg10[%add3A_587, %broadcast_in_dim3A_717, %broadcast_in_dim3A_719, %and3A_582] : memref<12x4x8x128xf32, #tpu.memory_space<vmem>>[vector<16xi32>, vector<16xi32>, vector<16xi32>, vector<16xi32>], vector<16xf32>,
    %mul3A_722 = arith.mulf %gather3A_720, %gather3A_721 : vector<16xf32>
    %add3A_723 = arith.addf %add3A_715, %mul3A_722 : vector<16xf32>
    %broadcast_in_dim3A_724 = arith.constant 2 : i32
    %broadcast_in_dim3A_725 = vector.broadcast %broadcast_in_dim3A_724 : i32 to vector<16xi32>
    %broadcast_in_dim3A_726 = arith.constant 1 : i32
    %broadcast_in_dim3A_727 = vector.broadcast %broadcast_in_dim3A_726 : i32 to vector<16xi32>
    %gather3A_728 = tpu.vector_load_idx %arg9[%add3A_587, %broadcast_in_dim3A_725, %broadcast_in_dim3A_727, %and3A_577] : memref<12x4x8x128xf32, #tpu.memory_space<vmem>>[vector<16xi32>, vector<16xi32>, vector<16xi32>, vector<16xi32>], vector<16xf32>,
    %gather3A_729 = tpu.vector_load_idx %arg10[%add3A_587, %broadcast_in_dim3A_725, %broadcast_in_dim3A_727, %and3A_582] : memref<12x4x8x128xf32, #tpu.memory_space<vmem>>[vector<16xi32>, vector<16xi32>, vector<16xi32>, vector<16xi32>], vector<16xf32>,
    %mul3A_730 = arith.mulf %gather3A_728, %gather3A_729 : vector<16xf32>
    %add3A_731 = arith.addf %add3A_723, %mul3A_730 : vector<16xf32>
    %broadcast_in_dim3A_732 = arith.constant 2 : i32
    %broadcast_in_dim3A_733 = vector.broadcast %broadcast_in_dim3A_732 : i32 to vector<16xi32>
    %broadcast_in_dim3A_734 = arith.constant 2 : i32
    %broadcast_in_dim3A_735 = vector.broadcast %broadcast_in_dim3A_734 : i32 to vector<16xi32>
    %gather3A_736 = tpu.vector_load_idx %arg9[%add3A_587, %broadcast_in_dim3A_733, %broadcast_in_dim3A_735, %and3A_577] : memref<12x4x8x128xf32, #tpu.memory_space<vmem>>[vector<16xi32>, vector<16xi32>, vector<16xi32>, vector<16xi32>], vector<16xf32>,
    %gather3A_737 = tpu.vector_load_idx %arg10[%add3A_587, %broadcast_in_dim3A_733, %broadcast_in_dim3A_735, %and3A_582] : memref<12x4x8x128xf32, #tpu.memory_space<vmem>>[vector<16xi32>, vector<16xi32>, vector<16xi32>, vector<16xi32>], vector<16xf32>,
    %mul3A_738 = arith.mulf %gather3A_736, %gather3A_737 : vector<16xf32>
    %add3A_739 = arith.addf %add3A_731, %mul3A_738 : vector<16xf32>
    %broadcast_in_dim3A_740 = arith.constant 2 : i32
    %broadcast_in_dim3A_741 = vector.broadcast %broadcast_in_dim3A_740 : i32 to vector<16xi32>
    %broadcast_in_dim3A_742 = arith.constant 3 : i32
    %broadcast_in_dim3A_743 = vector.broadcast %broadcast_in_dim3A_742 : i32 to vector<16xi32>
    %gather3A_744 = tpu.vector_load_idx %arg9[%add3A_587, %broadcast_in_dim3A_741, %broadcast_in_dim3A_743, %and3A_577] : memref<12x4x8x128xf32, #tpu.memory_space<vmem>>[vector<16xi32>, vector<16xi32>, vector<16xi32>, vector<16xi32>], vector<16xf32>,
    %gather3A_745 = tpu.vector_load_idx %arg10[%add3A_587, %broadcast_in_dim3A_741, %broadcast_in_dim3A_743, %and3A_582] : memref<12x4x8x128xf32, #tpu.memory_space<vmem>>[vector<16xi32>, vector<16xi32>, vector<16xi32>, vector<16xi32>], vector<16xf32>,
    %mul3A_746 = arith.mulf %gather3A_744, %gather3A_745 : vector<16xf32>
    %add3A_747 = arith.addf %add3A_739, %mul3A_746 : vector<16xf32>
    %broadcast_in_dim3A_748 = arith.constant 2 : i32
    %broadcast_in_dim3A_749 = vector.broadcast %broadcast_in_dim3A_748 : i32 to vector<16xi32>
    %broadcast_in_dim3A_750 = arith.constant 4 : i32
    %broadcast_in_dim3A_751 = vector.broadcast %broadcast_in_dim3A_750 : i32 to vector<16xi32>
    %gather3A_752 = tpu.vector_load_idx %arg9[%add3A_587, %broadcast_in_dim3A_749, %broadcast_in_dim3A_751, %and3A_577] : memref<12x4x8x128xf32, #tpu.memory_space<vmem>>[vector<16xi32>, vector<16xi32>, vector<16xi32>, vector<16xi32>], vector<16xf32>,
    %gather3A_753 = tpu.vector_load_idx %arg10[%add3A_587, %broadcast_in_dim3A_749, %broadcast_in_dim3A_751, %and3A_582] : memref<12x4x8x128xf32, #tpu.memory_space<vmem>>[vector<16xi32>, vector<16xi32>, vector<16xi32>, vector<16xi32>], vector<16xf32>,
    %mul3A_754 = arith.mulf %gather3A_752, %gather3A_753 : vector<16xf32>
    %add3A_755 = arith.addf %add3A_747, %mul3A_754 : vector<16xf32>
    %broadcast_in_dim3A_756 = arith.constant 2 : i32
    %broadcast_in_dim3A_757 = vector.broadcast %broadcast_in_dim3A_756 : i32 to vector<16xi32>
    %broadcast_in_dim3A_758 = arith.constant 5 : i32
    %broadcast_in_dim3A_759 = vector.broadcast %broadcast_in_dim3A_758 : i32 to vector<16xi32>
    %gather3A_760 = tpu.vector_load_idx %arg9[%add3A_587, %broadcast_in_dim3A_757, %broadcast_in_dim3A_759, %and3A_577] : memref<12x4x8x128xf32, #tpu.memory_space<vmem>>[vector<16xi32>, vector<16xi32>, vector<16xi32>, vector<16xi32>], vector<16xf32>,
    %gather3A_761 = tpu.vector_load_idx %arg10[%add3A_587, %broadcast_in_dim3A_757, %broadcast_in_dim3A_759, %and3A_582] : memref<12x4x8x128xf32, #tpu.memory_space<vmem>>[vector<16xi32>, vector<16xi32>, vector<16xi32>, vector<16xi32>], vector<16xf32>,
    %mul3A_762 = arith.mulf %gather3A_760, %gather3A_761 : vector<16xf32>
    %add3A_763 = arith.addf %add3A_755, %mul3A_762 : vector<16xf32>
    %broadcast_in_dim3A_764 = arith.constant 2 : i32
    %broadcast_in_dim3A_765 = vector.broadcast %broadcast_in_dim3A_764 : i32 to vector<16xi32>
    %broadcast_in_dim3A_766 = arith.constant 6 : i32
    %broadcast_in_dim3A_767 = vector.broadcast %broadcast_in_dim3A_766 : i32 to vector<16xi32>
    %gather3A_768 = tpu.vector_load_idx %arg9[%add3A_587, %broadcast_in_dim3A_765, %broadcast_in_dim3A_767, %and3A_577] : memref<12x4x8x128xf32, #tpu.memory_space<vmem>>[vector<16xi32>, vector<16xi32>, vector<16xi32>, vector<16xi32>], vector<16xf32>,
    %gather3A_769 = tpu.vector_load_idx %arg10[%add3A_587, %broadcast_in_dim3A_765, %broadcast_in_dim3A_767, %and3A_582] : memref<12x4x8x128xf32, #tpu.memory_space<vmem>>[vector<16xi32>, vector<16xi32>, vector<16xi32>, vector<16xi32>], vector<16xf32>,
    %mul3A_770 = arith.mulf %gather3A_768, %gather3A_769 : vector<16xf32>
    %add3A_771 = arith.addf %add3A_763, %mul3A_770 : vector<16xf32>
    %broadcast_in_dim3A_772 = arith.constant 2 : i32
    %broadcast_in_dim3A_773 = vector.broadcast %broadcast_in_dim3A_772 : i32 to vector<16xi32>
    %broadcast_in_dim3A_774 = arith.constant 7 : i32
    %broadcast_in_dim3A_775 = vector.broadcast %broadcast_in_dim3A_774 : i32 to vector<16xi32>
    %gather3A_776 = tpu.vector_load_idx %arg9[%add3A_587, %broadcast_in_dim3A_773, %broadcast_in_dim3A_775, %and3A_577] : memref<12x4x8x128xf32, #tpu.memory_space<vmem>>[vector<16xi32>, vector<16xi32>, vector<16xi32>, vector<16xi32>], vector<16xf32>,
    %gather3A_777 = tpu.vector_load_idx %arg10[%add3A_587, %broadcast_in_dim3A_773, %broadcast_in_dim3A_775, %and3A_582] : memref<12x4x8x128xf32, #tpu.memory_space<vmem>>[vector<16xi32>, vector<16xi32>, vector<16xi32>, vector<16xi32>], vector<16xf32>,
    %mul3A_778 = arith.mulf %gather3A_776, %gather3A_777 : vector<16xf32>
    %add3A_779 = arith.addf %add3A_771, %mul3A_778 : vector<16xf32>
    %broadcast_in_dim3A_780 = arith.constant 3 : i32
    %broadcast_in_dim3A_781 = vector.broadcast %broadcast_in_dim3A_780 : i32 to vector<16xi32>
    %broadcast_in_dim3A_782 = arith.constant 0 : i32
    %broadcast_in_dim3A_783 = vector.broadcast %broadcast_in_dim3A_782 : i32 to vector<16xi32>
    %gather3A_784 = tpu.vector_load_idx %arg9[%add3A_587, %broadcast_in_dim3A_781, %broadcast_in_dim3A_783, %and3A_577] : memref<12x4x8x128xf32, #tpu.memory_space<vmem>>[vector<16xi32>, vector<16xi32>, vector<16xi32>, vector<16xi32>], vector<16xf32>,
    %gather3A_785 = tpu.vector_load_idx %arg10[%add3A_587, %broadcast_in_dim3A_781, %broadcast_in_dim3A_783, %and3A_582] : memref<12x4x8x128xf32, #tpu.memory_space<vmem>>[vector<16xi32>, vector<16xi32>, vector<16xi32>, vector<16xi32>], vector<16xf32>,
    %mul3A_786 = arith.mulf %gather3A_784, %gather3A_785 : vector<16xf32>
    %add3A_787 = arith.addf %add3A_779, %mul3A_786 : vector<16xf32>
    %broadcast_in_dim3A_788 = arith.constant 3 : i32
    %broadcast_in_dim3A_789 = vector.broadcast %broadcast_in_dim3A_788 : i32 to vector<16xi32>
    %broadcast_in_dim3A_790 = arith.constant 1 : i32
    %broadcast_in_dim3A_791 = vector.broadcast %broadcast_in_dim3A_790 : i32 to vector<16xi32>
    %gather3A_792 = tpu.vector_load_idx %arg9[%add3A_587, %broadcast_in_dim3A_789, %broadcast_in_dim3A_791, %and3A_577] : memref<12x4x8x128xf32, #tpu.memory_space<vmem>>[vector<16xi32>, vector<16xi32>, vector<16xi32>, vector<16xi32>], vector<16xf32>,
    %gather3A_793 = tpu.vector_load_idx %arg10[%add3A_587, %broadcast_in_dim3A_789, %broadcast_in_dim3A_791, %and3A_582] : memref<12x4x8x128xf32, #tpu.memory_space<vmem>>[vector<16xi32>, vector<16xi32>, vector<16xi32>, vector<16xi32>], vector<16xf32>,
    %mul3A_794 = arith.mulf %gather3A_792, %gather3A_793 : vector<16xf32>
    %add3A_795 = arith.addf %add3A_787, %mul3A_794 : vector<16xf32>
    %broadcast_in_dim3A_796 = arith.constant 3 : i32
    %broadcast_in_dim3A_797 = vector.broadcast %broadcast_in_dim3A_796 : i32 to vector<16xi32>
    %broadcast_in_dim3A_798 = arith.constant 2 : i32
    %broadcast_in_dim3A_799 = vector.broadcast %broadcast_in_dim3A_798 : i32 to vector<16xi32>
    %gather3A_800 = tpu.vector_load_idx %arg9[%add3A_587, %broadcast_in_dim3A_797, %broadcast_in_dim3A_799, %and3A_577] : memref<12x4x8x128xf32, #tpu.memory_space<vmem>>[vector<16xi32>, vector<16xi32>, vector<16xi32>, vector<16xi32>], vector<16xf32>,
    %gather3A_801 = tpu.vector_load_idx %arg10[%add3A_587, %broadcast_in_dim3A_797, %broadcast_in_dim3A_799, %and3A_582] : memref<12x4x8x128xf32, #tpu.memory_space<vmem>>[vector<16xi32>, vector<16xi32>, vector<16xi32>, vector<16xi32>], vector<16xf32>,
    %mul3A_802 = arith.mulf %gather3A_800, %gather3A_801 : vector<16xf32>
    %add3A_803 = arith.addf %add3A_795, %mul3A_802 : vector<16xf32>
    %broadcast_in_dim3A_804 = arith.constant 3 : i32
    %broadcast_in_dim3A_805 = vector.broadcast %broadcast_in_dim3A_804 : i32 to vector<16xi32>
    %broadcast_in_dim3A_806 = arith.constant 3 : i32
    %broadcast_in_dim3A_807 = vector.broadcast %broadcast_in_dim3A_806 : i32 to vector<16xi32>
    %gather3A_808 = tpu.vector_load_idx %arg9[%add3A_587, %broadcast_in_dim3A_805, %broadcast_in_dim3A_807, %and3A_577] : memref<12x4x8x128xf32, #tpu.memory_space<vmem>>[vector<16xi32>, vector<16xi32>, vector<16xi32>, vector<16xi32>], vector<16xf32>,
    %gather3A_809 = tpu.vector_load_idx %arg10[%add3A_587, %broadcast_in_dim3A_805, %broadcast_in_dim3A_807, %and3A_582] : memref<12x4x8x128xf32, #tpu.memory_space<vmem>>[vector<16xi32>, vector<16xi32>, vector<16xi32>, vector<16xi32>], vector<16xf32>,
    %mul3A_810 = arith.mulf %gather3A_808, %gather3A_809 : vector<16xf32>
    %add3A_811 = arith.addf %add3A_803, %mul3A_810 : vector<16xf32>
    %broadcast_in_dim3A_812 = arith.constant 3 : i32
    %broadcast_in_dim3A_813 = vector.broadcast %broadcast_in_dim3A_812 : i32 to vector<16xi32>
    %broadcast_in_dim3A_814 = arith.constant 4 : i32
    %broadcast_in_dim3A_815 = vector.broadcast %broadcast_in_dim3A_814 : i32 to vector<16xi32>
    %gather3A_816 = tpu.vector_load_idx %arg9[%add3A_587, %broadcast_in_dim3A_813, %broadcast_in_dim3A_815, %and3A_577] : memref<12x4x8x128xf32, #tpu.memory_space<vmem>>[vector<16xi32>, vector<16xi32>, vector<16xi32>, vector<16xi32>], vector<16xf32>,
    %gather3A_817 = tpu.vector_load_idx %arg10[%add3A_587, %broadcast_in_dim3A_813, %broadcast_in_dim3A_815, %and3A_582] : memref<12x4x8x128xf32, #tpu.memory_space<vmem>>[vector<16xi32>, vector<16xi32>, vector<16xi32>, vector<16xi32>], vector<16xf32>,
    %mul3A_818 = arith.mulf %gather3A_816, %gather3A_817 : vector<16xf32>
    %add3A_819 = arith.addf %add3A_811, %mul3A_818 : vector<16xf32>
    %broadcast_in_dim3A_820 = arith.constant 3 : i32
    %broadcast_in_dim3A_821 = vector.broadcast %broadcast_in_dim3A_820 : i32 to vector<16xi32>
    %broadcast_in_dim3A_822 = arith.constant 5 : i32
    %broadcast_in_dim3A_823 = vector.broadcast %broadcast_in_dim3A_822 : i32 to vector<16xi32>
    %gather3A_824 = tpu.vector_load_idx %arg9[%add3A_587, %broadcast_in_dim3A_821, %broadcast_in_dim3A_823, %and3A_577] : memref<12x4x8x128xf32, #tpu.memory_space<vmem>>[vector<16xi32>, vector<16xi32>, vector<16xi32>, vector<16xi32>], vector<16xf32>,
    %gather3A_825 = tpu.vector_load_idx %arg10[%add3A_587, %broadcast_in_dim3A_821, %broadcast_in_dim3A_823, %and3A_582] : memref<12x4x8x128xf32, #tpu.memory_space<vmem>>[vector<16xi32>, vector<16xi32>, vector<16xi32>, vector<16xi32>], vector<16xf32>,
    %mul3A_826 = arith.mulf %gather3A_824, %gather3A_825 : vector<16xf32>
    %add3A_827 = arith.addf %add3A_819, %mul3A_826 : vector<16xf32>
    %broadcast_in_dim3A_828 = arith.constant 3 : i32
    %broadcast_in_dim3A_829 = vector.broadcast %broadcast_in_dim3A_828 : i32 to vector<16xi32>
    %broadcast_in_dim3A_830 = arith.constant 6 : i32
    %broadcast_in_dim3A_831 = vector.broadcast %broadcast_in_dim3A_830 : i32 to vector<16xi32>
    %gather3A_832 = tpu.vector_load_idx %arg9[%add3A_587, %broadcast_in_dim3A_829, %broadcast_in_dim3A_831, %and3A_577] : memref<12x4x8x128xf32, #tpu.memory_space<vmem>>[vector<16xi32>, vector<16xi32>, vector<16xi32>, vector<16xi32>], vector<16xf32>,
    %gather3A_833 = tpu.vector_load_idx %arg10[%add3A_587, %broadcast_in_dim3A_829, %broadcast_in_dim3A_831, %and3A_582] : memref<12x4x8x128xf32, #tpu.memory_space<vmem>>[vector<16xi32>, vector<16xi32>, vector<16xi32>, vector<16xi32>], vector<16xf32>,
    %mul3A_834 = arith.mulf %gather3A_832, %gather3A_833 : vector<16xf32>
    %add3A_835 = arith.addf %add3A_827, %mul3A_834 : vector<16xf32>
    %broadcast_in_dim3A_836 = arith.constant 3 : i32
    %broadcast_in_dim3A_837 = vector.broadcast %broadcast_in_dim3A_836 : i32 to vector<16xi32>
    %broadcast_in_dim3A_838 = arith.constant 7 : i32
    %broadcast_in_dim3A_839 = vector.broadcast %broadcast_in_dim3A_838 : i32 to vector<16xi32>
    %gather3A_840 = tpu.vector_load_idx %arg9[%add3A_587, %broadcast_in_dim3A_837, %broadcast_in_dim3A_839, %and3A_577] : memref<12x4x8x128xf32, #tpu.memory_space<vmem>>[vector<16xi32>, vector<16xi32>, vector<16xi32>, vector<16xi32>], vector<16xf32>,
    %gather3A_841 = tpu.vector_load_idx %arg10[%add3A_587, %broadcast_in_dim3A_837, %broadcast_in_dim3A_839, %and3A_582] : memref<12x4x8x128xf32, #tpu.memory_space<vmem>>[vector<16xi32>, vector<16xi32>, vector<16xi32>, vector<16xi32>], vector<16xf32>,
    %mul3A_842 = arith.mulf %gather3A_840, %gather3A_841 : vector<16xf32>
    %add3A_843 = arith.addf %add3A_835, %mul3A_842 : vector<16xf32>
    %neg3A = arith.constant 0.000000e+00 : f32
    %neg3A_844 = vector.broadcast %neg3A : f32 to vector<16xf32>
    %neg3A_845 = arith.subf %neg3A_844, %add3A_843 : vector<16xf32>
    %exp3A = math.exp %neg3A_845 : vector<16xf32>
    %add3A_846 = arith.constant 1.000000e+00 : f32
    %add3A_847 = vector.broadcast %add3A_846 : f32 to vector<16xf32>
    %add3A_848 = arith.addf %add3A_847, %exp3A : vector<16xf32>
    %div3A = arith.constant 1.000000e+00 : f32
    %div3A_849 = vector.broadcast %div3A : f32 to vector<16xf32>
    %div3A_850 = arith.divf %div3A_849, %add3A_848 : vector<16xf32>
    %lt3A = arith.constant 4 : i32
    %lt3A_851 = vector.broadcast %lt3A : i32 to vector<16xi32>
    %lt3A_852 = arith.cmpi slt, %iota3A, %lt3A_851 : vector<16xi32>
    %swap3A = arith.constant 504 : index
    %swap3A_853 = tpu.vector_load %arg11[%swap3A] masked %lt3A_852 {strides = array<i32>} : memref<528xf32, #tpu.memory_space<vmem>>, vector<16xf32>, vector<16xi1>
    tpu.vector_store %arg11[%swap3A], %div3A_850 masked %lt3A_852 {strides = array<i32>} : memref<528xf32, #tpu.memory_space<vmem>>, vector<16xf32>, vector<16xi1>
    %dma_wait3A_854 = arith.constant 0 : i32
    %dma_wait3A_855 = arith.constant 0 : i32
    %dma_wait3A_856 = arith.constant 0 : i32
    %dma_wait3A_857 = arith.constant 0 : i32
    %dma_wait3A_858 = tpu.memref_slice %arg9[%dma_wait3A_854, %dma_wait3A_855, %dma_wait3A_856, %dma_wait3A_857] : memref<12x4x8x128xf32, #tpu.memory_space<vmem>> -> memref<1x4x8x128xf32, #tpu.memory_space<vmem>>
    %dma_wait3A_859 = tpu.memref_squeeze %dma_wait3A_858 : memref<1x4x8x128xf32, #tpu.memory_space<vmem>> -> memref<4x8x128xf32, #tpu.memory_space<vmem>>
    %dma_wait3A_860 = arith.constant 0 : i32
    %dma_wait3A_861 = arith.constant 0 : i32
    %dma_wait3A_862 = arith.constant 0 : i32
    %dma_wait3A_863 = tpu.memref_slice %arg2[%dma_wait3A_860, %dma_wait3A_861, %dma_wait3A_862] : memref<4x8x1000000xf32, #tpu.memory_space<hbm>> -> memref<4x8x128xf32, #tpu.memory_space<hbm>>
    %dma_wait3A_864 = arith.constant 0 : i32
    %dma_wait3A_865 = arith.constant 0 : i32
    %dma_wait3A_866 = arith.constant 0 : i32
    %dma_wait3A_867 = tpu.memref_slice %arg9[%dma_wait3A_854, %dma_wait3A_864, %dma_wait3A_865, %dma_wait3A_866] : memref<12x4x8x128xf32, #tpu.memory_space<vmem>> -> memref<1x4x8x128xf32, #tpu.memory_space<vmem>>
    %dma_wait3A_868 = tpu.memref_squeeze %dma_wait3A_867 : memref<1x4x8x128xf32, #tpu.memory_space<vmem>> -> memref<4x8x128xf32, #tpu.memory_space<vmem>>
    %dma_wait3A_869 = arith.constant 0 : i32
    %dma_wait3A_870 = arith.constant 0 : i32
    %dma_wait3A_871 = arith.constant 0 : i32
    %dma_wait3A_872 = tpu.memref_slice %arg2[%dma_wait3A_869, %dma_wait3A_870, %dma_wait3A_871] : memref<4x8x1000000xf32, #tpu.memory_space<hbm>> -> memref<4x8x128xf32, #tpu.memory_space<hbm>>
    tpu.wait_dma2 semaphore(%arg12 : memref<!tpu.dma_semaphore, #tpu.memory_space<semaphore_mem>>) src(%dma_wait3A_872 : memref<4x8x128xf32, #tpu.memory_space<hbm>>) dst(%dma_wait3A_868 : memref<4x8x128xf32, #tpu.memory_space<vmem>>)
    %dma_wait3A_873 = arith.constant 0 : i32
    %dma_wait3A_874 = arith.constant 0 : i32
    %dma_wait3A_875 = arith.constant 0 : i32
    %dma_wait3A_876 = arith.constant 0 : i32
    %dma_wait3A_877 = tpu.memref_slice %arg10[%dma_wait3A_873, %dma_wait3A_874, %dma_wait3A_875, %dma_wait3A_876] : memref<12x4x8x128xf32, #tpu.memory_space<vmem>> -> memref<1x4x8x128xf32, #tpu.memory_space<vmem>>
    %dma_wait3A_878 = tpu.memref_squeeze %dma_wait3A_877 : memref<1x4x8x128xf32, #tpu.memory_space<vmem>> -> memref<4x8x128xf32, #tpu.memory_space<vmem>>
    %dma_wait3A_879 = arith.constant 0 : i32
    %dma_wait3A_880 = arith.constant 0 : i32
    %dma_wait3A_881 = arith.constant 0 : i32
    %dma_wait3A_882 = tpu.memref_slice %arg3[%dma_wait3A_879, %dma_wait3A_880, %dma_wait3A_881] : memref<4x8x1000000xf32, #tpu.memory_space<hbm>> -> memref<4x8x128xf32, #tpu.memory_space<hbm>>
    %dma_wait3A_883 = arith.constant 0 : i32
    %dma_wait3A_884 = arith.constant 0 : i32
    %dma_wait3A_885 = arith.constant 0 : i32
    %dma_wait3A_886 = tpu.memref_slice %arg10[%dma_wait3A_873, %dma_wait3A_883, %dma_wait3A_884, %dma_wait3A_885] : memref<12x4x8x128xf32, #tpu.memory_space<vmem>> -> memref<1x4x8x128xf32, #tpu.memory_space<vmem>>
    %dma_wait3A_887 = tpu.memref_squeeze %dma_wait3A_886 : memref<1x4x8x128xf32, #tpu.memory_space<vmem>> -> memref<4x8x128xf32, #tpu.memory_space<vmem>>
    %dma_wait3A_888 = arith.constant 0 : i32
    %dma_wait3A_889 = arith.constant 0 : i32
    %dma_wait3A_890 = arith.constant 0 : i32
    %dma_wait3A_891 = tpu.memref_slice %arg3[%dma_wait3A_888, %dma_wait3A_889, %dma_wait3A_890] : memref<4x8x1000000xf32, #tpu.memory_space<hbm>> -> memref<4x8x128xf32, #tpu.memory_space<hbm>>
    tpu.wait_dma2 semaphore(%arg13 : memref<!tpu.dma_semaphore, #tpu.memory_space<semaphore_mem>>) src(%dma_wait3A_891 : memref<4x8x128xf32, #tpu.memory_space<hbm>>) dst(%dma_wait3A_887 : memref<4x8x128xf32, #tpu.memory_space<vmem>>)
    %dma_wait3A_892 = arith.constant 1 : i32
    %dma_wait3A_893 = arith.constant 0 : i32
    %dma_wait3A_894 = arith.constant 0 : i32
    %dma_wait3A_895 = arith.constant 0 : i32
    %dma_wait3A_896 = tpu.memref_slice %arg9[%dma_wait3A_892, %dma_wait3A_893, %dma_wait3A_894, %dma_wait3A_895] : memref<12x4x8x128xf32, #tpu.memory_space<vmem>> -> memref<1x4x8x128xf32, #tpu.memory_space<vmem>>
    %dma_wait3A_897 = tpu.memref_squeeze %dma_wait3A_896 : memref<1x4x8x128xf32, #tpu.memory_space<vmem>> -> memref<4x8x128xf32, #tpu.memory_space<vmem>>
    %dma_wait3A_898 = arith.constant 0 : i32
    %dma_wait3A_899 = arith.constant 0 : i32
    %dma_wait3A_900 = arith.constant 0 : i32
    %dma_wait3A_901 = tpu.memref_slice %arg2[%dma_wait3A_898, %dma_wait3A_899, %dma_wait3A_900] : memref<4x8x1000000xf32, #tpu.memory_space<hbm>> -> memref<4x8x128xf32, #tpu.memory_space<hbm>>
    %dma_wait3A_902 = arith.constant 0 : i32
    %dma_wait3A_903 = arith.constant 0 : i32
    %dma_wait3A_904 = arith.constant 0 : i32
    %dma_wait3A_905 = tpu.memref_slice %arg9[%dma_wait3A_892, %dma_wait3A_902, %dma_wait3A_903, %dma_wait3A_904] : memref<12x4x8x128xf32, #tpu.memory_space<vmem>> -> memref<1x4x8x128xf32, #tpu.memory_space<vmem>>
    %dma_wait3A_906 = tpu.memref_squeeze %dma_wait3A_905 : memref<1x4x8x128xf32, #tpu.memory_space<vmem>> -> memref<4x8x128xf32, #tpu.memory_space<vmem>>
    %dma_wait3A_907 = arith.constant 0 : i32
    %dma_wait3A_908 = arith.constant 0 : i32
    %dma_wait3A_909 = arith.constant 0 : i32
    %dma_wait3A_910 = tpu.memref_slice %arg2[%dma_wait3A_907, %dma_wait3A_908, %dma_wait3A_909] : memref<4x8x1000000xf32, #tpu.memory_space<hbm>> -> memref<4x8x128xf32, #tpu.memory_space<hbm>>
    tpu.wait_dma2 semaphore(%arg12 : memref<!tpu.dma_semaphore, #tpu.memory_space<semaphore_mem>>) src(%dma_wait3A_910 : memref<4x8x128xf32, #tpu.memory_space<hbm>>) dst(%dma_wait3A_906 : memref<4x8x128xf32, #tpu.memory_space<vmem>>)
    %dma_wait3A_911 = arith.constant 1 : i32
    %dma_wait3A_912 = arith.constant 0 : i32
    %dma_wait3A_913 = arith.constant 0 : i32
    %dma_wait3A_914 = arith.constant 0 : i32
    %dma_wait3A_915 = tpu.memref_slice %arg10[%dma_wait3A_911, %dma_wait3A_912, %dma_wait3A_913, %dma_wait3A_914] : memref<12x4x8x128xf32, #tpu.memory_space<vmem>> -> memref<1x4x8x128xf32, #tpu.memory_space<vmem>>
    %dma_wait3A_916 = tpu.memref_squeeze %dma_wait3A_915 : memref<1x4x8x128xf32, #tpu.memory_space<vmem>> -> memref<4x8x128xf32, #tpu.memory_space<vmem>>
    %dma_wait3A_917 = arith.constant 0 : i32
    %dma_wait3A_918 = arith.constant 0 : i32
    %dma_wait3A_919 = arith.constant 0 : i32
    %dma_wait3A_920 = tpu.memref_slice %arg3[%dma_wait3A_917, %dma_wait3A_918, %dma_wait3A_919] : memref<4x8x1000000xf32, #tpu.memory_space<hbm>> -> memref<4x8x128xf32, #tpu.memory_space<hbm>>
    %dma_wait3A_921 = arith.constant 0 : i32
    %dma_wait3A_922 = arith.constant 0 : i32
    %dma_wait3A_923 = arith.constant 0 : i32
    %dma_wait3A_924 = tpu.memref_slice %arg10[%dma_wait3A_911, %dma_wait3A_921, %dma_wait3A_922, %dma_wait3A_923] : memref<12x4x8x128xf32, #tpu.memory_space<vmem>> -> memref<1x4x8x128xf32, #tpu.memory_space<vmem>>
    %dma_wait3A_925 = tpu.memref_squeeze %dma_wait3A_924 : memref<1x4x8x128xf32, #tpu.memory_space<vmem>> -> memref<4x8x128xf32, #tpu.memory_space<vmem>>
    %dma_wait3A_926 = arith.constant 0 : i32
    %dma_wait3A_927 = arith.constant 0 : i32
    %dma_wait3A_928 = arith.constant 0 : i32
    %dma_wait3A_929 = tpu.memref_slice %arg3[%dma_wait3A_926, %dma_wait3A_927, %dma_wait3A_928] : memref<4x8x1000000xf32, #tpu.memory_space<hbm>> -> memref<4x8x128xf32, #tpu.memory_space<hbm>>
    tpu.wait_dma2 semaphore(%arg13 : memref<!tpu.dma_semaphore, #tpu.memory_space<semaphore_mem>>) src(%dma_wait3A_929 : memref<4x8x128xf32, #tpu.memory_space<hbm>>) dst(%dma_wait3A_925 : memref<4x8x128xf32, #tpu.memory_space<vmem>>)
    %dma_wait3A_930 = arith.constant 2 : i32
    %dma_wait3A_931 = arith.constant 0 : i32
    %dma_wait3A_932 = arith.constant 0 : i32
    %dma_wait3A_933 = arith.constant 0 : i32
    %dma_wait3A_934 = tpu.memref_slice %arg9[%dma_wait3A_930, %dma_wait3A_931, %dma_wait3A_932, %dma_wait3A_933] : memref<12x4x8x128xf32, #tpu.memory_space<vmem>> -> memref<1x4x8x128xf32, #tpu.memory_space<vmem>>
    %dma_wait3A_935 = tpu.memref_squeeze %dma_wait3A_934 : memref<1x4x8x128xf32, #tpu.memory_space<vmem>> -> memref<4x8x128xf32, #tpu.memory_space<vmem>>
    %dma_wait3A_936 = arith.constant 0 : i32
    %dma_wait3A_937 = arith.constant 0 : i32
    %dma_wait3A_938 = arith.constant 0 : i32
    %dma_wait3A_939 = tpu.memref_slice %arg2[%dma_wait3A_936, %dma_wait3A_937, %dma_wait3A_938] : memref<4x8x1000000xf32, #tpu.memory_space<hbm>> -> memref<4x8x128xf32, #tpu.memory_space<hbm>>
    %dma_wait3A_940 = arith.constant 0 : i32
    %dma_wait3A_941 = arith.constant 0 : i32
    %dma_wait3A_942 = arith.constant 0 : i32
    %dma_wait3A_943 = tpu.memref_slice %arg9[%dma_wait3A_930, %dma_wait3A_940, %dma_wait3A_941, %dma_wait3A_942] : memref<12x4x8x128xf32, #tpu.memory_space<vmem>> -> memref<1x4x8x128xf32, #tpu.memory_space<vmem>>
    %dma_wait3A_944 = tpu.memref_squeeze %dma_wait3A_943 : memref<1x4x8x128xf32, #tpu.memory_space<vmem>> -> memref<4x8x128xf32, #tpu.memory_space<vmem>>
    %dma_wait3A_945 = arith.constant 0 : i32
    %dma_wait3A_946 = arith.constant 0 : i32
    %dma_wait3A_947 = arith.constant 0 : i32
    %dma_wait3A_948 = tpu.memref_slice %arg2[%dma_wait3A_945, %dma_wait3A_946, %dma_wait3A_947] : memref<4x8x1000000xf32, #tpu.memory_space<hbm>> -> memref<4x8x128xf32, #tpu.memory_space<hbm>>
    tpu.wait_dma2 semaphore(%arg12 : memref<!tpu.dma_semaphore, #tpu.memory_space<semaphore_mem>>) src(%dma_wait3A_948 : memref<4x8x128xf32, #tpu.memory_space<hbm>>) dst(%dma_wait3A_944 : memref<4x8x128xf32, #tpu.memory_space<vmem>>)
    %dma_wait3A_949 = arith.constant 2 : i32
    %dma_wait3A_950 = arith.constant 0 : i32
    %dma_wait3A_951 = arith.constant 0 : i32
    %dma_wait3A_952 = arith.constant 0 : i32
    %dma_wait3A_953 = tpu.memref_slice %arg10[%dma_wait3A_949, %dma_wait3A_950, %dma_wait3A_951, %dma_wait3A_952] : memref<12x4x8x128xf32, #tpu.memory_space<vmem>> -> memref<1x4x8x128xf32, #tpu.memory_space<vmem>>
    %dma_wait3A_954 = tpu.memref_squeeze %dma_wait3A_953 : memref<1x4x8x128xf32, #tpu.memory_space<vmem>> -> memref<4x8x128xf32, #tpu.memory_space<vmem>>
    %dma_wait3A_955 = arith.constant 0 : i32
    %dma_wait3A_956 = arith.constant 0 : i32
    %dma_wait3A_957 = arith.constant 0 : i32
    %dma_wait3A_958 = tpu.memref_slice %arg3[%dma_wait3A_955, %dma_wait3A_956, %dma_wait3A_957] : memref<4x8x1000000xf32, #tpu.memory_space<hbm>> -> memref<4x8x128xf32, #tpu.memory_space<hbm>>
    %dma_wait3A_959 = arith.constant 0 : i32
    %dma_wait3A_960 = arith.constant 0 : i32
    %dma_wait3A_961 = arith.constant 0 : i32
    %dma_wait3A_962 = tpu.memref_slice %arg10[%dma_wait3A_949, %dma_wait3A_959, %dma_wait3A_960, %dma_wait3A_961] : memref<12x4x8x128xf32, #tpu.memory_space<vmem>> -> memref<1x4x8x128xf32, #tpu.memory_space<vmem>>
    %dma_wait3A_963 = tpu.memref_squeeze %dma_wait3A_962 : memref<1x4x8x128xf32, #tpu.memory_space<vmem>> -> memref<4x8x128xf32, #tpu.memory_space<vmem>>
    %dma_wait3A_964 = arith.constant 0 : i32
    %dma_wait3A_965 = arith.constant 0 : i32
    %dma_wait3A_966 = arith.constant 0 : i32
    %dma_wait3A_967 = tpu.memref_slice %arg3[%dma_wait3A_964, %dma_wait3A_965, %dma_wait3A_966] : memref<4x8x1000000xf32, #tpu.memory_space<hbm>> -> memref<4x8x128xf32, #tpu.memory_space<hbm>>
    tpu.wait_dma2 semaphore(%arg13 : memref<!tpu.dma_semaphore, #tpu.memory_space<semaphore_mem>>) src(%dma_wait3A_967 : memref<4x8x128xf32, #tpu.memory_space<hbm>>) dst(%dma_wait3A_963 : memref<4x8x128xf32, #tpu.memory_space<vmem>>)
    %dma_wait3A_968 = arith.constant 3 : i32
    %dma_wait3A_969 = arith.constant 0 : i32
    %dma_wait3A_970 = arith.constant 0 : i32
    %dma_wait3A_971 = arith.constant 0 : i32
    %dma_wait3A_972 = tpu.memref_slice %arg9[%dma_wait3A_968, %dma_wait3A_969, %dma_wait3A_970, %dma_wait3A_971] : memref<12x4x8x128xf32, #tpu.memory_space<vmem>> -> memref<1x4x8x128xf32, #tpu.memory_space<vmem>>
    %dma_wait3A_973 = tpu.memref_squeeze %dma_wait3A_972 : memref<1x4x8x128xf32, #tpu.memory_space<vmem>> -> memref<4x8x128xf32, #tpu.memory_space<vmem>>
    %dma_wait3A_974 = arith.constant 0 : i32
    %dma_wait3A_975 = arith.constant 0 : i32
    %dma_wait3A_976 = arith.constant 0 : i32
    %dma_wait3A_977 = tpu.memref_slice %arg2[%dma_wait3A_974, %dma_wait3A_975, %dma_wait3A_976] : memref<4x8x1000000xf32, #tpu.memory_space<hbm>> -> memref<4x8x128xf32, #tpu.memory_space<hbm>>
    %dma_wait3A_978 = arith.constant 0 : i32
    %dma_wait3A_979 = arith.constant 0 : i32
    %dma_wait3A_980 = arith.constant 0 : i32
    %dma_wait3A_981 = tpu.memref_slice %arg9[%dma_wait3A_968, %dma_wait3A_978, %dma_wait3A_979, %dma_wait3A_980] : memref<12x4x8x128xf32, #tpu.memory_space<vmem>> -> memref<1x4x8x128xf32, #tpu.memory_space<vmem>>
    %dma_wait3A_982 = tpu.memref_squeeze %dma_wait3A_981 : memref<1x4x8x128xf32, #tpu.memory_space<vmem>> -> memref<4x8x128xf32, #tpu.memory_space<vmem>>
    %dma_wait3A_983 = arith.constant 0 : i32
    %dma_wait3A_984 = arith.constant 0 : i32
    %dma_wait3A_985 = arith.constant 0 : i32
    %dma_wait3A_986 = tpu.memref_slice %arg2[%dma_wait3A_983, %dma_wait3A_984, %dma_wait3A_985] : memref<4x8x1000000xf32, #tpu.memory_space<hbm>> -> memref<4x8x128xf32, #tpu.memory_space<hbm>>
    tpu.wait_dma2 semaphore(%arg12 : memref<!tpu.dma_semaphore, #tpu.memory_space<semaphore_mem>>) src(%dma_wait3A_986 : memref<4x8x128xf32, #tpu.memory_space<hbm>>) dst(%dma_wait3A_982 : memref<4x8x128xf32, #tpu.memory_space<vmem>>)
    %dma_wait3A_987 = arith.constant 3 : i32
    %dma_wait3A_988 = arith.constant 0 : i32
    %dma_wait3A_989 = arith.constant 0 : i32
    %dma_wait3A_990 = arith.constant 0 : i32
    %dma_wait3A_991 = tpu.memref_slice %arg10[%dma_wait3A_987, %dma_wait3A_988, %dma_wait3A_989, %dma_wait3A_990] : memref<12x4x8x128xf32, #tpu.memory_space<vmem>> -> memref<1x4x8x128xf32, #tpu.memory_space<vmem>>
    %dma_wait3A_992 = tpu.memref_squeeze %dma_wait3A_991 : memref<1x4x8x128xf32, #tpu.memory_space<vmem>> -> memref<4x8x128xf32, #tpu.memory_space<vmem>>
    %dma_wait3A_993 = arith.constant 0 : i32
    %dma_wait3A_994 = arith.constant 0 : i32
    %dma_wait3A_995 = arith.constant 0 : i32
    %dma_wait3A_996 = tpu.memref_slice %arg3[%dma_wait3A_993, %dma_wait3A_994, %dma_wait3A_995] : memref<4x8x1000000xf32, #tpu.memory_space<hbm>> -> memref<4x8x128xf32, #tpu.memory_space<hbm>>
    %dma_wait3A_997 = arith.constant 0 : i32
    %dma_wait3A_998 = arith.constant 0 : i32
    %dma_wait3A_999 = arith.constant 0 : i32
    %dma_wait3A_1000 = tpu.memref_slice %arg10[%dma_wait3A_987, %dma_wait3A_997, %dma_wait3A_998, %dma_wait3A_999] : memref<12x4x8x128xf32, #tpu.memory_space<vmem>> -> memref<1x4x8x128xf32, #tpu.memory_space<vmem>>
    %dma_wait3A_1001 = tpu.memref_squeeze %dma_wait3A_1000 : memref<1x4x8x128xf32, #tpu.memory_space<vmem>> -> memref<4x8x128xf32, #tpu.memory_space<vmem>>
    %dma_wait3A_1002 = arith.constant 0 : i32
    %dma_wait3A_1003 = arith.constant 0 : i32
    %dma_wait3A_1004 = arith.constant 0 : i32
    %dma_wait3A_1005 = tpu.memref_slice %arg3[%dma_wait3A_1002, %dma_wait3A_1003, %dma_wait3A_1004] : memref<4x8x1000000xf32, #tpu.memory_space<hbm>> -> memref<4x8x128xf32, #tpu.memory_space<hbm>>
    tpu.wait_dma2 semaphore(%arg13 : memref<!tpu.dma_semaphore, #tpu.memory_space<semaphore_mem>>) src(%dma_wait3A_1005 : memref<4x8x128xf32, #tpu.memory_space<hbm>>) dst(%dma_wait3A_1001 : memref<4x8x128xf32, #tpu.memory_space<vmem>>)
    %rem3A_1006 = arith.constant 127 : i32
    %rem3A_1007 = arith.constant 3 : i32
    %rem3A_1008 = arith.remsi %rem3A_1006, %rem3A_1007 : i32
    %mul3A_1009 = arith.constant 4 : i32
    %mul3A_1010 = arith.muli %rem3A_1008, %mul3A_1009 : i32
    %get3A_1011 = arith.constant 508 : index
    %get3A_1012 = tpu.vector_load %arg7[%get3A_1011] {strides = array<i32>} : memref<528xi32, #tpu.memory_space<vmem>>, vector<16xi32>,
    %and3A_1013 = arith.constant 127 : i32
    %and3A_1014 = vector.broadcast %and3A_1013 : i32 to vector<16xi32>
    %and3A_1015 = arith.andi %get3A_1012, %and3A_1014 : vector<16xi32>
    %get3A_1016 = arith.constant 508 : index
    %get3A_1017 = tpu.vector_load %arg8[%get3A_1016] {strides = array<i32>} : memref<528xi32, #tpu.memory_space<vmem>>, vector<16xi32>,
    %and3A_1018 = arith.constant 127 : i32
    %and3A_1019 = vector.broadcast %and3A_1018 : i32 to vector<16xi32>
    %and3A_1020 = arith.andi %get3A_1017, %and3A_1019 : vector<16xi32>
    %and3A_1021 = arith.constant 3 : i32
    %and3A_1022 = vector.broadcast %and3A_1021 : i32 to vector<16xi32>
    %and3A_1023 = arith.andi %iota3A, %and3A_1022 : vector<16xi32>
    %add3A_1024 = vector.broadcast %mul3A_1010 : i32 to vector<16xi32>
    %add3A_1025 = arith.addi %add3A_1024, %and3A_1023 : vector<16xi32>
    %broadcast_in_dim3A_1026 = arith.constant 0.000000e+00 : f32
    %broadcast_in_dim3A_1027 = vector.broadcast %broadcast_in_dim3A_1026 : f32 to vector<16xf32>
    %broadcast_in_dim3A_1028 = arith.constant 0 : i32
    %broadcast_in_dim3A_1029 = vector.broadcast %broadcast_in_dim3A_1028 : i32 to vector<16xi32>
    %broadcast_in_dim3A_1030 = arith.constant 0 : i32
    %broadcast_in_dim3A_1031 = vector.broadcast %broadcast_in_dim3A_1030 : i32 to vector<16xi32>
    %gather3A_1032 = tpu.vector_load_idx %arg9[%add3A_1025, %broadcast_in_dim3A_1029, %broadcast_in_dim3A_1031, %and3A_1015] : memref<12x4x8x128xf32, #tpu.memory_space<vmem>>[vector<16xi32>, vector<16xi32>, vector<16xi32>, vector<16xi32>], vector<16xf32>,
    %gather3A_1033 = tpu.vector_load_idx %arg10[%add3A_1025, %broadcast_in_dim3A_1029, %broadcast_in_dim3A_1031, %and3A_1020] : memref<12x4x8x128xf32, #tpu.memory_space<vmem>>[vector<16xi32>, vector<16xi32>, vector<16xi32>, vector<16xi32>], vector<16xf32>,
    %mul3A_1034 = arith.mulf %gather3A_1032, %gather3A_1033 : vector<16xf32>
    %add3A_1035 = arith.addf %broadcast_in_dim3A_1027, %mul3A_1034 : vector<16xf32>
    %broadcast_in_dim3A_1036 = arith.constant 0 : i32
    %broadcast_in_dim3A_1037 = vector.broadcast %broadcast_in_dim3A_1036 : i32 to vector<16xi32>
    %broadcast_in_dim3A_1038 = arith.constant 1 : i32
    %broadcast_in_dim3A_1039 = vector.broadcast %broadcast_in_dim3A_1038 : i32 to vector<16xi32>
    %gather3A_1040 = tpu.vector_load_idx %arg9[%add3A_1025, %broadcast_in_dim3A_1037, %broadcast_in_dim3A_1039, %and3A_1015] : memref<12x4x8x128xf32, #tpu.memory_space<vmem>>[vector<16xi32>, vector<16xi32>, vector<16xi32>, vector<16xi32>], vector<16xf32>,
    %gather3A_1041 = tpu.vector_load_idx %arg10[%add3A_1025, %broadcast_in_dim3A_1037, %broadcast_in_dim3A_1039, %and3A_1020] : memref<12x4x8x128xf32, #tpu.memory_space<vmem>>[vector<16xi32>, vector<16xi32>, vector<16xi32>, vector<16xi32>], vector<16xf32>,
    %mul3A_1042 = arith.mulf %gather3A_1040, %gather3A_1041 : vector<16xf32>
    %add3A_1043 = arith.addf %add3A_1035, %mul3A_1042 : vector<16xf32>
    %broadcast_in_dim3A_1044 = arith.constant 0 : i32
    %broadcast_in_dim3A_1045 = vector.broadcast %broadcast_in_dim3A_1044 : i32 to vector<16xi32>
    %broadcast_in_dim3A_1046 = arith.constant 2 : i32
    %broadcast_in_dim3A_1047 = vector.broadcast %broadcast_in_dim3A_1046 : i32 to vector<16xi32>
    %gather3A_1048 = tpu.vector_load_idx %arg9[%add3A_1025, %broadcast_in_dim3A_1045, %broadcast_in_dim3A_1047, %and3A_1015] : memref<12x4x8x128xf32, #tpu.memory_space<vmem>>[vector<16xi32>, vector<16xi32>, vector<16xi32>, vector<16xi32>], vector<16xf32>,
    %gather3A_1049 = tpu.vector_load_idx %arg10[%add3A_1025, %broadcast_in_dim3A_1045, %broadcast_in_dim3A_1047, %and3A_1020] : memref<12x4x8x128xf32, #tpu.memory_space<vmem>>[vector<16xi32>, vector<16xi32>, vector<16xi32>, vector<16xi32>], vector<16xf32>,
    %mul3A_1050 = arith.mulf %gather3A_1048, %gather3A_1049 : vector<16xf32>
    %add3A_1051 = arith.addf %add3A_1043, %mul3A_1050 : vector<16xf32>
    %broadcast_in_dim3A_1052 = arith.constant 0 : i32
    %broadcast_in_dim3A_1053 = vector.broadcast %broadcast_in_dim3A_1052 : i32 to vector<16xi32>
    %broadcast_in_dim3A_1054 = arith.constant 3 : i32
    %broadcast_in_dim3A_1055 = vector.broadcast %broadcast_in_dim3A_1054 : i32 to vector<16xi32>
    %gather3A_1056 = tpu.vector_load_idx %arg9[%add3A_1025, %broadcast_in_dim3A_1053, %broadcast_in_dim3A_1055, %and3A_1015] : memref<12x4x8x128xf32, #tpu.memory_space<vmem>>[vector<16xi32>, vector<16xi32>, vector<16xi32>, vector<16xi32>], vector<16xf32>,
    %gather3A_1057 = tpu.vector_load_idx %arg10[%add3A_1025, %broadcast_in_dim3A_1053, %broadcast_in_dim3A_1055, %and3A_1020] : memref<12x4x8x128xf32, #tpu.memory_space<vmem>>[vector<16xi32>, vector<16xi32>, vector<16xi32>, vector<16xi32>], vector<16xf32>,
    %mul3A_1058 = arith.mulf %gather3A_1056, %gather3A_1057 : vector<16xf32>
    %add3A_1059 = arith.addf %add3A_1051, %mul3A_1058 : vector<16xf32>
    %broadcast_in_dim3A_1060 = arith.constant 0 : i32
    %broadcast_in_dim3A_1061 = vector.broadcast %broadcast_in_dim3A_1060 : i32 to vector<16xi32>
    %broadcast_in_dim3A_1062 = arith.constant 4 : i32
    %broadcast_in_dim3A_1063 = vector.broadcast %broadcast_in_dim3A_1062 : i32 to vector<16xi32>
    %gather3A_1064 = tpu.vector_load_idx %arg9[%add3A_1025, %broadcast_in_dim3A_1061, %broadcast_in_dim3A_1063, %and3A_1015] : memref<12x4x8x128xf32, #tpu.memory_space<vmem>>[vector<16xi32>, vector<16xi32>, vector<16xi32>, vector<16xi32>], vector<16xf32>,
    %gather3A_1065 = tpu.vector_load_idx %arg10[%add3A_1025, %broadcast_in_dim3A_1061, %broadcast_in_dim3A_1063, %and3A_1020] : memref<12x4x8x128xf32, #tpu.memory_space<vmem>>[vector<16xi32>, vector<16xi32>, vector<16xi32>, vector<16xi32>], vector<16xf32>,
    %mul3A_1066 = arith.mulf %gather3A_1064, %gather3A_1065 : vector<16xf32>
    %add3A_1067 = arith.addf %add3A_1059, %mul3A_1066 : vector<16xf32>
    %broadcast_in_dim3A_1068 = arith.constant 0 : i32
    %broadcast_in_dim3A_1069 = vector.broadcast %broadcast_in_dim3A_1068 : i32 to vector<16xi32>
    %broadcast_in_dim3A_1070 = arith.constant 5 : i32
    %broadcast_in_dim3A_1071 = vector.broadcast %broadcast_in_dim3A_1070 : i32 to vector<16xi32>
    %gather3A_1072 = tpu.vector_load_idx %arg9[%add3A_1025, %broadcast_in_dim3A_1069, %broadcast_in_dim3A_1071, %and3A_1015] : memref<12x4x8x128xf32, #tpu.memory_space<vmem>>[vector<16xi32>, vector<16xi32>, vector<16xi32>, vector<16xi32>], vector<16xf32>,
    %gather3A_1073 = tpu.vector_load_idx %arg10[%add3A_1025, %broadcast_in_dim3A_1069, %broadcast_in_dim3A_1071, %and3A_1020] : memref<12x4x8x128xf32, #tpu.memory_space<vmem>>[vector<16xi32>, vector<16xi32>, vector<16xi32>, vector<16xi32>], vector<16xf32>,
    %mul3A_1074 = arith.mulf %gather3A_1072, %gather3A_1073 : vector<16xf32>
    %add3A_1075 = arith.addf %add3A_1067, %mul3A_1074 : vector<16xf32>
    %broadcast_in_dim3A_1076 = arith.constant 0 : i32
    %broadcast_in_dim3A_1077 = vector.broadcast %broadcast_in_dim3A_1076 : i32 to vector<16xi32>
    %broadcast_in_dim3A_1078 = arith.constant 6 : i32
    %broadcast_in_dim3A_1079 = vector.broadcast %broadcast_in_dim3A_1078 : i32 to vector<16xi32>
    %gather3A_1080 = tpu.vector_load_idx %arg9[%add3A_1025, %broadcast_in_dim3A_1077, %broadcast_in_dim3A_1079, %and3A_1015] : memref<12x4x8x128xf32, #tpu.memory_space<vmem>>[vector<16xi32>, vector<16xi32>, vector<16xi32>, vector<16xi32>], vector<16xf32>,
    %gather3A_1081 = tpu.vector_load_idx %arg10[%add3A_1025, %broadcast_in_dim3A_1077, %broadcast_in_dim3A_1079, %and3A_1020] : memref<12x4x8x128xf32, #tpu.memory_space<vmem>>[vector<16xi32>, vector<16xi32>, vector<16xi32>, vector<16xi32>], vector<16xf32>,
    %mul3A_1082 = arith.mulf %gather3A_1080, %gather3A_1081 : vector<16xf32>
    %add3A_1083 = arith.addf %add3A_1075, %mul3A_1082 : vector<16xf32>
    %broadcast_in_dim3A_1084 = arith.constant 0 : i32
    %broadcast_in_dim3A_1085 = vector.broadcast %broadcast_in_dim3A_1084 : i32 to vector<16xi32>
    %broadcast_in_dim3A_1086 = arith.constant 7 : i32
    %broadcast_in_dim3A_1087 = vector.broadcast %broadcast_in_dim3A_1086 : i32 to vector<16xi32>
    %gather3A_1088 = tpu.vector_load_idx %arg9[%add3A_1025, %broadcast_in_dim3A_1085, %broadcast_in_dim3A_1087, %and3A_1015] : memref<12x4x8x128xf32, #tpu.memory_space<vmem>>[vector<16xi32>, vector<16xi32>, vector<16xi32>, vector<16xi32>], vector<16xf32>,
    %gather3A_1089 = tpu.vector_load_idx %arg10[%add3A_1025, %broadcast_in_dim3A_1085, %broadcast_in_dim3A_1087, %and3A_1020] : memref<12x4x8x128xf32, #tpu.memory_space<vmem>>[vector<16xi32>, vector<16xi32>, vector<16xi32>, vector<16xi32>], vector<16xf32>,
    %mul3A_1090 = arith.mulf %gather3A_1088, %gather3A_1089 : vector<16xf32>
    %add3A_1091 = arith.addf %add3A_1083, %mul3A_1090 : vector<16xf32>
    %broadcast_in_dim3A_1092 = arith.constant 1 : i32
    %broadcast_in_dim3A_1093 = vector.broadcast %broadcast_in_dim3A_1092 : i32 to vector<16xi32>
    %broadcast_in_dim3A_1094 = arith.constant 0 : i32
    %broadcast_in_dim3A_1095 = vector.broadcast %broadcast_in_dim3A_1094 : i32 to vector<16xi32>
    %gather3A_1096 = tpu.vector_load_idx %arg9[%add3A_1025, %broadcast_in_dim3A_1093, %broadcast_in_dim3A_1095, %and3A_1015] : memref<12x4x8x128xf32, #tpu.memory_space<vmem>>[vector<16xi32>, vector<16xi32>, vector<16xi32>, vector<16xi32>], vector<16xf32>,
    %gather3A_1097 = tpu.vector_load_idx %arg10[%add3A_1025, %broadcast_in_dim3A_1093, %broadcast_in_dim3A_1095, %and3A_1020] : memref<12x4x8x128xf32, #tpu.memory_space<vmem>>[vector<16xi32>, vector<16xi32>, vector<16xi32>, vector<16xi32>], vector<16xf32>,
    %mul3A_1098 = arith.mulf %gather3A_1096, %gather3A_1097 : vector<16xf32>
    %add3A_1099 = arith.addf %add3A_1091, %mul3A_1098 : vector<16xf32>
    %broadcast_in_dim3A_1100 = arith.constant 1 : i32
    %broadcast_in_dim3A_1101 = vector.broadcast %broadcast_in_dim3A_1100 : i32 to vector<16xi32>
    %broadcast_in_dim3A_1102 = arith.constant 1 : i32
    %broadcast_in_dim3A_1103 = vector.broadcast %broadcast_in_dim3A_1102 : i32 to vector<16xi32>
    %gather3A_1104 = tpu.vector_load_idx %arg9[%add3A_1025, %broadcast_in_dim3A_1101, %broadcast_in_dim3A_1103, %and3A_1015] : memref<12x4x8x128xf32, #tpu.memory_space<vmem>>[vector<16xi32>, vector<16xi32>, vector<16xi32>, vector<16xi32>], vector<16xf32>,
    %gather3A_1105 = tpu.vector_load_idx %arg10[%add3A_1025, %broadcast_in_dim3A_1101, %broadcast_in_dim3A_1103, %and3A_1020] : memref<12x4x8x128xf32, #tpu.memory_space<vmem>>[vector<16xi32>, vector<16xi32>, vector<16xi32>, vector<16xi32>], vector<16xf32>,
    %mul3A_1106 = arith.mulf %gather3A_1104, %gather3A_1105 : vector<16xf32>
    %add3A_1107 = arith.addf %add3A_1099, %mul3A_1106 : vector<16xf32>
    %broadcast_in_dim3A_1108 = arith.constant 1 : i32
    %broadcast_in_dim3A_1109 = vector.broadcast %broadcast_in_dim3A_1108 : i32 to vector<16xi32>
    %broadcast_in_dim3A_1110 = arith.constant 2 : i32
    %broadcast_in_dim3A_1111 = vector.broadcast %broadcast_in_dim3A_1110 : i32 to vector<16xi32>
    %gather3A_1112 = tpu.vector_load_idx %arg9[%add3A_1025, %broadcast_in_dim3A_1109, %broadcast_in_dim3A_1111, %and3A_1015] : memref<12x4x8x128xf32, #tpu.memory_space<vmem>>[vector<16xi32>, vector<16xi32>, vector<16xi32>, vector<16xi32>], vector<16xf32>,
    %gather3A_1113 = tpu.vector_load_idx %arg10[%add3A_1025, %broadcast_in_dim3A_1109, %broadcast_in_dim3A_1111, %and3A_1020] : memref<12x4x8x128xf32, #tpu.memory_space<vmem>>[vector<16xi32>, vector<16xi32>, vector<16xi32>, vector<16xi32>], vector<16xf32>,
    %mul3A_1114 = arith.mulf %gather3A_1112, %gather3A_1113 : vector<16xf32>
    %add3A_1115 = arith.addf %add3A_1107, %mul3A_1114 : vector<16xf32>
    %broadcast_in_dim3A_1116 = arith.constant 1 : i32
    %broadcast_in_dim3A_1117 = vector.broadcast %broadcast_in_dim3A_1116 : i32 to vector<16xi32>
    %broadcast_in_dim3A_1118 = arith.constant 3 : i32
    %broadcast_in_dim3A_1119 = vector.broadcast %broadcast_in_dim3A_1118 : i32 to vector<16xi32>
    %gather3A_1120 = tpu.vector_load_idx %arg9[%add3A_1025, %broadcast_in_dim3A_1117, %broadcast_in_dim3A_1119, %and3A_1015] : memref<12x4x8x128xf32, #tpu.memory_space<vmem>>[vector<16xi32>, vector<16xi32>, vector<16xi32>, vector<16xi32>], vector<16xf32>,
    %gather3A_1121 = tpu.vector_load_idx %arg10[%add3A_1025, %broadcast_in_dim3A_1117, %broadcast_in_dim3A_1119, %and3A_1020] : memref<12x4x8x128xf32, #tpu.memory_space<vmem>>[vector<16xi32>, vector<16xi32>, vector<16xi32>, vector<16xi32>], vector<16xf32>,
    %mul3A_1122 = arith.mulf %gather3A_1120, %gather3A_1121 : vector<16xf32>
    %add3A_1123 = arith.addf %add3A_1115, %mul3A_1122 : vector<16xf32>
    %broadcast_in_dim3A_1124 = arith.constant 1 : i32
    %broadcast_in_dim3A_1125 = vector.broadcast %broadcast_in_dim3A_1124 : i32 to vector<16xi32>
    %broadcast_in_dim3A_1126 = arith.constant 4 : i32
    %broadcast_in_dim3A_1127 = vector.broadcast %broadcast_in_dim3A_1126 : i32 to vector<16xi32>
    %gather3A_1128 = tpu.vector_load_idx %arg9[%add3A_1025, %broadcast_in_dim3A_1125, %broadcast_in_dim3A_1127, %and3A_1015] : memref<12x4x8x128xf32, #tpu.memory_space<vmem>>[vector<16xi32>, vector<16xi32>, vector<16xi32>, vector<16xi32>], vector<16xf32>,
    %gather3A_1129 = tpu.vector_load_idx %arg10[%add3A_1025, %broadcast_in_dim3A_1125, %broadcast_in_dim3A_1127, %and3A_1020] : memref<12x4x8x128xf32, #tpu.memory_space<vmem>>[vector<16xi32>, vector<16xi32>, vector<16xi32>, vector<16xi32>], vector<16xf32>,
    %mul3A_1130 = arith.mulf %gather3A_1128, %gather3A_1129 : vector<16xf32>
    %add3A_1131 = arith.addf %add3A_1123, %mul3A_1130 : vector<16xf32>
    %broadcast_in_dim3A_1132 = arith.constant 1 : i32
    %broadcast_in_dim3A_1133 = vector.broadcast %broadcast_in_dim3A_1132 : i32 to vector<16xi32>
    %broadcast_in_dim3A_1134 = arith.constant 5 : i32
    %broadcast_in_dim3A_1135 = vector.broadcast %broadcast_in_dim3A_1134 : i32 to vector<16xi32>
    %gather3A_1136 = tpu.vector_load_idx %arg9[%add3A_1025, %broadcast_in_dim3A_1133, %broadcast_in_dim3A_1135, %and3A_1015] : memref<12x4x8x128xf32, #tpu.memory_space<vmem>>[vector<16xi32>, vector<16xi32>, vector<16xi32>, vector<16xi32>], vector<16xf32>,
    %gather3A_1137 = tpu.vector_load_idx %arg10[%add3A_1025, %broadcast_in_dim3A_1133, %broadcast_in_dim3A_1135, %and3A_1020] : memref<12x4x8x128xf32, #tpu.memory_space<vmem>>[vector<16xi32>, vector<16xi32>, vector<16xi32>, vector<16xi32>], vector<16xf32>,
    %mul3A_1138 = arith.mulf %gather3A_1136, %gather3A_1137 : vector<16xf32>
    %add3A_1139 = arith.addf %add3A_1131, %mul3A_1138 : vector<16xf32>
    %broadcast_in_dim3A_1140 = arith.constant 1 : i32
    %broadcast_in_dim3A_1141 = vector.broadcast %broadcast_in_dim3A_1140 : i32 to vector<16xi32>
    %broadcast_in_dim3A_1142 = arith.constant 6 : i32
    %broadcast_in_dim3A_1143 = vector.broadcast %broadcast_in_dim3A_1142 : i32 to vector<16xi32>
    %gather3A_1144 = tpu.vector_load_idx %arg9[%add3A_1025, %broadcast_in_dim3A_1141, %broadcast_in_dim3A_1143, %and3A_1015] : memref<12x4x8x128xf32, #tpu.memory_space<vmem>>[vector<16xi32>, vector<16xi32>, vector<16xi32>, vector<16xi32>], vector<16xf32>,
    %gather3A_1145 = tpu.vector_load_idx %arg10[%add3A_1025, %broadcast_in_dim3A_1141, %broadcast_in_dim3A_1143, %and3A_1020] : memref<12x4x8x128xf32, #tpu.memory_space<vmem>>[vector<16xi32>, vector<16xi32>, vector<16xi32>, vector<16xi32>], vector<16xf32>,
    %mul3A_1146 = arith.mulf %gather3A_1144, %gather3A_1145 : vector<16xf32>
    %add3A_1147 = arith.addf %add3A_1139, %mul3A_1146 : vector<16xf32>
    %broadcast_in_dim3A_1148 = arith.constant 1 : i32
    %broadcast_in_dim3A_1149 = vector.broadcast %broadcast_in_dim3A_1148 : i32 to vector<16xi32>
    %broadcast_in_dim3A_1150 = arith.constant 7 : i32
    %broadcast_in_dim3A_1151 = vector.broadcast %broadcast_in_dim3A_1150 : i32 to vector<16xi32>
    %gather3A_1152 = tpu.vector_load_idx %arg9[%add3A_1025, %broadcast_in_dim3A_1149, %broadcast_in_dim3A_1151, %and3A_1015] : memref<12x4x8x128xf32, #tpu.memory_space<vmem>>[vector<16xi32>, vector<16xi32>, vector<16xi32>, vector<16xi32>], vector<16xf32>,
    %gather3A_1153 = tpu.vector_load_idx %arg10[%add3A_1025, %broadcast_in_dim3A_1149, %broadcast_in_dim3A_1151, %and3A_1020] : memref<12x4x8x128xf32, #tpu.memory_space<vmem>>[vector<16xi32>, vector<16xi32>, vector<16xi32>, vector<16xi32>], vector<16xf32>,
    %mul3A_1154 = arith.mulf %gather3A_1152, %gather3A_1153 : vector<16xf32>
    %add3A_1155 = arith.addf %add3A_1147, %mul3A_1154 : vector<16xf32>
    %broadcast_in_dim3A_1156 = arith.constant 2 : i32
    %broadcast_in_dim3A_1157 = vector.broadcast %broadcast_in_dim3A_1156 : i32 to vector<16xi32>
    %broadcast_in_dim3A_1158 = arith.constant 0 : i32
    %broadcast_in_dim3A_1159 = vector.broadcast %broadcast_in_dim3A_1158 : i32 to vector<16xi32>
    %gather3A_1160 = tpu.vector_load_idx %arg9[%add3A_1025, %broadcast_in_dim3A_1157, %broadcast_in_dim3A_1159, %and3A_1015] : memref<12x4x8x128xf32, #tpu.memory_space<vmem>>[vector<16xi32>, vector<16xi32>, vector<16xi32>, vector<16xi32>], vector<16xf32>,
    %gather3A_1161 = tpu.vector_load_idx %arg10[%add3A_1025, %broadcast_in_dim3A_1157, %broadcast_in_dim3A_1159, %and3A_1020] : memref<12x4x8x128xf32, #tpu.memory_space<vmem>>[vector<16xi32>, vector<16xi32>, vector<16xi32>, vector<16xi32>], vector<16xf32>,
    %mul3A_1162 = arith.mulf %gather3A_1160, %gather3A_1161 : vector<16xf32>
    %add3A_1163 = arith.addf %add3A_1155, %mul3A_1162 : vector<16xf32>
    %broadcast_in_dim3A_1164 = arith.constant 2 : i32
    %broadcast_in_dim3A_1165 = vector.broadcast %broadcast_in_dim3A_1164 : i32 to vector<16xi32>
    %broadcast_in_dim3A_1166 = arith.constant 1 : i32
    %broadcast_in_dim3A_1167 = vector.broadcast %broadcast_in_dim3A_1166 : i32 to vector<16xi32>
    %gather3A_1168 = tpu.vector_load_idx %arg9[%add3A_1025, %broadcast_in_dim3A_1165, %broadcast_in_dim3A_1167, %and3A_1015] : memref<12x4x8x128xf32, #tpu.memory_space<vmem>>[vector<16xi32>, vector<16xi32>, vector<16xi32>, vector<16xi32>], vector<16xf32>,
    %gather3A_1169 = tpu.vector_load_idx %arg10[%add3A_1025, %broadcast_in_dim3A_1165, %broadcast_in_dim3A_1167, %and3A_1020] : memref<12x4x8x128xf32, #tpu.memory_space<vmem>>[vector<16xi32>, vector<16xi32>, vector<16xi32>, vector<16xi32>], vector<16xf32>,
    %mul3A_1170 = arith.mulf %gather3A_1168, %gather3A_1169 : vector<16xf32>
    %add3A_1171 = arith.addf %add3A_1163, %mul3A_1170 : vector<16xf32>
    %broadcast_in_dim3A_1172 = arith.constant 2 : i32
    %broadcast_in_dim3A_1173 = vector.broadcast %broadcast_in_dim3A_1172 : i32 to vector<16xi32>
    %broadcast_in_dim3A_1174 = arith.constant 2 : i32
    %broadcast_in_dim3A_1175 = vector.broadcast %broadcast_in_dim3A_1174 : i32 to vector<16xi32>
    %gather3A_1176 = tpu.vector_load_idx %arg9[%add3A_1025, %broadcast_in_dim3A_1173, %broadcast_in_dim3A_1175, %and3A_1015] : memref<12x4x8x128xf32, #tpu.memory_space<vmem>>[vector<16xi32>, vector<16xi32>, vector<16xi32>, vector<16xi32>], vector<16xf32>,
    %gather3A_1177 = tpu.vector_load_idx %arg10[%add3A_1025, %broadcast_in_dim3A_1173, %broadcast_in_dim3A_1175, %and3A_1020] : memref<12x4x8x128xf32, #tpu.memory_space<vmem>>[vector<16xi32>, vector<16xi32>, vector<16xi32>, vector<16xi32>], vector<16xf32>,
    %mul3A_1178 = arith.mulf %gather3A_1176, %gather3A_1177 : vector<16xf32>
    %add3A_1179 = arith.addf %add3A_1171, %mul3A_1178 : vector<16xf32>
    %broadcast_in_dim3A_1180 = arith.constant 2 : i32
    %broadcast_in_dim3A_1181 = vector.broadcast %broadcast_in_dim3A_1180 : i32 to vector<16xi32>
    %broadcast_in_dim3A_1182 = arith.constant 3 : i32
    %broadcast_in_dim3A_1183 = vector.broadcast %broadcast_in_dim3A_1182 : i32 to vector<16xi32>
    %gather3A_1184 = tpu.vector_load_idx %arg9[%add3A_1025, %broadcast_in_dim3A_1181, %broadcast_in_dim3A_1183, %and3A_1015] : memref<12x4x8x128xf32, #tpu.memory_space<vmem>>[vector<16xi32>, vector<16xi32>, vector<16xi32>, vector<16xi32>], vector<16xf32>,
    %gather3A_1185 = tpu.vector_load_idx %arg10[%add3A_1025, %broadcast_in_dim3A_1181, %broadcast_in_dim3A_1183, %and3A_1020] : memref<12x4x8x128xf32, #tpu.memory_space<vmem>>[vector<16xi32>, vector<16xi32>, vector<16xi32>, vector<16xi32>], vector<16xf32>,
    %mul3A_1186 = arith.mulf %gather3A_1184, %gather3A_1185 : vector<16xf32>
    %add3A_1187 = arith.addf %add3A_1179, %mul3A_1186 : vector<16xf32>
    %broadcast_in_dim3A_1188 = arith.constant 2 : i32
    %broadcast_in_dim3A_1189 = vector.broadcast %broadcast_in_dim3A_1188 : i32 to vector<16xi32>
    %broadcast_in_dim3A_1190 = arith.constant 4 : i32
    %broadcast_in_dim3A_1191 = vector.broadcast %broadcast_in_dim3A_1190 : i32 to vector<16xi32>
    %gather3A_1192 = tpu.vector_load_idx %arg9[%add3A_1025, %broadcast_in_dim3A_1189, %broadcast_in_dim3A_1191, %and3A_1015] : memref<12x4x8x128xf32, #tpu.memory_space<vmem>>[vector<16xi32>, vector<16xi32>, vector<16xi32>, vector<16xi32>], vector<16xf32>,
    %gather3A_1193 = tpu.vector_load_idx %arg10[%add3A_1025, %broadcast_in_dim3A_1189, %broadcast_in_dim3A_1191, %and3A_1020] : memref<12x4x8x128xf32, #tpu.memory_space<vmem>>[vector<16xi32>, vector<16xi32>, vector<16xi32>, vector<16xi32>], vector<16xf32>,
    %mul3A_1194 = arith.mulf %gather3A_1192, %gather3A_1193 : vector<16xf32>
    %add3A_1195 = arith.addf %add3A_1187, %mul3A_1194 : vector<16xf32>
    %broadcast_in_dim3A_1196 = arith.constant 2 : i32
    %broadcast_in_dim3A_1197 = vector.broadcast %broadcast_in_dim3A_1196 : i32 to vector<16xi32>
    %broadcast_in_dim3A_1198 = arith.constant 5 : i32
    %broadcast_in_dim3A_1199 = vector.broadcast %broadcast_in_dim3A_1198 : i32 to vector<16xi32>
    %gather3A_1200 = tpu.vector_load_idx %arg9[%add3A_1025, %broadcast_in_dim3A_1197, %broadcast_in_dim3A_1199, %and3A_1015] : memref<12x4x8x128xf32, #tpu.memory_space<vmem>>[vector<16xi32>, vector<16xi32>, vector<16xi32>, vector<16xi32>], vector<16xf32>,
    %gather3A_1201 = tpu.vector_load_idx %arg10[%add3A_1025, %broadcast_in_dim3A_1197, %broadcast_in_dim3A_1199, %and3A_1020] : memref<12x4x8x128xf32, #tpu.memory_space<vmem>>[vector<16xi32>, vector<16xi32>, vector<16xi32>, vector<16xi32>], vector<16xf32>,
    %mul3A_1202 = arith.mulf %gather3A_1200, %gather3A_1201 : vector<16xf32>
    %add3A_1203 = arith.addf %add3A_1195, %mul3A_1202 : vector<16xf32>
    %broadcast_in_dim3A_1204 = arith.constant 2 : i32
    %broadcast_in_dim3A_1205 = vector.broadcast %broadcast_in_dim3A_1204 : i32 to vector<16xi32>
    %broadcast_in_dim3A_1206 = arith.constant 6 : i32
    %broadcast_in_dim3A_1207 = vector.broadcast %broadcast_in_dim3A_1206 : i32 to vector<16xi32>
    %gather3A_1208 = tpu.vector_load_idx %arg9[%add3A_1025, %broadcast_in_dim3A_1205, %broadcast_in_dim3A_1207, %and3A_1015] : memref<12x4x8x128xf32, #tpu.memory_space<vmem>>[vector<16xi32>, vector<16xi32>, vector<16xi32>, vector<16xi32>], vector<16xf32>,
    %gather3A_1209 = tpu.vector_load_idx %arg10[%add3A_1025, %broadcast_in_dim3A_1205, %broadcast_in_dim3A_1207, %and3A_1020] : memref<12x4x8x128xf32, #tpu.memory_space<vmem>>[vector<16xi32>, vector<16xi32>, vector<16xi32>, vector<16xi32>], vector<16xf32>,
    %mul3A_1210 = arith.mulf %gather3A_1208, %gather3A_1209 : vector<16xf32>
    %add3A_1211 = arith.addf %add3A_1203, %mul3A_1210 : vector<16xf32>
    %broadcast_in_dim3A_1212 = arith.constant 2 : i32
    %broadcast_in_dim3A_1213 = vector.broadcast %broadcast_in_dim3A_1212 : i32 to vector<16xi32>
    %broadcast_in_dim3A_1214 = arith.constant 7 : i32
    %broadcast_in_dim3A_1215 = vector.broadcast %broadcast_in_dim3A_1214 : i32 to vector<16xi32>
    %gather3A_1216 = tpu.vector_load_idx %arg9[%add3A_1025, %broadcast_in_dim3A_1213, %broadcast_in_dim3A_1215, %and3A_1015] : memref<12x4x8x128xf32, #tpu.memory_space<vmem>>[vector<16xi32>, vector<16xi32>, vector<16xi32>, vector<16xi32>], vector<16xf32>,
    %gather3A_1217 = tpu.vector_load_idx %arg10[%add3A_1025, %broadcast_in_dim3A_1213, %broadcast_in_dim3A_1215, %and3A_1020] : memref<12x4x8x128xf32, #tpu.memory_space<vmem>>[vector<16xi32>, vector<16xi32>, vector<16xi32>, vector<16xi32>], vector<16xf32>,
    %mul3A_1218 = arith.mulf %gather3A_1216, %gather3A_1217 : vector<16xf32>
    %add3A_1219 = arith.addf %add3A_1211, %mul3A_1218 : vector<16xf32>
    %broadcast_in_dim3A_1220 = arith.constant 3 : i32
    %broadcast_in_dim3A_1221 = vector.broadcast %broadcast_in_dim3A_1220 : i32 to vector<16xi32>
    %broadcast_in_dim3A_1222 = arith.constant 0 : i32
    %broadcast_in_dim3A_1223 = vector.broadcast %broadcast_in_dim3A_1222 : i32 to vector<16xi32>
    %gather3A_1224 = tpu.vector_load_idx %arg9[%add3A_1025, %broadcast_in_dim3A_1221, %broadcast_in_dim3A_1223, %and3A_1015] : memref<12x4x8x128xf32, #tpu.memory_space<vmem>>[vector<16xi32>, vector<16xi32>, vector<16xi32>, vector<16xi32>], vector<16xf32>,
    %gather3A_1225 = tpu.vector_load_idx %arg10[%add3A_1025, %broadcast_in_dim3A_1221, %broadcast_in_dim3A_1223, %and3A_1020] : memref<12x4x8x128xf32, #tpu.memory_space<vmem>>[vector<16xi32>, vector<16xi32>, vector<16xi32>, vector<16xi32>], vector<16xf32>,
    %mul3A_1226 = arith.mulf %gather3A_1224, %gather3A_1225 : vector<16xf32>
    %add3A_1227 = arith.addf %add3A_1219, %mul3A_1226 : vector<16xf32>
    %broadcast_in_dim3A_1228 = arith.constant 3 : i32
    %broadcast_in_dim3A_1229 = vector.broadcast %broadcast_in_dim3A_1228 : i32 to vector<16xi32>
    %broadcast_in_dim3A_1230 = arith.constant 1 : i32
    %broadcast_in_dim3A_1231 = vector.broadcast %broadcast_in_dim3A_1230 : i32 to vector<16xi32>
    %gather3A_1232 = tpu.vector_load_idx %arg9[%add3A_1025, %broadcast_in_dim3A_1229, %broadcast_in_dim3A_1231, %and3A_1015] : memref<12x4x8x128xf32, #tpu.memory_space<vmem>>[vector<16xi32>, vector<16xi32>, vector<16xi32>, vector<16xi32>], vector<16xf32>,
    %gather3A_1233 = tpu.vector_load_idx %arg10[%add3A_1025, %broadcast_in_dim3A_1229, %broadcast_in_dim3A_1231, %and3A_1020] : memref<12x4x8x128xf32, #tpu.memory_space<vmem>>[vector<16xi32>, vector<16xi32>, vector<16xi32>, vector<16xi32>], vector<16xf32>,
    %mul3A_1234 = arith.mulf %gather3A_1232, %gather3A_1233 : vector<16xf32>
    %add3A_1235 = arith.addf %add3A_1227, %mul3A_1234 : vector<16xf32>
    %broadcast_in_dim3A_1236 = arith.constant 3 : i32
    %broadcast_in_dim3A_1237 = vector.broadcast %broadcast_in_dim3A_1236 : i32 to vector<16xi32>
    %broadcast_in_dim3A_1238 = arith.constant 2 : i32
    %broadcast_in_dim3A_1239 = vector.broadcast %broadcast_in_dim3A_1238 : i32 to vector<16xi32>
    %gather3A_1240 = tpu.vector_load_idx %arg9[%add3A_1025, %broadcast_in_dim3A_1237, %broadcast_in_dim3A_1239, %and3A_1015] : memref<12x4x8x128xf32, #tpu.memory_space<vmem>>[vector<16xi32>, vector<16xi32>, vector<16xi32>, vector<16xi32>], vector<16xf32>,
    %gather3A_1241 = tpu.vector_load_idx %arg10[%add3A_1025, %broadcast_in_dim3A_1237, %broadcast_in_dim3A_1239, %and3A_1020] : memref<12x4x8x128xf32, #tpu.memory_space<vmem>>[vector<16xi32>, vector<16xi32>, vector<16xi32>, vector<16xi32>], vector<16xf32>,
    %mul3A_1242 = arith.mulf %gather3A_1240, %gather3A_1241 : vector<16xf32>
    %add3A_1243 = arith.addf %add3A_1235, %mul3A_1242 : vector<16xf32>
    %broadcast_in_dim3A_1244 = arith.constant 3 : i32
    %broadcast_in_dim3A_1245 = vector.broadcast %broadcast_in_dim3A_1244 : i32 to vector<16xi32>
    %broadcast_in_dim3A_1246 = arith.constant 3 : i32
    %broadcast_in_dim3A_1247 = vector.broadcast %broadcast_in_dim3A_1246 : i32 to vector<16xi32>
    %gather3A_1248 = tpu.vector_load_idx %arg9[%add3A_1025, %broadcast_in_dim3A_1245, %broadcast_in_dim3A_1247, %and3A_1015] : memref<12x4x8x128xf32, #tpu.memory_space<vmem>>[vector<16xi32>, vector<16xi32>, vector<16xi32>, vector<16xi32>], vector<16xf32>,
    %gather3A_1249 = tpu.vector_load_idx %arg10[%add3A_1025, %broadcast_in_dim3A_1245, %broadcast_in_dim3A_1247, %and3A_1020] : memref<12x4x8x128xf32, #tpu.memory_space<vmem>>[vector<16xi32>, vector<16xi32>, vector<16xi32>, vector<16xi32>], vector<16xf32>,
    %mul3A_1250 = arith.mulf %gather3A_1248, %gather3A_1249 : vector<16xf32>
    %add3A_1251 = arith.addf %add3A_1243, %mul3A_1250 : vector<16xf32>
    %broadcast_in_dim3A_1252 = arith.constant 3 : i32
    %broadcast_in_dim3A_1253 = vector.broadcast %broadcast_in_dim3A_1252 : i32 to vector<16xi32>
    %broadcast_in_dim3A_1254 = arith.constant 4 : i32
    %broadcast_in_dim3A_1255 = vector.broadcast %broadcast_in_dim3A_1254 : i32 to vector<16xi32>
    %gather3A_1256 = tpu.vector_load_idx %arg9[%add3A_1025, %broadcast_in_dim3A_1253, %broadcast_in_dim3A_1255, %and3A_1015] : memref<12x4x8x128xf32, #tpu.memory_space<vmem>>[vector<16xi32>, vector<16xi32>, vector<16xi32>, vector<16xi32>], vector<16xf32>,
    %gather3A_1257 = tpu.vector_load_idx %arg10[%add3A_1025, %broadcast_in_dim3A_1253, %broadcast_in_dim3A_1255, %and3A_1020] : memref<12x4x8x128xf32, #tpu.memory_space<vmem>>[vector<16xi32>, vector<16xi32>, vector<16xi32>, vector<16xi32>], vector<16xf32>,
    %mul3A_1258 = arith.mulf %gather3A_1256, %gather3A_1257 : vector<16xf32>
    %add3A_1259 = arith.addf %add3A_1251, %mul3A_1258 : vector<16xf32>
    %broadcast_in_dim3A_1260 = arith.constant 3 : i32
    %broadcast_in_dim3A_1261 = vector.broadcast %broadcast_in_dim3A_1260 : i32 to vector<16xi32>
    %broadcast_in_dim3A_1262 = arith.constant 5 : i32
    %broadcast_in_dim3A_1263 = vector.broadcast %broadcast_in_dim3A_1262 : i32 to vector<16xi32>
    %gather3A_1264 = tpu.vector_load_idx %arg9[%add3A_1025, %broadcast_in_dim3A_1261, %broadcast_in_dim3A_1263, %and3A_1015] : memref<12x4x8x128xf32, #tpu.memory_space<vmem>>[vector<16xi32>, vector<16xi32>, vector<16xi32>, vector<16xi32>], vector<16xf32>,
    %gather3A_1265 = tpu.vector_load_idx %arg10[%add3A_1025, %broadcast_in_dim3A_1261, %broadcast_in_dim3A_1263, %and3A_1020] : memref<12x4x8x128xf32, #tpu.memory_space<vmem>>[vector<16xi32>, vector<16xi32>, vector<16xi32>, vector<16xi32>], vector<16xf32>,
    %mul3A_1266 = arith.mulf %gather3A_1264, %gather3A_1265 : vector<16xf32>
    %add3A_1267 = arith.addf %add3A_1259, %mul3A_1266 : vector<16xf32>
    %broadcast_in_dim3A_1268 = arith.constant 3 : i32
    %broadcast_in_dim3A_1269 = vector.broadcast %broadcast_in_dim3A_1268 : i32 to vector<16xi32>
    %broadcast_in_dim3A_1270 = arith.constant 6 : i32
    %broadcast_in_dim3A_1271 = vector.broadcast %broadcast_in_dim3A_1270 : i32 to vector<16xi32>
    %gather3A_1272 = tpu.vector_load_idx %arg9[%add3A_1025, %broadcast_in_dim3A_1269, %broadcast_in_dim3A_1271, %and3A_1015] : memref<12x4x8x128xf32, #tpu.memory_space<vmem>>[vector<16xi32>, vector<16xi32>, vector<16xi32>, vector<16xi32>], vector<16xf32>,
    %gather3A_1273 = tpu.vector_load_idx %arg10[%add3A_1025, %broadcast_in_dim3A_1269, %broadcast_in_dim3A_1271, %and3A_1020] : memref<12x4x8x128xf32, #tpu.memory_space<vmem>>[vector<16xi32>, vector<16xi32>, vector<16xi32>, vector<16xi32>], vector<16xf32>,
    %mul3A_1274 = arith.mulf %gather3A_1272, %gather3A_1273 : vector<16xf32>
    %add3A_1275 = arith.addf %add3A_1267, %mul3A_1274 : vector<16xf32>
    %broadcast_in_dim3A_1276 = arith.constant 3 : i32
    %broadcast_in_dim3A_1277 = vector.broadcast %broadcast_in_dim3A_1276 : i32 to vector<16xi32>
    %broadcast_in_dim3A_1278 = arith.constant 7 : i32
    %broadcast_in_dim3A_1279 = vector.broadcast %broadcast_in_dim3A_1278 : i32 to vector<16xi32>
    %gather3A_1280 = tpu.vector_load_idx %arg9[%add3A_1025, %broadcast_in_dim3A_1277, %broadcast_in_dim3A_1279, %and3A_1015] : memref<12x4x8x128xf32, #tpu.memory_space<vmem>>[vector<16xi32>, vector<16xi32>, vector<16xi32>, vector<16xi32>], vector<16xf32>,
    %gather3A_1281 = tpu.vector_load_idx %arg10[%add3A_1025, %broadcast_in_dim3A_1277, %broadcast_in_dim3A_1279, %and3A_1020] : memref<12x4x8x128xf32, #tpu.memory_space<vmem>>[vector<16xi32>, vector<16xi32>, vector<16xi32>, vector<16xi32>], vector<16xf32>,
    %mul3A_1282 = arith.mulf %gather3A_1280, %gather3A_1281 : vector<16xf32>
    %add3A_1283 = arith.addf %add3A_1275, %mul3A_1282 : vector<16xf32>
    %neg3A_1284 = arith.constant 0.000000e+00 : f32
    %neg3A_1285 = vector.broadcast %neg3A_1284 : f32 to vector<16xf32>
    %neg3A_1286 = arith.subf %neg3A_1285, %add3A_1283 : vector<16xf32>
    %exp3A_1287 = math.exp %neg3A_1286 : vector<16xf32>
    %add3A_1288 = arith.constant 1.000000e+00 : f32
    %add3A_1289 = vector.broadcast %add3A_1288 : f32 to vector<16xf32>
    %add3A_1290 = arith.addf %add3A_1289, %exp3A_1287 : vector<16xf32>
    %div3A_1291 = arith.constant 1.000000e+00 : f32
    %div3A_1292 = vector.broadcast %div3A_1291 : f32 to vector<16xf32>
    %div3A_1293 = arith.divf %div3A_1292, %add3A_1290 : vector<16xf32>
    %lt3A_1294 = arith.constant 4 : i32
    %lt3A_1295 = vector.broadcast %lt3A_1294 : i32 to vector<16xi32>
    %lt3A_1296 = arith.cmpi slt, %iota3A, %lt3A_1295 : vector<16xi32>
    %swap3A_1297 = arith.constant 508 : index
    %swap3A_1298 = tpu.vector_load %arg11[%swap3A_1297] masked %lt3A_1296 {strides = array<i32>} : memref<528xf32, #tpu.memory_space<vmem>>, vector<16xf32>, vector<16xi1>
    tpu.vector_store %arg11[%swap3A_1297], %div3A_1293 masked %lt3A_1296 {strides = array<i32>} : memref<528xf32, #tpu.memory_space<vmem>>, vector<16xf32>, vector<16xi1>
    "tpu.region"() ({
      %run_scoped3A = tpu.sem_alloc : memref<!tpu.dma_semaphore, #tpu.memory_space<semaphore_mem>>
      %dma_start3A_1299 = arith.constant 0 : i32
      %dma_start3A_1300 = tpu.memref_slice %arg11[%dma_start3A_1299] : memref<528xf32, #tpu.memory_space<vmem>> -> memref<512xf32, #tpu.memory_space<vmem>>
      %dma_start3A_1301 = tpu.memref_slice %arg6[%mul3A_2] : memref<16384xf32, #tpu.memory_space<hbm>> -> memref<512xf32, #tpu.memory_space<hbm>>
      %dma_start3A_1302 = tpu.memref_slice %arg6[%mul3A_2] : memref<16384xf32, #tpu.memory_space<hbm>> -> memref<512xf32, #tpu.memory_space<hbm>>
      %dma_start3A_1303 = arith.constant 0 : i32
      %dma_start3A_1304 = tpu.memref_slice %arg11[%dma_start3A_1303] : memref<528xf32, #tpu.memory_space<vmem>> -> memref<512xf32, #tpu.memory_space<vmem>>
      tpu.enqueue_dma source(%dma_start3A_1304 : memref<512xf32, #tpu.memory_space<vmem>>) target(%dma_start3A_1302 : memref<512xf32, #tpu.memory_space<hbm>>) target_semaphore(%run_scoped3A : memref<!tpu.dma_semaphore, #tpu.memory_space<semaphore_mem>>)
      %dma_wait3A_1305 = arith.constant 0 : i32
      %dma_wait3A_1306 = tpu.memref_slice %arg11[%dma_wait3A_1305] : memref<528xf32, #tpu.memory_space<vmem>> -> memref<512xf32, #tpu.memory_space<vmem>>
      %dma_wait3A_1307 = tpu.memref_slice %arg6[%mul3A_2] : memref<16384xf32, #tpu.memory_space<hbm>> -> memref<512xf32, #tpu.memory_space<hbm>>
      %dma_wait3A_1308 = tpu.memref_slice %arg6[%mul3A_2] : memref<16384xf32, #tpu.memory_space<hbm>> -> memref<512xf32, #tpu.memory_space<hbm>>
      %dma_wait3A_1309 = arith.constant 0 : i32
      %dma_wait3A_1310 = tpu.memref_slice %arg11[%dma_wait3A_1309] : memref<528xf32, #tpu.memory_space<vmem>> -> memref<512xf32, #tpu.memory_space<vmem>>
      tpu.wait_dma2 semaphore(%run_scoped3A : memref<!tpu.dma_semaphore, #tpu.memory_space<semaphore_mem>>) src(%dma_wait3A_1310 : memref<512xf32, #tpu.memory_space<vmem>>) dst(%dma_wait3A_1308 : memref<512xf32, #tpu.memory_space<hbm>>)
      tpu.yield
    }) : () -> ()
    return
  }
}

</mosaic_0001>

<sc_bundles>
// kernel: _sc_call.3.cloned.1.call-start
scs
__scs_entry_jumppad:
0x0: {  	(pc) =	sbr.rel $0x88, $3  }
0x1: {  	(tag) =	ssettag $0x0;
	lr =	simm.s32 $0x1  }
0x2: {  	[smem:$0x3F9D] =	sst lr;
	_ =	strace $0xD0000000  }
0x3: {  	_ = 	snop  }
0x4: {  	_ = 	snop  }
0x5: {  	_ = 	snop  }
0x6: {  	_ = 	snop  }
0x7: {  	_ = 	snop  }
__scs_overlays_trampoline_lowered:
0x8: {  	[smem:$0x3FAC] =	sst s0  }
0x9: {  	[smem:$0x3FAD] =	sst s1  }
0xa: {  	[smem:$0x3FAE] =	sst s2  }
0xb: {  	[smem:$0x3FAF] =	sst s3  }
0xc: {  	[smem:$0x3FB0] =	sst s4  }
0xd: {  	[smem:$0x3FB1] =	sst s5  }
0xe: {  	[smem:$0x3FB2] =	sst s6  }
0xf: {  	[smem:$0x3FB3] =	sst s7  }
0x10: {  	[smem:$0x3FB4] =	sst s8  }
0x11: {  	[smem:$0x3FB5] =	sst s9;
	s0 =	simm.s32 @!p0 $0x0  }
0x12: {  	s1 =	sld [smem:$0x3F9B];
	s0 =	simm.s32 @p0 $0x1  }
0x13: {  	[smem:$0x3FB6] =	sst s0;
	s0 =	simm.s32 @!p1 $0x0  }
0x14: {  	s2 =	sld [smem:$0x3F9A];
	s0 =	simm.s32 @p1 $0x1  }
0x15: {  	[smem:$0x3FB7] =	sst s0;
	s0 =	simm.s32 @!p2 $0x0  }
0x16: {  	s3 =	sld [smem:$0x3FDB];
	s0 =	simm.s32 @p2 $0x1  }
0x17: {  	s4 =	simm.s32 $0x1BF5;
	[smem:$0x3FB9] =	sst s0  }
0x18: {  	s0 =	sld [smem:$0x3F9C];
	_ =	swait.ge [sflag:s4], $0x0  }
0x19: {  	s7 =	sld [smem:$0x3F9D]  }
0x1a: {  	s8 =	sadd.s32 $0xFFFFE003, lr  }
0x1b: {  	s9 =	sadd.s32 $0xFFFFFEF7, lr;
	s5 =	simm.s32 $0xFFFFFFFF;
	p2 =	slt.u32 s8, $0xFFFFF086  }
0x1c: {  	p1 =	slt.u32 s9, $0xF7A;
	s5 =	simm.s32 @!p2 $0x0  }
0x1d: {  	s5 =	simm.s32 @p1 $0x1;
	p0 =	seq.s32 s7, s2  }
0x1e: {  	s7 =	smul.u32 @!p0 $0xF7A, s2;
	p2 =	seq.s32 @!p0 s5, $0x0  }
0x1f: {  	s9 =	smul.u32 $0xF7A, s1;
	s8 =	simm.s32 @!p0 $0x1BF5;
	p2 =	por !p2, p0  }
0x20: {  	[sflag:s8] =	ssyncset.s32 @!p0 $0xFFFFF086;
	s6 =	sadd.s32 @!p0 s3, s7;
	s7 =	simm.s32 @!p0 $0x108  }
0x21: {  	s3 =	sadd.s32 s3, s9;
	s6 =	sadd.s32 @!p0 $0x88, s6;
	s7 =	simm.s32 @p2 $0x1082  }
0x22: {  	[simem:s7], [sflag:s8] =	dma.local @!p0 [hbm:s6], $0xF7A  }
0x23: {  	s9 =	sor.u32 $0xD0000000, s2;
	s6 =	simm.s32 $0x108;
	_ =	swait.ge @!p0 [sflag:s8], $0x0  }
0x24: {  	s3 =	sadd.s32 $0x88, s3;
	s6 =	simm.s32 @!p1 $0x1082;
	[sflag:s4] =	ssyncset.s32 $0xFFFFF086  }
0x25: {  	[simem:s6], [sflag:s4] =	dma.local [hbm:s3], $0xF7A  }
0x26: {  	[smem:$0x3F9D] =	sst s1;
	(tag) =	ssettag s2;
	_ =	strace s9  }
0x27: {  	s1 =	sld [smem:$0x3FAD]  }
0x28: {  	s2 =	sld [smem:$0x3FAE]  }
0x29: {  	s4 =	sld [smem:$0x3FB0]  }
0x2a: {  	p0 =	seq.s32 s5, $0x0;
	s5 =	sld [smem:$0x3FB1]  }
0x2b: {  	s6 =	sld [smem:$0x3FB2]  }
0x2c: {  	s7 =	sld [smem:$0x3FB3]  }
0x2d: {  	s3 =	simm.s32 $0x108;
	s8 =	sld [smem:$0x3FB4]  }
0x2e: {  	s3 =	simm.s32 @!p0 $0x1082;
	s9 =	sld [smem:$0x3FB5]  }
0x2f: {  	lr =	sadd.s32 s0, s3;
	s0 =	sld [smem:$0x3FAC]  }
0x30: {  	s3 =	sld [smem:$0x3FAF]  }
0x31: {  	[smem:$0x3FB8] =	sst s10  }
0x32: {  	s10 =	sld [smem:$0x3FB6];
	_ =	sdelay $0x3  }
0x33: {  	p0 =	seq.s32 s10, $0x1;
	s10 =	sld [smem:$0x3FB8];
	_ =	sdelay $0x3  }
0x34: {  	[smem:$0x3FB8] =	sst s10  }
0x35: {  	s10 =	sld [smem:$0x3FB7];
	_ =	sdelay $0x3  }
0x36: {  	p1 =	seq.s32 s10, $0x1;
	s10 =	sld [smem:$0x3FB8];
	_ =	sdelay $0x3  }
0x37: {  	[smem:$0x3FB8] =	sst s10  }
0x38: {  	s10 =	sld [smem:$0x3FB9]  }
0x39: {  	_ = 	snop;
	(pc) =	sbr.ind lr, $3  }
0x3a: {  	_ = 	snop  }
0x3b: {  	_ = 	snop  }
0x3c: {  	p2 =	seq.s32 s10, $0x1;
	s10 =	sld [smem:$0x3FB8]  }
0x3d: {  	_ =	shalt  }
0x3e: {  	_ =	shalt  }
0x3f: {  	_ =	shalt  }
0x40: {  	_ =	shalt  }
0x41: {  	_ =	shalt  }
0x42: {  	_ =	shalt  }
0x43: {  	_ =	shalt  }
0x44: {  	_ =	shalt  }
0x45: {  	_ =	shalt  }
0x46: {  	_ =	shalt  }
0x47: {  	_ =	shalt  }
0x48: {  	_ =	shalt  }
0x49: {  	_ =	shalt  }
0x4a: {  	_ =	shalt  }
0x4b: {  	_ =	shalt  }
0x4c: {  	_ =	shalt  }
0x4d: {  	_ =	shalt  }
0x4e: {  	_ =	shalt  }
0x4f: {  	_ =	shalt  }
0x50: {  	_ =	shalt  }
0x51: {  	_ =	shalt  }
0x52: {  	_ =	shalt  }
0x53: {  	_ =	shalt  }
0x54: {  	_ =	shalt  }
0x55: {  	_ =	shalt  }
0x56: {  	_ =	shalt  }
0x57: {  	_ =	shalt  }
0x58: {  	_ =	shalt  }
0x59: {  	_ =	shalt  }
0x5a: {  	_ =	shalt  }
0x5b: {  	_ =	shalt  }
0x5c: {  	_ =	shalt  }
0x5d: {  	_ =	shalt  }
0x5e: {  	_ =	shalt  }
0x5f: {  	_ =	shalt  }
0x60: {  	_ =	shalt  }
0x61: {  	_ =	shalt  }
0x62: {  	_ =	shalt  }
0x63: {  	_ =	shalt  }
0x64: {  	_ =	shalt  }
0x65: {  	_ =	shalt  }
0x66: {  	_ =	shalt  }
0x67: {  	_ =	shalt  }
0x68: {  	_ =	shalt  }
0x69: {  	_ =	shalt  }
0x6a: {  	_ =	shalt  }
0x6b: {  	_ =	shalt  }
0x6c: {  	_ =	shalt  }
0x6d: {  	_ =	shalt  }
0x6e: {  	_ =	shalt  }
0x6f: {  	_ =	shalt  }
0x70: {  	_ =	shalt  }
0x71: {  	_ =	shalt  }
0x72: {  	_ =	shalt  }
0x73: {  	_ =	shalt  }
0x74: {  	_ =	shalt  }
0x75: {  	_ =	shalt  }
0x76: {  	_ =	shalt  }
0x77: {  	_ =	shalt  }
0x78: {  	_ =	shalt  }
0x79: {  	_ =	shalt  }
0x7a: {  	_ =	shalt  }
0x7b: {  	_ =	shalt  }
0x7c: {  	_ =	shalt  }
0x7d: {  	_ =	shalt  }
0x7e: {  	_ =	shalt  }
0x7f: {  	_ =	shalt  }
0x80: {  	_ =	shalt  }
0x81: {  	_ =	shalt  }
0x82: {  	_ =	shalt  }
0x83: {  	_ =	shalt  }
0x84: {  	_ =	shalt  }
0x85: {  	_ =	shalt  }
0x86: {  	_ =	shalt  }
0x87: {  	_ =	shalt  }
.Lfunc_end0:
.L_simem_size_0:
called_computation_lowered:
.L_overlay_start_0:
0x88: {  	s2 =	sld [smem:$0x3FD9]  }
0x89: {  	s3 =	sld [smem:$0x3FFE];
	_ =	sdelay $0x1  }
0x8a: {  	s1 =	srdreg.scid  }
0x8b: {  	s0 =	sand.u32 $0x1, s1  }
0x8c: {  	s18 =	sshll.u32 s0, $0xA;
	s2 =	sadd.s32 s3, s2  }
0x8d: {  	s2 =	sadd.s32 s2, s18  }
0x8e: {  	[smem:$0x3FC4] =	sst s2  }
0x8f: {  	_ = 	snop  }
0x90: {  	s2 =	sld [smem:$0x3FC9]  }
0x91: {  	s19 =	sld [smem:$0x3FC8]  }
0x92: {  	s4 =	sld [smem:$0x3FC7]  }
0x93: {  	s5 =	sld [smem:$0x3FC6]  }
0x94: {  	s6 =	sld [smem:$0x3FD0];
	(tm) =	ssettm $0x1  }
0x95: {  	s7 =	sld [smem:$0x3FFB];
	_ =	sdelay $0x3  }
0x96: {  	_ =	strace s7  }
0x97: {  	s7 =	sld [smem:$0x3FFC];
	_ =	sdelay $0x3  }
0x98: {  	_ =	strace s7  }
0x99: {  	s7 =	sld [smem:$0x3FFD];
	_ =	sdelay $0x3  }
0x9a: {  	_ =	strace s7  }
0x9b: {  	_ =	strace $0x8FFFFFFF  }
0x9c: {  	s20 =	sld [smem:$0x3FDB];
	_ =	sdelay $0x1  }
0x9d: {  	s8 =	simm.s32 $_scs_section_size  }
0x9e: {  	s9 =	simm.s32 $_size__tile_overlayer_lowered;
	s10 =	simm.s32 $_tile_overlayer_lowered  }
0x9f: {  	s23 =	simm.s32 $0x1BFF;
	s22 =	sshll.u32 s10, $0x1;
	s7 =	sadd.s32 s8, s20  }
0xa0: {  	s11 =	simm.s32 $0x0;
	s21 =	sshll.u32 s9, $0x1;
	s9 =	sadd.s32 s22, s7  }
0xa1: {  	[timem:s11], [sflag:s23] =	dma.local [hbm:s9], s21  }
0xa2: {  	_ =	swait.ge [sflag:s23], s21  }
0xa3: {  	s8 =	ssub.s32 $0x0, s21;
	[sflag:s23] =	ssyncset.done $0x0  }
0xa4: {  	[sflag:s23] =	ssyncadd.s32 s8;
	_ =	sdelay $0x1  }
0xa5: {  	s24 =	simm.s32 $0x1B8B  }
0xa6: {  	_ =	swait.ge [sflag:s24], $0x1  }
0xa7: {  	[sflag:s24] =	ssyncset.done $0x0  }
0xa8: {  	s25 =	simm.s32 $0x1B8E;
	[sflag:s24] =	ssyncadd.s32 $0xFFFFFFFF  }
0xa9: {  	s26 =	simm.s32 $execute0_lowered;
	[smem:$0x3FD2] =	sst s25  }
0xaa: {  	s8 =	sshll.u32 s26, $0x1;
	_ =	strace $0x80000046;
	[dreg:$0x1] =	wrdreg $0xFFFFFFFF  }
0xab: {  	s28 =	simm.s32 $_size_execute0_lowered;
	s7 =	sadd.s32 s7, s8;
	[dreg:$0x0] =	wrdreg $0x0  }
0xac: {  	s8 =	sshll.u32 s28, $0x1;
	[dreg:$0x2] =	wrdreg s7  }
0xad: {  	[dreg:$0x3] =	wrdreg s8  }
0xae: {  	[dreg:$0x4] =	wrdreg $0xC0  }
0xaf: {  	_ =	task [dreg:s11], $0x5FFFF  }
0xb0: {  	[dreg:$0x1] =	wrdreg $0xFFFFFFFF  }
0xb1: {  	[dreg:$0x0] =	wrdreg $0x60  }
0xb2: {  	[dreg:$0x2] =	wrdreg s2  }
0xb3: {  	[dreg:$0x3] =	wrdreg s19  }
0xb4: {  	[dreg:$0x4] =	wrdreg s4  }
0xb5: {  	[dreg:$0x5] =	wrdreg s5  }
0xb6: {  	[dreg:$0x6] =	wrdreg s6  }
0xb7: {  	[dreg:$0x7] =	wrdreg $0x9  }
0xb8: {  	_ =	task.clear_ibuf [dreg:s11], $0x8FFFF;
	_ =	strace $0x90000046  }
0xb9: {  	s29 =	simm.s32 $0x9;
	_ =	strace $0x80000048  }
0xba: {  	_ =	swait.ge [sflag:s29], $0x1  }
0xbb: {  	[sflag:s29] =	ssyncadd.s32 $0xFFFFFFFF  }
0xbc: {  	_ =	strace $0x90000048  }
0xbd: {  	_ =	sfence  }
0xbe: {  	s30 =	sld [smem:$0x0];
	_ =	sdelay $0x2  }
0xbf: {  	s31 =	sshll.u32 s1, $0xD;
	s1 =	sshrl.u32 s1, $0x2  }
0xc0: {  	s3 =	sand.u32 $0x4000, s31;
	s1 =	sadd.s32 s1, s30  }
0xc1: {  	s0 =	sor.u32 s3, s0;
	s1 =	sshll.u32 s1, $0x11  }
0xc2: {  	s0 =	sor.u32 s1, s0  }
0xc3: {  	s0 =	sadd.s32 $0x8F2B, s0  }
0xc4: {  	[sflag:s0] =	ssyncadd.remote.s32 $0x1  }
0xc5: {  	_ =	sfence.sel $0xFFFF  }
0xc6: {  	[dreg:$0x0] =	wrdreg $0xFFFFFFFF;
	(pc) =	sbr.abs _section_cstart, $3  }
0xc7: {  	[dreg:$0x1] =	wrdreg $0xFFFFFFFF  }
0xc8: {  	_ =	task.clear_ibuf [dreg:s11], $0x2FFFF;
	_ =	strace $0x9FFFFFFF  }
0xc9: {  	(tm) =	ssettm $0x7FFFFFFF  }
tec
execute0_lowered:
.L_overlay_start_1:
0x0: {  	(tag) =	ssettag $0x1  }
0x1: {  	s1 =	rddreg [dreg:$0x0];
	v0 =	vlaneseq.u32  }
0x2: {  	s2 =	rddreg [dreg:$0x1];
	v0 =	vand.u32 $0x3, v0  }
0x3: {  	s0 =	rddreg [dreg:$0x2];
	v0 =	vmul.u32 $0x1000, v0  }
0x4: {  	s3 =	rddreg [dreg:$0x3];
	s4 =	simm.s32 $0x0  }
0x5: {  	[smem:$0x7FF] =	sst s4;
	v1 =	vor.u32 $0x80, v0  }
0x6: {  	s7 =	rddreg [dreg:$0x4];
	_ =	strace $0x80000047;
	[tilespmem:$0x1FF10] =	vst v1;
	v1 =	vor.u32 $0x100, v0  }
0x7: {  	[tilespmem:$0x1FF20] =	vst v1;
	v1 =	vor.u32 $0x180, v0  }
0x8: {  	[tilespmem:$0x1FF30] =	vst v1;
	v1 =	vor.u32 $0x200, v0  }
0x9: {  	[tilespmem:$0x1FF40] =	vst v1;
	v1 =	vor.u32 $0x280, v0  }
0xa: {  	[tilespmem:$0x1FF50] =	vst v1;
	v1 =	vor.u32 $0x300, v0  }
0xb: {  	[tilespmem:$0x1FF60] =	vst v1;
	v1 =	vor.u32 $0x380, v0  }
0xc: {  	[tilespmem:$0x1FF70] =	vst v1;
	v1 =	vor.u32 $0x400, v0  }
0xd: {  	s5 =	srdreg.scid;
	[tilespmem:$0x1FF80] =	vst v1;
	v1 =	vor.u32 $0x480, v0  }
0xe: {  	s9 =	stileid.u32;
	s10 =	simm.s32 $0x400;
	s11 =	simm.s32 $0x3;
	[tilespmem:$0x1FF90] =	vst v1;
	v1 =	vor.u32 $0x500, v0  }
0xf: {  	s12 =	simm.s32 $0x7A1400;
	s13 =	simm.s32 $0x500;
	s14 =	simm.s32 $0xC500;
	[tilespmem:$0x1FFA0] =	vst v1;
	v1 =	vor.u32 $0x580, v0  }
0x10: {  	s30 =	simm.s32 $0x1;
	s31 =	simm.s32 $0x2;
	s5 =	sand.u32 $0x1, s5;
	[tilespmem:$0x1FFB0] =	vst v1;
	v1 =	vor.u32 $0x600, v0  }
0x11: {  	s9 =	sshll.u32 s9, $0x7;
	s6 =	ssub.s32 $0x2, s5;
	s5 =	sshll.u32 s5, $0x6;
	v16 =	vor.u32 $0x800, v0;
	v17 =	vor.u32 $0x880, v0;
	[tilespmem:$0x1FFC0] =	vst v1;
	v1 =	vor.u32 $0x680, v0  }
0x12: {  	s15 =	simm.s32 $0x0;
	s8 =	sshrl.u32 s6, $0x1;
	s9 =	sor.u32 s5, s9;
	v18 =	vor.u32 $0x900, v0;
	v19 =	vor.u32 $0x980, v0;
	[tilespmem:$0x1FFD0] =	vst v1;
	v1 =	vor.u32 $0x700, v0  }
0x13: {  	s8 =	ssub.s32 s6, s8;
	s5 =	sadd.s32 s0, s9;
	s6 =	sadd.s32 s3, s9;
	v20 =	vor.u32 $0xA00, v0;
	v21 =	vor.u32 $0xA80, v0;
	[tilespmem:$0x1FFE0] =	vst v1;
	v1 =	vor.u32 $0x780, v0  }
0x14: {  	s7 =	sadd.s32 s7, s9;
	v22 =	vor.u32 $0xB00, v0;
	v23 =	vor.u32 $0xB80, v0;
	v24 =	vor.u32 $0xC00, v0;
	s9 =	simm.s32 $0x18500;
	s8 =	smax.u32 s8, $0x1;
	[tilespmem:$0x1FFF0] =	vst v1  }
.LBB2_1:
0x15: {  	[tilespmem:s4], [sflag:$0x3] =	stream.linear.gather [hbm4b:s5+s4], $0x200, $0x38;
	[tilespmem:$0x18780] =	vst v63  }
0x16: {  	_ =	swait.ge [sflag:s11], $0x200  }
0x17: {  	[sflag:s11] =	ssyncset.done $0x0  }
0x18: {  	s0 =	simm.s32 $0x280;
	[sflag:s11] =	ssyncadd.s32 $0xFFFFFE00  }
0x19: {  	[tilespmem:s0], [sflag:$0x3] =	stream.linear.gather [hbm4b:s6+s4], $0x200, $0x38;
	[tilespmem:$0x18780] =	vst v63  }
0x1a: {  	_ =	swait.ge [sflag:s11], $0x200  }
0x1b: {  	[sflag:s11] =	ssyncset.done $0x0  }
0x1c: {  	[sflag:s11] =	ssyncadd.s32 $0xFFFFFE00  }
0x1d: {  	v25 =	vld [tilespmem:$0x0];
	_ =	sdelay $0x1  }
0x1e: {  	v26 =	vld [tilespmem:$0x280];
	_ =	sdelay $0x2  }
0x1f: {  	(v2sf) =	vpush v25, $0x0;
	_ =	sdelay $0x1  }
0x20: {  	(v2sf) =	vpush v26, $0x0;
	_ =	sdelay $0x1  }
0x21: {  	(v2sf) =	vpush v25, $0x1;
	_ =	sdelay $0x2  }
0x22: {  	(v2sf) =	vpush v26, $0x1;
	_ =	sdelay $0x7  }
0x23: {  	s16 =	spop (v2sf);
	(v2sf) =	vpush v25, $0x2;
	_ =	sdelay $0x1  }
0x24: {  	s24 =	spop (v2sf);
	(v2sf) =	vpush v26, $0x2  }
0x25: {  	s16 =	sand.u32 $0xFFFFF80, s16  }
0x26: {  	s16 =	sadd.s32 s1, s16;
	s25 =	spop (v2sf)  }
0x27: {  	(v2sf) =	vpush v25, $0x3;
	[tilespmem:s13], [sflag:$0x1] =	stream.strided.gather [hbm4b:s16+s10], $0x1000, s12, s10, $0x38;
	[tilespmem:$0x18780] =	vst v63  }
0x28: {  	s16 =	sand.u32 $0xFFFFF80, s24  }
0x29: {  	s28 =	spop (v2sf);
	s16 =	sadd.s32 s2, s16  }
0x2a: {  	(v2sf) =	vpush v26, $0x3;
	[tilespmem:s14], [sflag:$0x2] =	stream.strided.gather [hbm4b:s16+s10], $0x1000, s12, s10, $0x38;
	[tilespmem:$0x18780] =	vst v63  }
0x2b: {  	s16 =	sand.u32 $0xFFFFF80, s25  }
0x2c: {  	s26 =	simm.s32 $0x1500;
	s16 =	sadd.s32 s1, s16  }
0x2d: {  	[tilespmem:s26], [sflag:$0x1] =	stream.strided.gather [hbm4b:s16+s10], $0x1000, s12, s10, $0x38;
	[tilespmem:$0x18780] =	vst v63  }
0x2e: {  	s16 =	sand.u32 $0xFFFFF80, s28  }
0x2f: {  	s29 =	simm.s32 $0xD500;
	s16 =	sadd.s32 s2, s16  }
0x30: {  	[tilespmem:s29], [sflag:$0x2] =	stream.strided.gather [hbm4b:s16+s10], $0x1000, s12, s10, $0x38;
	[tilespmem:$0x18780] =	vst v63  }
0x31: {  	s0 =	spop (v2sf)  }
0x32: {  	s16 =	sand.u32 $0xFFFFF80, s0  }
0x33: {  	s3 =	simm.s32 $0x2500;
	s17 =	spop (v2sf);
	s16 =	sadd.s32 s1, s16  }
0x34: {  	[tilespmem:s3], [sflag:$0x1] =	stream.strided.gather [hbm4b:s16+s10], $0x1000, s12, s10, $0x38;
	[tilespmem:$0x18780] =	vst v63  }
0x35: {  	s16 =	sand.u32 $0xFFFFF80, s17  }
0x36: {  	s18 =	simm.s32 $0xE500;
	s19 =	spop (v2sf);
	s16 =	sadd.s32 s2, s16  }
0x37: {  	[tilespmem:s18], [sflag:$0x2] =	stream.strided.gather [hbm4b:s16+s10], $0x1000, s12, s10, $0x38;
	[tilespmem:$0x18780] =	vst v63  }
0x38: {  	s16 =	sand.u32 $0xFFFFF80, s19  }
0x39: {  	s20 =	simm.s32 $0x3500;
	s21 =	spop (v2sf);
	s16 =	sadd.s32 s1, s16  }
0x3a: {  	[tilespmem:s20], [sflag:$0x1] =	stream.strided.gather [hbm4b:s16+s10], $0x1000, s12, s10, $0x38;
	[tilespmem:$0x18780] =	vst v63  }
0x3b: {  	s16 =	sand.u32 $0xFFFFF80, s21  }
0x3c: {  	s22 =	simm.s32 $0xF500;
	s16 =	sadd.s32 s2, s16  }
0x3d: {  	[tilespmem:s22], [sflag:$0x2] =	stream.strided.gather [hbm4b:s16+s10], $0x1000, s12, s10, $0x38;
	[tilespmem:$0x18780] =	vst v63  }
0x3e: {  	v25 =	vld [tilespmem:$0x4];
	_ =	sdelay $0x1  }
0x3f: {  	v26 =	vld [tilespmem:$0x284];
	_ =	sdelay $0x2  }
0x40: {  	(v2sf) =	vpush v25, $0x0;
	_ =	sdelay $0x1  }
0x41: {  	(v2sf) =	vpush v26, $0x0;
	_ =	sdelay $0x1  }
0x42: {  	(v2sf) =	vpush v25, $0x1;
	_ =	sdelay $0x2  }
0x43: {  	(v2sf) =	vpush v26, $0x1;
	_ =	sdelay $0x7  }
0x44: {  	s23 =	spop (v2sf);
	(v2sf) =	vpush v25, $0x2;
	_ =	sdelay $0x1  }
0x45: {  	s25 =	spop (v2sf);
	(v2sf) =	vpush v26, $0x2  }
0x46: {  	s16 =	sand.u32 $0xFFFFF80, s23  }
0x47: {  	s24 =	simm.s32 $0x4500;
	s16 =	sadd.s32 s1, s16;
	s28 =	spop (v2sf)  }
0x48: {  	(v2sf) =	vpush v25, $0x3;
	[tilespmem:s24], [sflag:$0x1] =	stream.strided.gather [hbm4b:s16+s10], $0x1000, s12, s10, $0x38;
	[tilespmem:$0x18780] =	vst v63  }
0x49: {  	s16 =	sand.u32 $0xFFFFF80, s25  }
0x4a: {  	s26 =	simm.s32 $0x10500;
	s0 =	spop (v2sf);
	s16 =	sadd.s32 s2, s16  }
0x4b: {  	(v2sf) =	vpush v26, $0x3;
	[tilespmem:s26], [sflag:$0x2] =	stream.strided.gather [hbm4b:s16+s10], $0x1000, s12, s10, $0x38;
	[tilespmem:$0x18780] =	vst v63  }
0x4c: {  	s16 =	sand.u32 $0xFFFFF80, s28  }
0x4d: {  	s29 =	simm.s32 $0x5500;
	s16 =	sadd.s32 s1, s16  }
0x4e: {  	[tilespmem:s29], [sflag:$0x1] =	stream.strided.gather [hbm4b:s16+s10], $0x1000, s12, s10, $0x38;
	[tilespmem:$0x18780] =	vst v63  }
0x4f: {  	s16 =	sand.u32 $0xFFFFF80, s0  }
0x50: {  	s3 =	simm.s32 $0x11500;
	s16 =	sadd.s32 s2, s16  }
0x51: {  	[tilespmem:s3], [sflag:$0x2] =	stream.strided.gather [hbm4b:s16+s10], $0x1000, s12, s10, $0x38;
	[tilespmem:$0x18780] =	vst v63  }
0x52: {  	s17 =	spop (v2sf)  }
0x53: {  	s16 =	sand.u32 $0xFFFFF80, s17  }
0x54: {  	s18 =	simm.s32 $0x6500;
	s19 =	spop (v2sf);
	s16 =	sadd.s32 s1, s16  }
0x55: {  	[tilespmem:s18], [sflag:$0x1] =	stream.strided.gather [hbm4b:s16+s10], $0x1000, s12, s10, $0x38;
	[tilespmem:$0x18780] =	vst v63  }
0x56: {  	s16 =	sand.u32 $0xFFFFF80, s19  }
0x57: {  	s20 =	simm.s32 $0x12500;
	s21 =	spop (v2sf);
	s16 =	sadd.s32 s2, s16  }
0x58: {  	[tilespmem:s20], [sflag:$0x2] =	stream.strided.gather [hbm4b:s16+s10], $0x1000, s12, s10, $0x38;
	[tilespmem:$0x18780] =	vst v63  }
0x59: {  	s16 =	sand.u32 $0xFFFFF80, s21  }
0x5a: {  	s22 =	simm.s32 $0x7500;
	s23 =	spop (v2sf);
	s16 =	sadd.s32 s1, s16  }
0x5b: {  	[tilespmem:s22], [sflag:$0x1] =	stream.strided.gather [hbm4b:s16+s10], $0x1000, s12, s10, $0x38;
	[tilespmem:$0x18780] =	vst v63  }
0x5c: {  	s16 =	sand.u32 $0xFFFFF80, s23  }
0x5d: {  	s24 =	simm.s32 $0x13500;
	s16 =	sadd.s32 s2, s16  }
0x5e: {  	[tilespmem:s24], [sflag:$0x2] =	stream.strided.gather [hbm4b:s16+s10], $0x1000, s12, s10, $0x38;
	[tilespmem:$0x18780] =	vst v63  }
0x5f: {  	s16 =	simm.s32 $0x8  }
0x60: {  	v25 =	vld [tilespmem:s16+$0x0]  }
0x61: {  	s17 =	simm.s32 $0x288  }
0x62: {  	v26 =	vld [tilespmem:s17+$0x0];
	_ =	sdelay $0x2  }
0x63: {  	(v2sf) =	vpush v25, $0x0;
	_ =	sdelay $0x1  }
0x64: {  	(v2sf) =	vpush v26, $0x0;
	_ =	sdelay $0x1  }
0x65: {  	(v2sf) =	vpush v25, $0x1;
	_ =	sdelay $0x2  }
0x66: {  	(v2sf) =	vpush v26, $0x1;
	_ =	sdelay $0x2  }
0x67: {  	s18 =	smul.u32 $0xAB, s31;
	_ =	sdelay $0x1  }
0x68: {  	s19 =	sshrl.u32 s18, $0x9  }
0x69: {  	s19 =	sand.u32 $0x7F, s19  }
0x6a: {  	s19 =	smul.u32 $0x3, s19  }
0x6b: {  	s20 =	spop (v2sf);
	(v2sf) =	vpush v25, $0x2  }
0x6c: {  	s19 =	ssub.s32 $0x2, s19  }
0x6d: {  	s19 =	sand.u32 $0xFF, s19;
	s25 =	spop (v2sf);
	(v2sf) =	vpush v26, $0x2  }
0x6e: {  	s19 =	sshll.u32 s19, $0xE;
	s20 =	sand.u32 $0xFFFFF80, s20  }
0x6f: {  	s21 =	sor.u32 $0x500, s19;
	s20 =	sadd.s32 s1, s20;
	s28 =	spop (v2sf)  }
0x70: {  	(v2sf) =	vpush v25, $0x3;
	[tilespmem:s21], [sflag:$0x1] =	stream.strided.gather [hbm4b:s20+s10], $0x1000, s12, s10, $0x38;
	[tilespmem:$0x18780] =	vst v63  }
0x71: {  	s20 =	sand.u32 $0xFFFFF80, s25  }
0x72: {  	s26 =	sadd.s32 $0xC500, s19;
	s0 =	spop (v2sf);
	s20 =	sadd.s32 s2, s20  }
0x73: {  	(v2sf) =	vpush v26, $0x3;
	[tilespmem:s26], [sflag:$0x2] =	stream.strided.gather [hbm4b:s20+s10], $0x1000, s12, s10, $0x38;
	[tilespmem:$0x18780] =	vst v63  }
0x74: {  	s20 =	sand.u32 $0xFFFFF80, s28  }
0x75: {  	s29 =	sor.u32 $0x1500, s19;
	s20 =	sadd.s32 s1, s20  }
0x76: {  	[tilespmem:s29], [sflag:$0x1] =	stream.strided.gather [hbm4b:s20+s10], $0x1000, s12, s10, $0x38;
	[tilespmem:$0x18780] =	vst v63  }
0x77: {  	s20 =	sand.u32 $0xFFFFF80, s0  }
0x78: {  	s3 =	sadd.s32 $0xD500, s19;
	s20 =	sadd.s32 s2, s20  }
0x79: {  	[tilespmem:s3], [sflag:$0x2] =	stream.strided.gather [hbm4b:s20+s10], $0x1000, s12, s10, $0x38;
	[tilespmem:$0x18780] =	vst v63  }
0x7a: {  	s22 =	spop (v2sf)  }
0x7b: {  	s20 =	sand.u32 $0xFFFFF80, s22  }
0x7c: {  	s23 =	sor.u32 $0x2500, s19;
	s24 =	spop (v2sf);
	s20 =	sadd.s32 s1, s20  }
0x7d: {  	[tilespmem:s23], [sflag:$0x1] =	stream.strided.gather [hbm4b:s20+s10], $0x1000, s12, s10, $0x38;
	[tilespmem:$0x18780] =	vst v63  }
0x7e: {  	s20 =	sand.u32 $0xFFFFF80, s24  }
0x7f: {  	s25 =	sadd.s32 $0xE500, s19;
	s26 =	spop (v2sf);
	s20 =	sadd.s32 s2, s20  }
0x80: {  	[tilespmem:s25], [sflag:$0x2] =	stream.strided.gather [hbm4b:s20+s10], $0x1000, s12, s10, $0x38;
	[tilespmem:$0x18780] =	vst v63  }
0x81: {  	s20 =	sand.u32 $0xFFFFF80, s26  }
0x82: {  	s28 =	sor.u32 $0x3500, s19;
	s29 =	spop (v2sf);
	s20 =	sadd.s32 s1, s20  }
0x83: {  	[tilespmem:s28], [sflag:$0x1] =	stream.strided.gather [hbm4b:s20+s10], $0x1000, s12, s10, $0x38;
	[tilespmem:$0x18780] =	vst v63  }
0x84: {  	s20 =	sand.u32 $0xFFFFF80, s29  }
0x85: {  	s19 =	sadd.s32 $0xF500, s19;
	s20 =	sadd.s32 s2, s20  }
0x86: {  	[tilespmem:s19], [sflag:$0x2] =	stream.strided.gather [hbm4b:s20+s10], $0x1000, s12, s10, $0x38;
	[tilespmem:$0x18780] =	vst v63  }
0x87: {  	_ =	swait.ge [sflag:s30], $0x1000  }
0x88: {  	[sflag:s30] =	ssyncset.done $0x0  }
0x89: {  	[sflag:s30] =	ssyncadd.s32 $0xFFFFF000  }
0x8a: {  	_ =	swait.ge [sflag:s31], $0x1000  }
0x8b: {  	[sflag:s31] =	ssyncset.done $0x0  }
0x8c: {  	[sflag:s31] =	ssyncadd.s32 $0xFFFFF000  }
0x8d: {  	_ =	swait.ge [sflag:s30], $0x1000  }
0x8e: {  	[sflag:s30] =	ssyncset.done $0x0  }
0x8f: {  	[sflag:s30] =	ssyncadd.s32 $0xFFFFF000  }
0x90: {  	_ =	swait.ge [sflag:s31], $0x1000  }
0x91: {  	[sflag:s31] =	ssyncset.done $0x0  }
0x92: {  	[sflag:s31] =	ssyncadd.s32 $0xFFFFF000  }
0x93: {  	_ =	swait.ge [sflag:s30], $0x1000  }
0x94: {  	[sflag:s30] =	ssyncset.done $0x0  }
0x95: {  	[sflag:s30] =	ssyncadd.s32 $0xFFFFF000  }
0x96: {  	_ =	swait.ge [sflag:s31], $0x1000  }
0x97: {  	[sflag:s31] =	ssyncset.done $0x0  }
0x98: {  	[sflag:s31] =	ssyncadd.s32 $0xFFFFF000  }
0x99: {  	_ =	swait.ge [sflag:s30], $0x1000  }
0x9a: {  	s18 =	sadd.s32 $0xFFFFFEAA, s18;
	[sflag:s30] =	ssyncset.done $0x0  }
0x9b: {  	s18 =	sshrl.u32 s18, $0x9;
	[sflag:s30] =	ssyncadd.s32 $0xFFFFF000  }
0x9c: {  	s18 =	smul.u32 $0x3, s18;
	_ =	swait.ge [sflag:s31], $0x1000  }
0x9d: {  	[sflag:s31] =	ssyncset.done $0x0  }
0x9e: {  	s18 =	ssub.s32 $0x2, s18;
	[sflag:s31] =	ssyncadd.s32 $0xFFFFF000  }
0x9f: {  	s18 =	sshll.u32 s18, $0x2;
	v25 =	vld [tilespmem:s16+$0xFFFFFFF8]  }
0xa0: {  	s18 =	sadd.s32 $0xFFFFFFF8, s18;
	v26 =	vld [tilespmem:s17+$0xFFFFFFF8]  }
0xa1: {  	s18 =	sand.u32 $0xFC, s18  }
0xa2: {  	v27 =	vmov s18  }
0xa3: {  	v27 =	vshll.u32 v27, $0xC  }
0xa4: {  	v27 =	vor.u32 v0, v27;
	v25 =	vand.u32 $0x7F, v25  }
0xa5: {  	v26 =	vand.u32 $0x7F, v26;
	v28 =	vor.u32 v27, v25  }
0xa6: {  	v29 =	vor.u32 $0x80, v27;
	v30 =	vor.u32 v27, v26  }
0xa7: {  	v31 =	vor.u32 v29, v26  }
0xa8: {  	v32 =	vor.u32 $0x100, v27;
	v29 =	vor.u32 v29, v25  }
0xa9: {  	v33 =	vor.u32 v32, v26  }
0xaa: {  	v34 =	vor.u32 $0x180, v27;
	v32 =	vor.u32 v32, v25;
	v28 =	vld.idx.msk [tilespmem:v28+s13+$0x0], $0xffff  }
0xab: {  	v35 =	vor.u32 v34, v26;
	v30 =	vld.idx.msk [tilespmem:v30+s14+$0x0], $0xffff  }
0xac: {  	v36 =	vor.u32 $0x200, v27;
	v34 =	vor.u32 v34, v25;
	v31 =	vld.idx.msk [tilespmem:v31+s14+$0x0], $0xffff  }
0xad: {  	v37 =	vor.u32 v36, v26;
	v29 =	vld.idx.msk [tilespmem:v29+s13+$0x0], $0xffff  }
0xae: {  	v38 =	vor.u32 $0x280, v27;
	v36 =	vor.u32 v36, v25;
	v33 =	vld.idx.msk [tilespmem:v33+s14+$0x0], $0xffff  }
0xaf: {  	v39 =	vor.u32 v38, v26;
	v32 =	vld.idx.msk [tilespmem:v32+s13+$0x0], $0xffff  }
0xb0: {  	v40 =	vor.u32 $0x300, v27;
	v38 =	vor.u32 v38, v25;
	v35 =	vld.idx.msk [tilespmem:v35+s14+$0x0], $0xffff;
	v28 =	vmul.f32 v30, v28  }
0xb1: {  	v49 =	vor.u32 $0x380, v27;
	v41 =	vor.u32 v40, v26;
	v34 =	vld.idx.msk [tilespmem:v34+s13+$0x0], $0xffff  }
0xb2: {  	v40 =	vor.u32 v40, v25;
	v37 =	vld.idx.msk [tilespmem:v37+s14+$0x0], $0xffff;
	v29 =	vmul.f32 v31, v29;
	v28 =	vadd.f32 $0.0e+00, v28  }
0xb3: {  	v50 =	vor.u32 $0x400, v27;
	v42 =	vor.u32 v49, v26;
	v36 =	vld.idx.msk [tilespmem:v36+s13+$0x0], $0xffff  }
0xb4: {  	v39 =	vld.idx.msk [tilespmem:v39+s14+$0x0], $0xffff;
	v30 =	vor.u32 v49, v25;
	v51 =	vmul.f32 v33, v32;
	v28 =	vadd.f32 v29, v28  }
0xb5: {  	v52 =	vor.u32 $0x480, v27;
	v53 =	vor.u32 v50, v26;
	v38 =	vld.idx.msk [tilespmem:v38+s13+$0x0], $0xffff  }
0xb6: {  	v41 =	vld.idx.msk [tilespmem:v41+s14+$0x0], $0xffff;
	v31 =	vor.u32 v50, v25;
	v54 =	vmul.f32 v35, v34;
	v28 =	vadd.f32 v51, v28  }
0xb7: {  	v55 =	vor.u32 $0x500, v27;
	v56 =	vor.u32 v52, v26;
	v40 =	vld.idx.msk [tilespmem:v40+s13+$0x0], $0xffff  }
0xb8: {  	v42 =	vld.idx.msk [tilespmem:v42+s14+$0x0], $0xffff;
	v32 =	vor.u32 v52, v25;
	v57 =	vmul.f32 v37, v36;
	v28 =	vadd.f32 v54, v28  }
0xb9: {  	v58 =	vor.u32 $0x580, v27;
	v59 =	vor.u32 v55, v26;
	v30 =	vld.idx.msk [tilespmem:v30+s13+$0x0], $0xffff  }
0xba: {  	v34 =	vor.u32 v55, v25;
	v33 =	vld.idx.msk [tilespmem:v53+s14+$0x0], $0xffff;
	v60 =	vmul.f32 v39, v38;
	v28 =	vadd.f32 v57, v28  }
0xbb: {  	v61 =	vor.u32 $0x600, v27;
	v62 =	vor.u32 v58, v26;
	v31 =	vld.idx.msk [tilespmem:v31+s13+$0x0], $0xffff  }
0xbc: {  	v36 =	vor.u32 v58, v25;
	v35 =	vld.idx.msk [tilespmem:v56+s14+$0x0], $0xffff;
	v63 =	vmul.f32 v41, v40;
	v28 =	vadd.f32 v60, v28  }
0xbd: {  	v4 =	vor.u32 $0x680, v27;
	v5 =	vor.u32 v61, v26;
	v32 =	vld.idx.msk [tilespmem:v32+s13+$0x0], $0xffff  }
0xbe: {  	v38 =	vor.u32 v61, v25;
	v37 =	vld.idx.msk [tilespmem:v59+s14+$0x0], $0xffff;
	v6 =	vmul.f32 v42, v30;
	v28 =	vadd.f32 v63, v28  }
0xbf: {  	v7 =	vor.u32 $0x700, v27;
	v40 =	vor.u32 v4, v25;
	v34 =	vld.idx.msk [tilespmem:v34+s13+$0x0], $0xffff  }
0xc0: {  	v8 =	vor.u32 v4, v26;
	v39 =	vld.idx.msk [tilespmem:v62+s14+$0x0], $0xffff;
	v9 =	vmul.f32 v33, v31;
	v28 =	vadd.f32 v6, v28  }
0xc1: {  	v10 =	vor.u32 $0x780, v27;
	v11 =	vor.u32 v7, v26;
	v36 =	vld.idx.msk [tilespmem:v36+s13+$0x0], $0xffff  }
0xc2: {  	v41 =	vld.idx.msk [tilespmem:v5+s14+$0x0], $0xffff;
	v30 =	vor.u32 v7, v25;
	v12 =	vmul.f32 v35, v32;
	v28 =	vadd.f32 v9, v28  }
0xc3: {  	v13 =	vor.u32 $0x800, v27;
	v14 =	vor.u32 v10, v26;
	v38 =	vld.idx.msk [tilespmem:v38+s13+$0x0], $0xffff  }
0xc4: {  	v40 =	vld.idx.msk [tilespmem:v40+s13+$0x0], $0xffff;
	v31 =	vor.u32 v10, v25;
	v45 =	vmul.f32 v37, v34;
	v28 =	vadd.f32 v12, v28  }
0xc5: {  	v46 =	vor.u32 $0x880, v27;
	v47 =	vor.u32 v13, v26;
	v42 =	vld.idx.msk [tilespmem:v8+s14+$0x0], $0xffff  }
0xc6: {  	v32 =	vor.u32 v13, v25;
	v33 =	vld.idx.msk [tilespmem:v11+s14+$0x0], $0xffff;
	v48 =	vmul.f32 v39, v36;
	v28 =	vadd.f32 v45, v28  }
0xc7: {  	v49 =	vor.u32 $0x900, v27;
	v50 =	vor.u32 v46, v26;
	v30 =	vld.idx.msk [tilespmem:v30+s13+$0x0], $0xffff  }
0xc8: {  	v34 =	vor.u32 v46, v25;
	v35 =	vld.idx.msk [tilespmem:v14+s14+$0x0], $0xffff;
	v51 =	vmul.f32 v41, v38;
	v28 =	vadd.f32 v48, v28  }
0xc9: {  	v52 =	vor.u32 $0x980, v27;
	v53 =	vor.u32 v49, v26;
	v31 =	vld.idx.msk [tilespmem:v31+s13+$0x0], $0xffff  }
0xca: {  	v36 =	vor.u32 v49, v25;
	v37 =	vld.idx.msk [tilespmem:v47+s14+$0x0], $0xffff;
	v54 =	vmul.f32 v42, v40;
	v28 =	vadd.f32 v51, v28  }
0xcb: {  	v55 =	vor.u32 $0xA00, v27;
	v56 =	vor.u32 v52, v26;
	v32 =	vld.idx.msk [tilespmem:v32+s13+$0x0], $0xffff  }
0xcc: {  	v38 =	vor.u32 v52, v25;
	v39 =	vld.idx.msk [tilespmem:v50+s14+$0x0], $0xffff;
	v57 =	vmul.f32 v33, v30;
	v28 =	vadd.f32 v54, v28  }
0xcd: {  	v58 =	vor.u32 $0xA80, v27;
	v59 =	vor.u32 v55, v26;
	v34 =	vld.idx.msk [tilespmem:v34+s13+$0x0], $0xffff  }
0xce: {  	v41 =	vld.idx.msk [tilespmem:v53+s14+$0x0], $0xffff;
	v40 =	vor.u32 v55, v25;
	v60 =	vmul.f32 v35, v31;
	v28 =	vadd.f32 v57, v28  }
0xcf: {  	v61 =	vor.u32 $0xB00, v27;
	v62 =	vor.u32 v58, v26;
	v36 =	vld.idx.msk [tilespmem:v36+s13+$0x0], $0xffff  }
0xd0: {  	v42 =	vld.idx.msk [tilespmem:v56+s14+$0x0], $0xffff;
	v30 =	vor.u32 v58, v25;
	v63 =	vmul.f32 v37, v32;
	v28 =	vadd.f32 v60, v28  }
0xd1: {  	v4 =	vor.u32 $0xB80, v27;
	v5 =	vor.u32 v61, v26;
	v38 =	vld.idx.msk [tilespmem:v38+s13+$0x0], $0xffff  }
0xd2: {  	v31 =	vor.u32 v61, v25;
	v33 =	vld.idx.msk [tilespmem:v59+s14+$0x0], $0xffff;
	v6 =	vmul.f32 v39, v34;
	v28 =	vadd.f32 v63, v28  }
0xd3: {  	v7 =	vor.u32 $0xC00, v27;
	v8 =	vor.u32 v4, v26;
	v40 =	vld.idx.msk [tilespmem:v40+s13+$0x0], $0xffff  }
0xd4: {  	v32 =	vor.u32 v4, v25;
	v35 =	vld.idx.msk [tilespmem:v62+s14+$0x0], $0xffff;
	v9 =	vmul.f32 v41, v36;
	v28 =	vadd.f32 v6, v28  }
0xd5: {  	v10 =	vor.u32 $0xC80, v27;
	v11 =	vor.u32 v7, v26;
	v30 =	vld.idx.msk [tilespmem:v30+s13+$0x0], $0xffff  }
0xd6: {  	v34 =	vor.u32 v7, v25;
	v37 =	vld.idx.msk [tilespmem:v5+s14+$0x0], $0xffff;
	v12 =	vmul.f32 v42, v38;
	v28 =	vadd.f32 v9, v28  }
0xd7: {  	v13 =	vor.u32 $0xD00, v27;
	v14 =	vor.u32 v10, v26;
	v31 =	vld.idx.msk [tilespmem:v31+s13+$0x0], $0xffff  }
0xd8: {  	v36 =	vor.u32 v10, v25;
	v39 =	vld.idx.msk [tilespmem:v8+s14+$0x0], $0xffff;
	v45 =	vmul.f32 v33, v40;
	v28 =	vadd.f32 v12, v28  }
0xd9: {  	v46 =	vor.u32 $0xD80, v27;
	v47 =	vor.u32 v13, v26;
	v32 =	vld.idx.msk [tilespmem:v32+s13+$0x0], $0xffff  }
0xda: {  	v38 =	vor.u32 v13, v25;
	v41 =	vld.idx.msk [tilespmem:v11+s14+$0x0], $0xffff;
	v48 =	vmul.f32 v35, v30;
	v28 =	vadd.f32 v45, v28  }
0xdb: {  	v49 =	vor.u32 $0xE00, v27;
	v50 =	vor.u32 v46, v26;
	v34 =	vld.idx.msk [tilespmem:v34+s13+$0x0], $0xffff  }
0xdc: {  	v42 =	vld.idx.msk [tilespmem:v14+s14+$0x0], $0xffff;
	v33 =	vor.u32 v46, v25;
	v51 =	vmul.f32 v37, v31;
	v28 =	vadd.f32 v48, v28  }
0xdd: {  	v52 =	vor.u32 $0xE80, v27;
	v53 =	vor.u32 v49, v26;
	v36 =	vld.idx.msk [tilespmem:v36+s13+$0x0], $0xffff  }
0xde: {  	v40 =	vld.idx.msk [tilespmem:v47+s14+$0x0], $0xffff;
	v30 =	vor.u32 v49, v25;
	v54 =	vmul.f32 v39, v32;
	v28 =	vadd.f32 v51, v28  }
0xdf: {  	v55 =	vor.u32 $0xF00, v27;
	v56 =	vor.u32 v52, v26;
	v38 =	vld.idx.msk [tilespmem:v38+s13+$0x0], $0xffff  }
0xe0: {  	v31 =	vor.u32 v52, v25;
	v35 =	vld.idx.msk [tilespmem:v50+s14+$0x0], $0xffff;
	v57 =	vmul.f32 v41, v34;
	v28 =	vadd.f32 v54, v28  }
0xe1: {  	v27 =	vor.u32 $0xF80, v27;
	v58 =	vor.u32 v55, v26;
	v33 =	vld.idx.msk [tilespmem:v33+s13+$0x0], $0xffff  }
0xe2: {  	v32 =	vor.u32 v55, v25;
	v37 =	vld.idx.msk [tilespmem:v53+s14+$0x0], $0xffff;
	v59 =	vmul.f32 v42, v36;
	v28 =	vadd.f32 v57, v28  }
0xe3: {  	v26 =	vor.u32 v27, v26;
	v30 =	vld.idx.msk [tilespmem:v30+s13+$0x0], $0xffff  }
0xe4: {  	v25 =	vor.u32 v27, v25;
	v27 =	vld.idx.msk [tilespmem:v56+s14+$0x0], $0xffff;
	v60 =	vmul.f32 v40, v38;
	v28 =	vadd.f32 v59, v28  }
0xe5: {  	v31 =	vld.idx.msk [tilespmem:v31+s13+$0x0], $0xffff  }
0xe6: {  	v34 =	vld.idx.msk [tilespmem:v58+s14+$0x0], $0xffff;
	v61 =	vmul.f32 v35, v33;
	v28 =	vadd.f32 v60, v28  }
0xe7: {  	v32 =	vld.idx.msk [tilespmem:v32+s13+$0x0], $0xffff  }
0xe8: {  	v26 =	vld.idx.msk [tilespmem:v26+s14+$0x0], $0xffff;
	v62 =	vmul.f32 v37, v30;
	v28 =	vadd.f32 v61, v28  }
0xe9: {  	v25 =	vld.idx.msk [tilespmem:v25+s13+$0x0], $0xffff  }
0xea: {  	v27 =	vmul.f32 v27, v31;
	v28 =	vadd.f32 v62, v28;
	_ =	sdelay $0x1  }
0xeb: {  	v63 =	vmul.f32 v34, v32;
	v27 =	vadd.f32 v27, v28;
	_ =	sdelay $0x1  }
0xec: {  	v25 =	vmul.f32 v26, v25;
	v27 =	vadd.f32 v63, v27;
	_ =	sdelay $0x1  }
0xed: {  	v25 =	vadd.f32 v25, v27;
	_ =	sdelay $0x1  }
0xee: {  	s18 =	simm.s32 $0x18500;
	s19 =	simm.s32 $0x3;
	s20 =	simm.s32 $0x18500;
	v25 =	vsub.f32 $0.0e+00, v25  }
.LBB2_2:
0xef: {  	_ = 	snop  }
0xf0: {  	s17 =	sadd.s32 $0x4, s17;
	s20 =	sadd.s32 $0x4, s20;
	s16 =	sadd.s32 $0x4, s16;
	v25 =	vmul.f32 $1.442695020e+00, v25  }
0xf1: {  	p0 =	sne.s32 s19, $0x7F;
	s21 =	smov.u32 s19;
	s19 =	sadd.s32 $0x1, s19  }
0xf2: {  	(erf) = vpow2.f32 v25;
	_ =	sdelay $0x8  }
0xf3: {  	v25 =	vpop (erf)  }
0xf4: {  	v25 =	vadd.f32 $1.000000000e+00, v25;
	_ =	sdelay $0x1  }
0xf5: {  	(erf) = vrcp.f32 v25;
	_ =	sdelay $0x4  }
0xf6: {  	s22 =	smul.u32 $0xAB, s21;
	_ =	sdelay $0x1  }
0xf7: {  	s23 =	sshrl.u32 s22, $0x9;
	s22 =	sadd.s32 $0xFFFFFEAA, s22  }
0xf8: {  	s23 =	sand.u32 $0x7F, s23;
	s22 =	sshrl.u32 s22, $0x9  }
0xf9: {  	s23 =	smul.u32 $0x3, s23;
	v25 =	vpop (erf)  }
0xfa: {  	s22 =	smul.u32 $0x3, s22;
	[tilespmem:s18+$0x0] =	vst.msk $0xf, v25;
	s18 =	smov.u32 s20  }
0xfb: {  	s23 =	ssub.s32 s21, s23;
	v25 =	vld [tilespmem:s16+$0x0]  }
0xfc: {  	s22 =	ssub.s32 s21, s22;
	s23 =	sand.u32 $0xFF, s23;
	v26 =	vld [tilespmem:s17+$0x0]  }
0xfd: {  	s22 =	sshll.u32 s22, $0x2;
	s21 =	sshll.u32 s23, $0xE  }
0xfe: {  	s22 =	sadd.s32 $0xFFFFFFF8, s22;
	s23 =	sor.u32 $0x500, s21  }
0xff: {  	s22 =	sand.u32 $0xFC, s22  }
0x100: {  	s24 =	sadd.s32 $0xC500, s21;
	v27 =	vmov s22;
	(v2sf) =	vpush v25, $0x0  }
0x101: {  	s22 =	sadd.s32 $0xE500, s21;
	v27 =	vshll.u32 v27, $0xC;
	(v2sf) =	vpush v26, $0x0  }
0x102: {  	s25 =	sadd.s32 $0xD500, s21;
	s26 =	sor.u32 $0x2500, s21;
	(v2sf) =	vpush v25, $0x1  }
0x103: {  	s28 =	sor.u32 $0x1500, s21  }
0x104: {  	(v2sf) =	vpush v26, $0x1;
	_ =	sdelay $0x1  }
0x105: {  	(v2sf) =	vpush v25, $0x2;
	_ =	sdelay $0x1  }
0x106: {  	(v2sf) =	vpush v26, $0x2;
	_ =	sdelay $0x1  }
0x107: {  	(v2sf) =	vpush v25, $0x3;
	_ =	sdelay $0x1  }
0x108: {  	(v2sf) =	vpush v26, $0x3;
	_ =	sdelay $0x2  }
0x109: {  	s29 =	spop (v2sf)  }
0x10a: {  	s29 =	sand.u32 $0xFFFFF80, s29;
	s0 =	spop (v2sf)  }
0x10b: {  	s29 =	sadd.s32 s1, s29;
	s0 =	sand.u32 $0xFFFFF80, s0;
	s3 =	spop (v2sf)  }
0x10c: {  	[tilespmem:s23], [sflag:$0x1] =	stream.strided.gather [hbm4b:s29+s10], $0x1000, s12, s10, $0x38;
	[tilespmem:$0x18780] =	vst v63  }
0x10d: {  	s0 =	sadd.s32 s2, s0;
	s3 =	sand.u32 $0xFFFFF80, s3;
	s23 =	spop (v2sf)  }
0x10e: {  	[tilespmem:s24], [sflag:$0x2] =	stream.strided.gather [hbm4b:s0+s10], $0x1000, s12, s10, $0x38;
	[tilespmem:$0x18780] =	vst v63  }
0x10f: {  	s0 =	sadd.s32 s1, s3;
	s3 =	sand.u32 $0xFFFFF80, s23;
	s23 =	spop (v2sf)  }
0x110: {  	[tilespmem:s28], [sflag:$0x1] =	stream.strided.gather [hbm4b:s0+s10], $0x1000, s12, s10, $0x38;
	[tilespmem:$0x18780] =	vst v63  }
0x111: {  	s0 =	sadd.s32 s2, s3;
	s3 =	sand.u32 $0xFFFFF80, s23;
	s23 =	spop (v2sf)  }
0x112: {  	[tilespmem:s25], [sflag:$0x2] =	stream.strided.gather [hbm4b:s0+s10], $0x1000, s12, s10, $0x38;
	[tilespmem:$0x18780] =	vst v63  }
0x113: {  	s0 =	sadd.s32 s1, s3;
	s3 =	sand.u32 $0xFFFFF80, s23;
	s23 =	spop (v2sf)  }
0x114: {  	[tilespmem:s26], [sflag:$0x1] =	stream.strided.gather [hbm4b:s0+s10], $0x1000, s12, s10, $0x38;
	[tilespmem:$0x18780] =	vst v63  }
0x115: {  	s0 =	sadd.s32 s2, s3;
	s3 =	sand.u32 $0xFFFFF80, s23;
	s23 =	spop (v2sf)  }
0x116: {  	[tilespmem:s22], [sflag:$0x2] =	stream.strided.gather [hbm4b:s0+s10], $0x1000, s12, s10, $0x38;
	[tilespmem:$0x18780] =	vst v63  }
0x117: {  	s3 =	sadd.s32 s1, s3;
	s0 =	sor.u32 $0x3500, s21;
	s22 =	sand.u32 $0xFFFFF80, s23  }
0x118: {  	[tilespmem:s0], [sflag:$0x1] =	stream.strided.gather [hbm4b:s3+s10], $0x1000, s12, s10, $0x38;
	[tilespmem:$0x18780] =	vst v63  }
0x119: {  	s0 =	sadd.s32 $0xF500, s21;
	s3 =	sadd.s32 s2, s22  }
0x11a: {  	[tilespmem:s0], [sflag:$0x2] =	stream.strided.gather [hbm4b:s3+s10], $0x1000, s12, s10, $0x38;
	[tilespmem:$0x18780] =	vst v63  }
0x11b: {  	_ =	swait.ge [sflag:s30], $0x1000  }
0x11c: {  	[sflag:s30] =	ssyncset.done $0x0  }
0x11d: {  	[sflag:s30] =	ssyncadd.s32 $0xFFFFF000  }
0x11e: {  	_ =	swait.ge [sflag:s31], $0x1000  }
0x11f: {  	[sflag:s31] =	ssyncset.done $0x0  }
0x120: {  	[sflag:s31] =	ssyncadd.s32 $0xFFFFF000  }
0x121: {  	_ =	swait.ge [sflag:s30], $0x1000  }
0x122: {  	[sflag:s30] =	ssyncset.done $0x0  }
0x123: {  	[sflag:s30] =	ssyncadd.s32 $0xFFFFF000  }
0x124: {  	_ =	swait.ge [sflag:s31], $0x1000  }
0x125: {  	[sflag:s31] =	ssyncset.done $0x0  }
0x126: {  	[sflag:s31] =	ssyncadd.s32 $0xFFFFF000  }
0x127: {  	_ =	swait.ge [sflag:s30], $0x1000  }
0x128: {  	[sflag:s30] =	ssyncset.done $0x0  }
0x129: {  	[sflag:s30] =	ssyncadd.s32 $0xFFFFF000  }
0x12a: {  	v27 =	vor.u32 v0, v27;
	_ =	swait.ge [sflag:s31], $0x1000  }
0x12b: {  	v28 =	vor.u32 $0x80, v27;
	v29 =	vor.u32 $0x280, v27;
	v30 =	vor.u32 $0x380, v27;
	[sflag:s31] =	ssyncset.done $0x0  }
0x12c: {  	v31 =	vor.u32 $0x580, v27;
	v32 =	vor.u32 $0x980, v27;
	v33 =	vor.u32 $0xA80, v27;
	[sflag:s31] =	ssyncadd.s32 $0xFFFFF000  }
0x12d: {  	v34 =	vor.u32 $0x200, v27;
	v35 =	vor.u32 $0x700, v27;
	v36 =	vor.u32 $0x880, v27;
	_ =	swait.ge [sflag:s30], $0x1000  }
0x12e: {  	v37 =	vor.u32 $0x100, v27;
	v38 =	vor.u32 $0x180, v27;
	v39 =	vor.u32 $0x800, v27;
	[sflag:s30] =	ssyncset.done $0x0  }
0x12f: {  	v40 =	vor.u32 $0x600, v27;
	v41 =	vor.u32 $0x780, v27;
	v42 =	vor.u32 $0x900, v27;
	[sflag:s30] =	ssyncadd.s32 $0xFFFFF000  }
0x130: {  	v43 =	vor.u32 $0x500, v27;
	v44 =	vor.u32 $0x680, v27;
	v45 =	vor.u32 $0xA00, v27;
	_ =	swait.ge [sflag:s31], $0x1000  }
0x131: {  	v46 =	vor.u32 $0x400, v27;
	v47 =	vor.u32 $0x480, v27;
	v48 =	vor.u32 $0xB00, v27;
	[sflag:s31] =	ssyncset.done $0x0  }
0x132: {  	v49 =	vor.u32 $0x300, v27;
	v50 =	vor.u32 $0xB80, v27;
	[sflag:s31] =	ssyncadd.s32 $0xFFFFF000  }
0x133: {  	v51 =	vld [tilespmem:s16+$0xFFFFFFF8]  }
0x134: {  	v52 =	vld [tilespmem:s17+$0xFFFFFFF8];
	_ =	sdelay $0x1  }
0x135: {  	v53 =	vor.u32 $0xE80, v27;
	v25 =	vor.u32 $0xF80, v27;
	v26 =	vor.u32 $0xF00, v27  }
0x136: {  	v54 =	vor.u32 $0xC80, v27;
	v55 =	vor.u32 $0xD00, v27;
	v56 =	vor.u32 $0xE00, v27  }
0x137: {  	v57 =	vor.u32 $0xC00, v27;
	v58 =	vor.u32 $0xD80, v27;
	v51 =	vand.u32 $0x7F, v51  }
0x138: {  	v52 =	vand.u32 $0x7F, v52;
	v59 =	vor.u32 v27, v51;
	v60 =	vor.u32 v28, v51  }
0x139: {  	v27 =	vor.u32 v27, v52;
	v28 =	vor.u32 v28, v52;
	v61 =	vor.u32 v37, v52  }
0x13a: {  	v62 =	vor.u32 v38, v51;
	v37 =	vor.u32 v37, v51;
	v38 =	vor.u32 v38, v52  }
0x13b: {  	v63 =	vor.u32 v34, v51;
	v34 =	vor.u32 v34, v52;
	v1 =	vor.u32 v29, v52  }
0x13c: {  	v2 =	vor.u32 v49, v51;
	v29 =	vor.u32 v29, v51;
	v49 =	vor.u32 v49, v52  }
0x13d: {  	v3 =	vor.u32 v30, v51;
	v30 =	vor.u32 v30, v52;
	v4 =	vor.u32 v46, v52;
	v59 =	vld.idx.msk [tilespmem:v59+s13+$0x0], $0xffff  }
0x13e: {  	v5 =	vor.u32 v47, v51;
	v46 =	vor.u32 v46, v51;
	v47 =	vor.u32 v47, v52;
	v27 =	vld.idx.msk [tilespmem:v27+s14+$0x0], $0xffff  }
0x13f: {  	v6 =	vor.u32 v43, v51;
	v43 =	vor.u32 v43, v52;
	v7 =	vor.u32 v31, v52;
	v28 =	vld.idx.msk [tilespmem:v28+s14+$0x0], $0xffff  }
0x140: {  	v8 =	vor.u32 v40, v51;
	v31 =	vor.u32 v31, v51;
	v40 =	vor.u32 v40, v52;
	v60 =	vld.idx.msk [tilespmem:v60+s13+$0x0], $0xffff  }
0x141: {  	v9 =	vor.u32 v44, v51;
	v44 =	vor.u32 v44, v52;
	v10 =	vor.u32 v35, v52;
	v61 =	vld.idx.msk [tilespmem:v61+s14+$0x0], $0xffff  }
0x142: {  	v11 =	vor.u32 v41, v51;
	v35 =	vor.u32 v35, v51;
	v41 =	vor.u32 v41, v52;
	v37 =	vld.idx.msk [tilespmem:v37+s13+$0x0], $0xffff  }
0x143: {  	v12 =	vor.u32 v39, v51;
	v39 =	vor.u32 v39, v52;
	v13 =	vor.u32 v36, v52;
	v38 =	vld.idx.msk [tilespmem:v38+s14+$0x0], $0xffff  }
0x144: {  	v36 =	vor.u32 v36, v51;
	v27 =	vmul.f32 v27, v59;
	v59 =	vld.idx.msk [tilespmem:v62+s13+$0x0], $0xffff;
	v62 =	vor.u32 v42, v52  }
0x145: {  	v14 =	vor.u32 v32, v51;
	v32 =	vor.u32 v32, v52;
	v42 =	vor.u32 v42, v51;
	v34 =	vld.idx.msk [tilespmem:v34+s14+$0x0], $0xffff  }
0x146: {  	v27 =	vadd.f32 $0.0e+00, v27;
	v28 =	vmul.f32 v28, v60;
	v60 =	vld.idx.msk [tilespmem:v63+s13+$0x0], $0xffff;
	v63 =	vor.u32 v45, v52  }
0x147: {  	v15 =	vor.u32 v33, v51;
	v33 =	vor.u32 v33, v52;
	v45 =	vor.u32 v45, v51;
	v1 =	vld.idx.msk [tilespmem:v1+s14+$0x0], $0xffff  }
0x148: {  	v27 =	vadd.f32 v28, v27;
	v28 =	vmul.f32 v61, v37;
	v37 =	vor.u32 v48, v52;
	v29 =	vld.idx.msk [tilespmem:v29+s13+$0x0], $0xffff  }
0x149: {  	v48 =	vor.u32 v48, v51;
	v61 =	vor.u32 v50, v51;
	v50 =	vor.u32 v50, v52;
	v49 =	vld.idx.msk [tilespmem:v49+s14+$0x0], $0xffff  }
0x14a: {  	v27 =	vadd.f32 v28, v27;
	v28 =	vmul.f32 v38, v59;
	v38 =	vor.u32 v57, v52;
	v2 =	vld.idx.msk [tilespmem:v2+s13+$0x0], $0xffff  }
0x14b: {  	v57 =	vor.u32 v57, v51;
	v59 =	vor.u32 v54, v51;
	v54 =	vor.u32 v54, v52;
	v30 =	vld.idx.msk [tilespmem:v30+s14+$0x0], $0xffff  }
0x14c: {  	v27 =	vadd.f32 v28, v27;
	v28 =	vmul.f32 v34, v60;
	v34 =	vor.u32 v55, v52;
	v3 =	vld.idx.msk [tilespmem:v3+s13+$0x0], $0xffff  }
0x14d: {  	v55 =	vor.u32 v55, v51;
	v60 =	vor.u32 v58, v51;
	v58 =	vor.u32 v58, v52;
	v4 =	vld.idx.msk [tilespmem:v4+s14+$0x0], $0xffff  }
0x14e: {  	v28 =	vadd.f32 v28, v27;
	v1 =	vmul.f32 v1, v29;
	v29 =	vld.idx.msk [tilespmem:v46+s13+$0x0], $0xffff;
	v46 =	vor.u32 v56, v52  }
0x14f: {  	v27 =	vor.u32 v53, v51;
	v53 =	vor.u32 v53, v52;
	v56 =	vor.u32 v56, v51;
	v47 =	vld.idx.msk [tilespmem:v47+s14+$0x0], $0xffff  }
0x150: {  	v1 =	vadd.f32 v1, v28;
	v2 =	vmul.f32 v49, v2;
	v28 =	vor.u32 v26, v52;
	v5 =	vld.idx.msk [tilespmem:v5+s13+$0x0], $0xffff  }
0x151: {  	v49 =	vor.u32 v26, v51;
	v26 =	vor.u32 v25, v51;
	v25 =	vor.u32 v25, v52;
	v43 =	vld.idx.msk [tilespmem:v43+s14+$0x0], $0xffff  }
0x152: {  	v1 =	vadd.f32 v2, v1;
	v2 =	vmul.f32 v30, v3;
	v3 =	vld.idx.msk [tilespmem:v6+s13+$0x0], $0xffff  }
0x153: {  	v6 =	vld.idx.msk [tilespmem:v7+s14+$0x0], $0xffff  }
0x154: {  	v1 =	vadd.f32 v2, v1;
	v2 =	vmul.f32 v4, v29;
	v4 =	vld.idx.msk [tilespmem:v31+s13+$0x0], $0xffff  }
0x155: {  	v7 =	vld.idx.msk [tilespmem:v40+s14+$0x0], $0xffff  }
0x156: {  	v1 =	vadd.f32 v2, v1;
	v2 =	vmul.f32 v47, v5;
	v5 =	vld.idx.msk [tilespmem:v8+s13+$0x0], $0xffff  }
0x157: {  	v8 =	vld.idx.msk [tilespmem:v44+s14+$0x0], $0xffff  }
0x158: {  	v1 =	vadd.f32 v2, v1;
	v2 =	vmul.f32 v43, v3;
	v3 =	vld.idx.msk [tilespmem:v9+s13+$0x0], $0xffff  }
0x159: {  	v9 =	vld.idx.msk [tilespmem:v10+s14+$0x0], $0xffff  }
0x15a: {  	v1 =	vadd.f32 v2, v1;
	v2 =	vmul.f32 v6, v4;
	v4 =	vld.idx.msk [tilespmem:v35+s13+$0x0], $0xffff  }
0x15b: {  	v6 =	vld.idx.msk [tilespmem:v41+s14+$0x0], $0xffff  }
0x15c: {  	v1 =	vadd.f32 v2, v1;
	v2 =	vmul.f32 v7, v5;
	v5 =	vld.idx.msk [tilespmem:v11+s13+$0x0], $0xffff  }
0x15d: {  	v7 =	vld.idx.msk [tilespmem:v39+s14+$0x0], $0xffff  }
0x15e: {  	v1 =	vadd.f32 v2, v1;
	v2 =	vmul.f32 v8, v3;
	v3 =	vld.idx.msk [tilespmem:v12+s13+$0x0], $0xffff  }
0x15f: {  	v8 =	vld.idx.msk [tilespmem:v13+s14+$0x0], $0xffff  }
0x160: {  	v1 =	vadd.f32 v2, v1;
	v2 =	vmul.f32 v9, v4;
	v4 =	vld.idx.msk [tilespmem:v36+s13+$0x0], $0xffff  }
0x161: {  	v9 =	vld.idx.msk [tilespmem:v62+s14+$0x0], $0xffff  }
0x162: {  	v1 =	vadd.f32 v2, v1;
	v2 =	vmul.f32 v6, v5;
	v5 =	vld.idx.msk [tilespmem:v42+s13+$0x0], $0xffff  }
0x163: {  	v6 =	vld.idx.msk [tilespmem:v32+s14+$0x0], $0xffff  }
0x164: {  	v1 =	vadd.f32 v2, v1;
	v2 =	vmul.f32 v7, v3;
	v3 =	vld.idx.msk [tilespmem:v14+s13+$0x0], $0xffff  }
0x165: {  	v7 =	vld.idx.msk [tilespmem:v63+s14+$0x0], $0xffff  }
0x166: {  	v1 =	vadd.f32 v2, v1;
	v2 =	vmul.f32 v8, v4;
	v4 =	vld.idx.msk [tilespmem:v45+s13+$0x0], $0xffff  }
0x167: {  	v8 =	vld.idx.msk [tilespmem:v33+s14+$0x0], $0xffff  }
0x168: {  	v1 =	vadd.f32 v2, v1;
	v2 =	vmul.f32 v9, v5;
	v5 =	vld.idx.msk [tilespmem:v15+s13+$0x0], $0xffff  }
0x169: {  	v9 =	vld.idx.msk [tilespmem:v37+s14+$0x0], $0xffff  }
0x16a: {  	v1 =	vadd.f32 v2, v1;
	v2 =	vmul.f32 v6, v3;
	v3 =	vld.idx.msk [tilespmem:v48+s13+$0x0], $0xffff  }
0x16b: {  	v6 =	vld.idx.msk [tilespmem:v50+s14+$0x0], $0xffff  }
0x16c: {  	v1 =	vadd.f32 v2, v1;
	v2 =	vmul.f32 v7, v4;
	v4 =	vld.idx.msk [tilespmem:v61+s13+$0x0], $0xffff  }
0x16d: {  	v7 =	vld.idx.msk [tilespmem:v38+s14+$0x0], $0xffff  }
0x16e: {  	v1 =	vadd.f32 v2, v1;
	v2 =	vmul.f32 v8, v5;
	v5 =	vld.idx.msk [tilespmem:v57+s13+$0x0], $0xffff  }
0x16f: {  	v8 =	vld.idx.msk [tilespmem:v54+s14+$0x0], $0xffff  }
0x170: {  	v1 =	vadd.f32 v2, v1;
	v2 =	vmul.f32 v9, v3;
	v3 =	vld.idx.msk [tilespmem:v59+s13+$0x0], $0xffff  }
0x171: {  	v9 =	vld.idx.msk [tilespmem:v34+s14+$0x0], $0xffff  }
0x172: {  	v1 =	vadd.f32 v2, v1;
	v2 =	vmul.f32 v6, v4;
	v4 =	vld.idx.msk [tilespmem:v55+s13+$0x0], $0xffff  }
0x173: {  	v6 =	vld.idx.msk [tilespmem:v58+s14+$0x0], $0xffff  }
0x174: {  	v1 =	vadd.f32 v2, v1;
	v2 =	vmul.f32 v7, v5;
	v5 =	vld.idx.msk [tilespmem:v60+s13+$0x0], $0xffff  }
0x175: {  	v7 =	vld.idx.msk [tilespmem:v46+s14+$0x0], $0xffff  }
0x176: {  	v1 =	vadd.f32 v2, v1;
	v2 =	vmul.f32 v8, v3;
	v3 =	vld.idx.msk [tilespmem:v56+s13+$0x0], $0xffff  }
0x177: {  	v8 =	vld.idx.msk [tilespmem:v53+s14+$0x0], $0xffff  }
0x178: {  	v1 =	vadd.f32 v2, v1;
	v2 =	vmul.f32 v9, v4;
	v4 =	vld.idx.msk [tilespmem:v27+s13+$0x0], $0xffff  }
0x179: {  	v9 =	vld.idx.msk [tilespmem:v28+s14+$0x0], $0xffff  }
0x17a: {  	v1 =	vadd.f32 v2, v1;
	v2 =	vmul.f32 v6, v5;
	v5 =	vld.idx.msk [tilespmem:v49+s13+$0x0], $0xffff  }
0x17b: {  	v6 =	vld.idx.msk [tilespmem:v25+s14+$0x0], $0xffff  }
0x17c: {  	v1 =	vadd.f32 v2, v1;
	v2 =	vmul.f32 v7, v3;
	v3 =	vld.idx.msk [tilespmem:v26+s13+$0x0], $0xffff;
	_ =	sdelay $0x1  }
0x17d: {  	v1 =	vadd.f32 v2, v1;
	v2 =	vmul.f32 v8, v4;
	_ =	sdelay $0x1  }
0x17e: {  	v1 =	vadd.f32 v2, v1;
	v2 =	vmul.f32 v9, v5;
	_ =	sdelay $0x1  }
.Ltmp0:
0x17f: {  	v1 =	vadd.f32 v2, v1;
	v2 =	vmul.f32 v6, v3;
	(pc) =	sbr.rel @p0 .LBB2_2-.Ltmp0, $3  }
0x180: {  	_ = 	snop  }
0x181: {  	v1 =	vadd.f32 v2, v1;
	_ =	sdelay $0x1  }
0x182: {  	v25 =	vsub.f32 $0.0e+00, v1  }
0x183: {  	_ = 	snop  }
0x184: {  	v1 =	vmul.f32 $1.442695020e+00, v25;
	_ =	sdelay $0x1  }
0x185: {  	(erf) = vpow2.f32 v1;
	_ =	sdelay $0x8  }
0x186: {  	v1 =	vpop (erf)  }
0x187: {  	v1 =	vadd.f32 $1.000000000e+00, v1;
	_ =	sdelay $0x1  }
0x188: {  	(erf) = vrcp.f32 v1;
	_ =	sdelay $0x8  }
0x189: {  	v1 =	vpop (erf)  }
0x18a: {  	[tilespmem:s18+$0x0] =	vst.msk $0xf, v1  }
0x18b: {  	_ =	swait.ge [sflag:s30], $0x1000  }
0x18c: {  	[sflag:s30] =	ssyncset.done $0x0  }
0x18d: {  	[sflag:s30] =	ssyncadd.s32 $0xFFFFF000  }
0x18e: {  	_ =	swait.ge [sflag:s31], $0x1000  }
0x18f: {  	[sflag:s31] =	ssyncset.done $0x0  }
0x190: {  	[sflag:s31] =	ssyncadd.s32 $0xFFFFF000  }
0x191: {  	_ =	swait.ge [sflag:s30], $0x1000  }
0x192: {  	[sflag:s30] =	ssyncset.done $0x0  }
0x193: {  	[sflag:s30] =	ssyncadd.s32 $0xFFFFF000  }
0x194: {  	_ =	swait.ge [sflag:s31], $0x1000  }
0x195: {  	[sflag:s31] =	ssyncset.done $0x0  }
0x196: {  	[sflag:s31] =	ssyncadd.s32 $0xFFFFF000  }
0x197: {  	_ =	swait.ge [sflag:s30], $0x1000  }
0x198: {  	[sflag:s30] =	ssyncset.done $0x0  }
0x199: {  	[sflag:s30] =	ssyncadd.s32 $0xFFFFF000  }
0x19a: {  	_ =	swait.ge [sflag:s31], $0x1000  }
0x19b: {  	[sflag:s31] =	ssyncset.done $0x0  }
0x19c: {  	[sflag:s31] =	ssyncadd.s32 $0xFFFFF000  }
0x19d: {  	_ =	swait.ge [sflag:s30], $0x1000  }
0x19e: {  	[sflag:s30] =	ssyncset.done $0x0  }
0x19f: {  	[sflag:s30] =	ssyncadd.s32 $0xFFFFF000  }
0x1a0: {  	_ =	swait.ge [sflag:s31], $0x1000  }
0x1a1: {  	v4 =	vld [tilespmem:$0x1FF10]  }
0x1a2: {  	v6 =	vld [tilespmem:$0x1FF20]  }
0x1a3: {  	v8 =	vld [tilespmem:$0x1FF30]  }
0x1a4: {  	v10 =	vld [tilespmem:$0x1FF40]  }
0x1a5: {  	[sflag:s31] =	ssyncset.done $0x0;
	v12 =	vld [tilespmem:$0x1FF50]  }
0x1a6: {  	v13 =	vld [tilespmem:$0x1FF60];
	[sflag:s31] =	ssyncadd.s32 $0xFFFFF000  }
0x1a7: {  	v1 =	vld [tilespmem:$0x1F8]  }
0x1a8: {  	v2 =	vld [tilespmem:$0x478]  }
0x1a9: {  	v14 =	vld [tilespmem:$0x1FF70]  }
0x1aa: {  	v58 =	vld [tilespmem:$0x1FF80]  }
0x1ab: {  	v61 =	vld [tilespmem:$0x1FF90]  }
0x1ac: {  	v29 =	vld [tilespmem:$0x1FFA0];
	v26 =	vand.u32 $0x7F, v1  }
0x1ad: {  	v33 =	vld [tilespmem:$0x1FFB0];
	v25 =	vand.u32 $0x7F, v2;
	v1 =	vor.u32 v0, v26  }
0x1ae: {  	v36 =	vld [tilespmem:$0x1FFC0];
	v2 =	vor.u32 v0, v25  }
0x1af: {  	v40 =	vld [tilespmem:$0x1FFD0];
	v3 =	vor.u32 v4, v26  }
0x1b0: {  	v44 =	vld [tilespmem:$0x1FFE0];
	v4 =	vor.u32 v4, v25  }
0x1b1: {  	v47 =	vld [tilespmem:$0x1FFF0];
	v5 =	vor.u32 v6, v26  }
0x1b2: {  	v6 =	vor.u32 v6, v25;
	v1 =	vld.idx.msk [tilespmem:v1+s13+$0x0], $0xffff  }
0x1b3: {  	v7 =	vor.u32 v8, v26;
	v8 =	vor.u32 v8, v25;
	v2 =	vld.idx.msk [tilespmem:v2+s14+$0x0], $0xffff  }
0x1b4: {  	v3 =	vld.idx.msk [tilespmem:v3+s13+$0x0], $0xffff  }
0x1b5: {  	v9 =	vor.u32 v10, v26;
	v4 =	vld.idx.msk [tilespmem:v4+s14+$0x0], $0xffff  }
0x1b6: {  	v10 =	vor.u32 v10, v25;
	v5 =	vld.idx.msk [tilespmem:v5+s13+$0x0], $0xffff  }
0x1b7: {  	v11 =	vor.u32 v12, v26;
	v6 =	vld.idx.msk [tilespmem:v6+s14+$0x0], $0xffff  }
0x1b8: {  	v51 =	vor.u32 v12, v25;
	v8 =	vld.idx.msk [tilespmem:v8+s14+$0x0], $0xffff;
	v1 =	vmul.f32 v2, v1  }
0x1b9: {  	v54 =	vor.u32 v13, v25;
	v2 =	vld.idx.msk [tilespmem:v7+s13+$0x0], $0xffff  }
0x1ba: {  	v52 =	vor.u32 v13, v26;
	v53 =	vld.idx.msk [tilespmem:v9+s13+$0x0], $0xffff;
	v3 =	vmul.f32 v4, v3;
	v1 =	vadd.f32 $0.0e+00, v1  }
0x1bb: {  	v55 =	vor.u32 v14, v26;
	v10 =	vld.idx.msk [tilespmem:v10+s14+$0x0], $0xffff  }
0x1bc: {  	v57 =	vor.u32 v14, v25;
	v56 =	vld.idx.msk [tilespmem:v11+s13+$0x0], $0xffff;
	v1 =	vadd.f32 v3, v1;
	v3 =	vmul.f32 v6, v5  }
0x1bd: {  	v59 =	vor.u32 v58, v26;
	v7 =	vld.idx.msk [tilespmem:v51+s14+$0x0], $0xffff  }
0x1be: {  	v60 =	vor.u32 v58, v25;
	v9 =	vld.idx.msk [tilespmem:v54+s14+$0x0], $0xffff;
	v2 =	vmul.f32 v8, v2;
	v1 =	vadd.f32 v3, v1  }
0x1bf: {  	v28 =	vor.u32 v61, v25;
	v3 =	vld.idx.msk [tilespmem:v52+s13+$0x0], $0xffff  }
0x1c0: {  	v62 =	vor.u32 v61, v26;
	v63 =	vld.idx.msk [tilespmem:v55+s13+$0x0], $0xffff;
	v1 =	vadd.f32 v2, v1;
	v2 =	vmul.f32 v10, v53  }
0x1c1: {  	v30 =	vor.u32 v29, v26;
	v6 =	vld.idx.msk [tilespmem:v57+s14+$0x0], $0xffff  }
0x1c2: {  	v32 =	vor.u32 v29, v25;
	v31 =	vld.idx.msk [tilespmem:v59+s13+$0x0], $0xffff;
	v1 =	vadd.f32 v2, v1;
	v2 =	vmul.f32 v7, v56  }
0x1c3: {  	v34 =	vor.u32 v33, v26;
	v8 =	vld.idx.msk [tilespmem:v60+s14+$0x0], $0xffff  }
0x1c4: {  	v35 =	vor.u32 v33, v25;
	v10 =	vld.idx.msk [tilespmem:v28+s14+$0x0], $0xffff;
	v1 =	vadd.f32 v2, v1;
	v2 =	vmul.f32 v9, v3  }
0x1c5: {  	v39 =	vor.u32 v36, v25;
	v3 =	vld.idx.msk [tilespmem:v62+s13+$0x0], $0xffff  }
0x1c6: {  	v37 =	vor.u32 v36, v26;
	v38 =	vld.idx.msk [tilespmem:v30+s13+$0x0], $0xffff;
	v1 =	vadd.f32 v2, v1;
	v2 =	vmul.f32 v6, v63  }
0x1c7: {  	v41 =	vor.u32 v40, v26;
	v7 =	vld.idx.msk [tilespmem:v32+s14+$0x0], $0xffff  }
0x1c8: {  	v43 =	vor.u32 v40, v25;
	v42 =	vld.idx.msk [tilespmem:v34+s13+$0x0], $0xffff;
	v1 =	vadd.f32 v2, v1;
	v2 =	vmul.f32 v8, v31  }
0x1c9: {  	v45 =	vor.u32 v44, v26;
	v9 =	vld.idx.msk [tilespmem:v35+s14+$0x0], $0xffff  }
0x1ca: {  	v46 =	vor.u32 v44, v25;
	v6 =	vld.idx.msk [tilespmem:v39+s14+$0x0], $0xffff;
	v1 =	vadd.f32 v2, v1;
	v2 =	vmul.f32 v10, v3  }
0x1cb: {  	v50 =	vor.u32 v47, v25;
	v3 =	vld.idx.msk [tilespmem:v37+s13+$0x0], $0xffff  }
0x1cc: {  	v48 =	vor.u32 v47, v26;
	v49 =	vld.idx.msk [tilespmem:v41+s13+$0x0], $0xffff;
	v1 =	vadd.f32 v2, v1;
	v2 =	vmul.f32 v7, v38  }
0x1cd: {  	v51 =	vor.u32 v16, v26;
	v8 =	vld.idx.msk [tilespmem:v43+s14+$0x0], $0xffff  }
0x1ce: {  	v52 =	vld.idx.msk [tilespmem:v45+s13+$0x0], $0xffff;
	v53 =	vor.u32 v16, v25;
	v1 =	vadd.f32 v2, v1;
	v2 =	vmul.f32 v9, v42  }
0x1cf: {  	v54 =	vor.u32 v17, v26;
	v10 =	vld.idx.msk [tilespmem:v46+s14+$0x0], $0xffff  }
0x1d0: {  	v55 =	vor.u32 v17, v25;
	v7 =	vld.idx.msk [tilespmem:v50+s14+$0x0], $0xffff;
	v1 =	vadd.f32 v2, v1;
	v2 =	vmul.f32 v6, v3  }
0x1d1: {  	v58 =	vor.u32 v18, v25;
	v3 =	vld.idx.msk [tilespmem:v48+s13+$0x0], $0xffff  }
0x1d2: {  	v57 =	vld.idx.msk [tilespmem:v51+s13+$0x0], $0xffff;
	v56 =	vor.u32 v18, v26;
	v1 =	vadd.f32 v2, v1;
	v2 =	vmul.f32 v8, v49  }
0x1d3: {  	v59 =	vor.u32 v19, v26;
	v9 =	vld.idx.msk [tilespmem:v53+s14+$0x0], $0xffff  }
0x1d4: {  	v61 =	vor.u32 v19, v25;
	v60 =	vld.idx.msk [tilespmem:v54+s13+$0x0], $0xffff;
	v1 =	vadd.f32 v2, v1;
	v2 =	vmul.f32 v10, v52  }
0x1d5: {  	v62 =	vor.u32 v20, v26;
	v6 =	vld.idx.msk [tilespmem:v55+s14+$0x0], $0xffff  }
0x1d6: {  	v63 =	vor.u32 v20, v25;
	v8 =	vld.idx.msk [tilespmem:v58+s14+$0x0], $0xffff;
	v1 =	vadd.f32 v2, v1;
	v2 =	vmul.f32 v7, v3  }
0x1d7: {  	v30 =	vor.u32 v21, v25;
	v3 =	vld.idx.msk [tilespmem:v56+s13+$0x0], $0xffff  }
0x1d8: {  	v29 =	vld.idx.msk [tilespmem:v59+s13+$0x0], $0xffff;
	v28 =	vor.u32 v21, v26;
	v1 =	vadd.f32 v2, v1;
	v2 =	vmul.f32 v9, v57  }
0x1d9: {  	v31 =	vor.u32 v22, v26;
	v10 =	vld.idx.msk [tilespmem:v61+s14+$0x0], $0xffff  }
0x1da: {  	v33 =	vor.u32 v22, v25;
	v32 =	vld.idx.msk [tilespmem:v62+s13+$0x0], $0xffff;
	v1 =	vadd.f32 v2, v1;
	v2 =	vmul.f32 v6, v60  }
0x1db: {  	v34 =	vor.u32 v23, v26;
	v7 =	vld.idx.msk [tilespmem:v63+s14+$0x0], $0xffff  }
0x1dc: {  	v35 =	vor.u32 v23, v25;
	v9 =	vld.idx.msk [tilespmem:v30+s14+$0x0], $0xffff;
	v1 =	vadd.f32 v2, v1;
	v2 =	vmul.f32 v8, v3  }
0x1dd: {  	v38 =	vor.u32 v24, v25;
	v3 =	vld.idx.msk [tilespmem:v28+s13+$0x0], $0xffff  }
0x1de: {  	v36 =	vor.u32 v24, v26;
	v37 =	vld.idx.msk [tilespmem:v31+s13+$0x0], $0xffff;
	v1 =	vadd.f32 v2, v1;
	v2 =	vmul.f32 v10, v29  }
0x1df: {  	v39 =	vor.u32 $0xC80, v0;
	v6 =	vld.idx.msk [tilespmem:v33+s14+$0x0], $0xffff  }
0x1e0: {  	v40 =	vld.idx.msk [tilespmem:v34+s13+$0x0], $0xffff;
	v41 =	vor.u32 v39, v26;
	v1 =	vadd.f32 v2, v1;
	v2 =	vmul.f32 v7, v32  }
0x1e1: {  	v43 =	vor.u32 $0xD00, v0;
	v42 =	vor.u32 v39, v25;
	v8 =	vld.idx.msk [tilespmem:v35+s14+$0x0], $0xffff  }
0x1e2: {  	v44 =	vor.u32 v43, v26;
	v10 =	vld.idx.msk [tilespmem:v38+s14+$0x0], $0xffff;
	v1 =	vadd.f32 v2, v1;
	v2 =	vmul.f32 v9, v3  }
0x1e3: {  	v45 =	vor.u32 v43, v25;
	v46 =	vor.u32 $0xD80, v0;
	v3 =	vld.idx.msk [tilespmem:v36+s13+$0x0], $0xffff  }
0x1e4: {  	v47 =	vor.u32 v46, v26;
	v1 =	vadd.f32 v2, v1;
	v2 =	vmul.f32 v6, v37  }
0x1e5: {  	v50 =	vor.u32 $0xE00, v0;
	v48 =	vld.idx.msk [tilespmem:v41+s13+$0x0], $0xffff;
	v49 =	vor.u32 v46, v25  }
0x1e6: {  	v53 =	vor.u32 v50, v25;
	v51 =	vld.idx.msk [tilespmem:v42+s14+$0x0], $0xffff;
	v1 =	vadd.f32 v2, v1;
	v2 =	vmul.f32 v8, v40  }
0x1e7: {  	v54 =	vor.u32 $0xE80, v0;
	v52 =	vor.u32 v50, v26;
	v9 =	vld.idx.msk [tilespmem:v44+s13+$0x0], $0xffff  }
0x1e8: {  	v55 =	vor.u32 v54, v26;
	v1 =	vadd.f32 v2, v1;
	v2 =	vmul.f32 v10, v3;
	v3 =	vld.idx.msk [tilespmem:v45+s14+$0x0], $0xffff  }
0x1e9: {  	v4 =	vld.idx.msk [tilespmem:v47+s13+$0x0], $0xffff;
	v56 =	vor.u32 v54, v25;
	v57 =	vor.u32 $0xF00, v0  }
0x1ea: {  	v60 =	vor.u32 v57, v25;
	v1 =	vadd.f32 v2, v1;
	v2 =	vld.idx.msk [tilespmem:v49+s14+$0x0], $0xffff  }
0x1eb: {  	v11 =	vld.idx.msk [tilespmem:v53+s14+$0x0], $0xffff;
	v61 =	vor.u32 $0xF80, v0;
	v5 =	vmul.f32 v51, v48;
	v58 =	vor.u32 v57, v26  }
0x1ec: {  	v62 =	vor.u32 v61, v26;
	v59 =	vld.idx.msk [tilespmem:v52+s13+$0x0], $0xffff  }
0x1ed: {  	v13 =	vor.u32 v61, v25;
	v63 =	vld.idx.msk [tilespmem:v55+s13+$0x0], $0xffff;
	v1 =	vadd.f32 v5, v1;
	v3 =	vmul.f32 v3, v9  }
0x1ee: {  	v28 =	vld.idx.msk [tilespmem:v56+s14+$0x0], $0xffff  }
0x1ef: {  	v29 =	vld.idx.msk [tilespmem:v60+s14+$0x0], $0xffff;
	v1 =	vadd.f32 v3, v1;
	v2 =	vmul.f32 v2, v4  }
0x1f0: {  	v3 =	vld.idx.msk [tilespmem:v58+s13+$0x0], $0xffff  }
0x1f1: {  	v30 =	vld.idx.msk [tilespmem:v62+s13+$0x0], $0xffff;
	v1 =	vadd.f32 v2, v1;
	v2 =	vmul.f32 v11, v59  }
0x1f2: {  	v31 =	vld.idx.msk [tilespmem:v13+s14+$0x0], $0xffff  }
0x1f3: {  	v1 =	vadd.f32 v2, v1;
	v2 =	vmul.f32 v28, v63;
	_ =	sdelay $0x1  }
0x1f4: {  	v1 =	vadd.f32 v2, v1;
	v2 =	vmul.f32 v29, v3;
	_ =	sdelay $0x1  }
0x1f5: {  	v1 =	vadd.f32 v2, v1;
	v2 =	vmul.f32 v31, v30;
	_ =	sdelay $0x1  }
0x1f6: {  	v1 =	vadd.f32 v2, v1;
	_ =	sdelay $0x1  }
0x1f7: {  	v1 =	vsub.f32 $0.0e+00, v1;
	_ =	sdelay $0x1  }
0x1f8: {  	v1 =	vmul.f32 $1.442695020e+00, v1;
	_ =	sdelay $0x1  }
0x1f9: {  	(erf) = vpow2.f32 v1;
	_ =	sdelay $0x8  }
0x1fa: {  	v1 =	vpop (erf)  }
0x1fb: {  	v1 =	vadd.f32 $1.000000000e+00, v1;
	_ =	sdelay $0x1  }
0x1fc: {  	(erf) = vrcp.f32 v1;
	_ =	sdelay $0x8  }
0x1fd: {  	s0 =	simm.s32 $0x186F8;
	v1 =	vpop (erf)  }
0x1fe: {  	[tilespmem:s0+$0x0] =	vst.msk $0xf, v1  }
0x1ff: {  	_ =	swait.ge [sflag:s30], $0x1000  }
0x200: {  	[sflag:s30] =	ssyncset.done $0x0  }
0x201: {  	[sflag:s30] =	ssyncadd.s32 $0xFFFFF000  }
0x202: {  	_ =	swait.ge [sflag:s31], $0x1000  }
0x203: {  	[sflag:s31] =	ssyncset.done $0x0  }
0x204: {  	[sflag:s31] =	ssyncadd.s32 $0xFFFFF000  }
0x205: {  	_ =	swait.ge [sflag:s30], $0x1000  }
0x206: {  	[sflag:s30] =	ssyncset.done $0x0  }
0x207: {  	[sflag:s30] =	ssyncadd.s32 $0xFFFFF000  }
0x208: {  	_ =	swait.ge [sflag:s31], $0x1000  }
0x209: {  	[sflag:s31] =	ssyncset.done $0x0  }
0x20a: {  	[sflag:s31] =	ssyncadd.s32 $0xFFFFF000  }
0x20b: {  	_ =	swait.ge [sflag:s30], $0x1000  }
0x20c: {  	[sflag:s30] =	ssyncset.done $0x0  }
0x20d: {  	[sflag:s30] =	ssyncadd.s32 $0xFFFFF000  }
0x20e: {  	_ =	swait.ge [sflag:s31], $0x1000  }
0x20f: {  	[sflag:s31] =	ssyncset.done $0x0  }
0x210: {  	[sflag:s31] =	ssyncadd.s32 $0xFFFFF000  }
0x211: {  	_ =	swait.ge [sflag:s30], $0x1000  }
0x212: {  	[sflag:s30] =	ssyncset.done $0x0  }
0x213: {  	[sflag:s30] =	ssyncadd.s32 $0xFFFFF000  }
0x214: {  	_ =	swait.ge [sflag:s31], $0x1000  }
0x215: {  	[sflag:s31] =	ssyncset.done $0x0  }
0x216: {  	[sflag:s31] =	ssyncadd.s32 $0xFFFFF000  }
0x217: {  	v1 =	vld [tilespmem:$0x1FC]  }
0x218: {  	v2 =	vld [tilespmem:$0x47C];
	_ =	sdelay $0x3  }
0x219: {  	v26 =	vand.u32 $0x7F, v1;
	v1 =	vor.u32 $0x4000, v0  }
0x21a: {  	v25 =	vand.u32 $0x7F, v2;
	v2 =	vor.u32 v1, v26  }
0x21b: {  	v3 =	vor.u32 $0x4080, v0;
	v1 =	vor.u32 v1, v25  }
0x21c: {  	v32 =	vor.u32 v3, v26  }
0x21d: {  	v33 =	vor.u32 $0x4100, v0;
	v3 =	vor.u32 v3, v25  }
0x21e: {  	v34 =	vor.u32 v33, v26  }
0x21f: {  	v35 =	vor.u32 $0x4180, v0;
	v5 =	vor.u32 v33, v25;
	v2 =	vld.idx.msk [tilespmem:v2+s13+$0x0], $0xffff  }
0x220: {  	v7 =	vor.u32 v35, v25;
	v1 =	vld.idx.msk [tilespmem:v1+s14+$0x0], $0xffff  }
0x221: {  	v36 =	vor.u32 v35, v26;
	v4 =	vld.idx.msk [tilespmem:v32+s13+$0x0], $0xffff  }
0x222: {  	v37 =	vor.u32 $0x4200, v0;
	v3 =	vld.idx.msk [tilespmem:v3+s14+$0x0], $0xffff  }
0x223: {  	v38 =	vor.u32 v37, v26;
	v6 =	vld.idx.msk [tilespmem:v34+s13+$0x0], $0xffff  }
0x224: {  	v39 =	vor.u32 $0x4280, v0;
	v9 =	vor.u32 v37, v25;
	v5 =	vld.idx.msk [tilespmem:v5+s14+$0x0], $0xffff  }
0x225: {  	v40 =	vor.u32 v39, v26;
	v7 =	vld.idx.msk [tilespmem:v7+s14+$0x0], $0xffff;
	v1 =	vmul.f32 v1, v2  }
0x226: {  	v41 =	vor.u32 $0x4300, v0;
	v11 =	vor.u32 v39, v25;
	v2 =	vld.idx.msk [tilespmem:v36+s13+$0x0], $0xffff  }
0x227: {  	v42 =	vor.u32 v41, v26;
	v3 =	vmul.f32 v3, v4;
	v1 =	vadd.f32 $0.0e+00, v1  }
0x228: {  	v43 =	vor.u32 $0x4380, v0;
	v12 =	vor.u32 v41, v25;
	v10 =	vld.idx.msk [tilespmem:v38+s13+$0x0], $0xffff  }
0x229: {  	v46 =	vor.u32 v43, v25;
	v44 =	vld.idx.msk [tilespmem:v9+s14+$0x0], $0xffff;
	v1 =	vadd.f32 v3, v1;
	v3 =	vmul.f32 v5, v6  }
0x22a: {  	v47 =	vor.u32 $0x4400, v0;
	v45 =	vor.u32 v43, v26;
	v8 =	vld.idx.msk [tilespmem:v40+s13+$0x0], $0xffff  }
0x22b: {  	v48 =	vor.u32 v47, v26;
	v2 =	vmul.f32 v7, v2;
	v1 =	vadd.f32 v3, v1;
	v3 =	vld.idx.msk [tilespmem:v11+s14+$0x0], $0xffff  }
0x22c: {  	v50 =	vor.u32 $0x4480, v0;
	v49 =	vor.u32 v47, v25;
	v4 =	vld.idx.msk [tilespmem:v42+s13+$0x0], $0xffff  }
0x22d: {  	v52 =	vor.u32 v50, v25;
	v1 =	vadd.f32 v2, v1;
	v2 =	vld.idx.msk [tilespmem:v12+s14+$0x0], $0xffff  }
0x22e: {  	v53 =	vor.u32 $0x4500, v0;
	v51 =	vor.u32 v50, v26;
	v9 =	vld.idx.msk [tilespmem:v46+s14+$0x0], $0xffff;
	v5 =	vmul.f32 v44, v10  }
0x22f: {  	v54 =	vor.u32 v53, v26;
	v6 =	vld.idx.msk [tilespmem:v45+s13+$0x0], $0xffff  }
0x230: {  	v56 =	vor.u32 v53, v25;
	v55 =	vld.idx.msk [tilespmem:v48+s13+$0x0], $0xffff;
	v1 =	vadd.f32 v5, v1;
	v3 =	vmul.f32 v3, v8  }
0x231: {  	v58 =	vor.u32 $0x4580, v0;
	v57 =	vld.idx.msk [tilespmem:v49+s14+$0x0], $0xffff  }
0x232: {  	v59 =	vor.u32 v58, v26;
	v10 =	vld.idx.msk [tilespmem:v52+s14+$0x0], $0xffff;
	v1 =	vadd.f32 v3, v1;
	v2 =	vmul.f32 v2, v4  }
0x233: {  	v60 =	vor.u32 $0x4600, v0;
	v11 =	vor.u32 v58, v25;
	v3 =	vld.idx.msk [tilespmem:v51+s13+$0x0], $0xffff  }
0x234: {  	v61 =	vld.idx.msk [tilespmem:v54+s13+$0x0], $0xffff;
	v12 =	vor.u32 v60, v25;
	v1 =	vadd.f32 v2, v1;
	v2 =	vmul.f32 v9, v6  }
0x235: {  	v63 =	vor.u32 $0x4680, v0;
	v62 =	vor.u32 v60, v26;
	v7 =	vld.idx.msk [tilespmem:v56+s14+$0x0], $0xffff  }
0x236: {  	v28 =	vor.u32 v63, v26;
	v1 =	vadd.f32 v2, v1;
	v2 =	vmul.f32 v57, v55  }
0x237: {  	v30 =	vor.u32 $0x4700, v0;
	v29 =	vor.u32 v63, v25;
	v4 =	vld.idx.msk [tilespmem:v59+s13+$0x0], $0xffff  }
0x238: {  	v31 =	vor.u32 v30, v26;
	v1 =	vadd.f32 v2, v1;
	v2 =	vmul.f32 v10, v3;
	v3 =	vld.idx.msk [tilespmem:v11+s14+$0x0], $0xffff  }
0x239: {  	v33 =	vor.u32 $0x4780, v0;
	v32 =	vor.u32 v30, v25;
	v34 =	vld.idx.msk [tilespmem:v12+s14+$0x0], $0xffff  }
0x23a: {  	v35 =	vor.u32 v33, v26;
	v9 =	vld.idx.msk [tilespmem:v62+s13+$0x0], $0xffff;
	v1 =	vadd.f32 v2, v1;
	v2 =	vmul.f32 v7, v61  }
0x23b: {  	v37 =	vor.u32 $0x4800, v0;
	v36 =	vor.u32 v33, v25;
	v5 =	vld.idx.msk [tilespmem:v28+s13+$0x0], $0xffff  }
0x23c: {  	v40 =	vor.u32 v37, v25;
	v1 =	vadd.f32 v2, v1;
	v2 =	vld.idx.msk [tilespmem:v29+s14+$0x0], $0xffff  }
0x23d: {  	v41 =	vor.u32 $0x4880, v0;
	v38 =	vor.u32 v37, v26;
	v39 =	vld.idx.msk [tilespmem:v31+s13+$0x0], $0xffff;
	v3 =	vmul.f32 v3, v4  }
0x23e: {  	v42 =	vor.u32 v41, v26;
	v11 =	vld.idx.msk [tilespmem:v32+s14+$0x0], $0xffff  }
0x23f: {  	v43 =	vld.idx.msk [tilespmem:v35+s13+$0x0], $0xffff;
	v44 =	vor.u32 v41, v25;
	v1 =	vadd.f32 v3, v1;
	v3 =	vmul.f32 v34, v9  }
0x240: {  	v46 =	vor.u32 $0x4900, v0;
	v45 =	vld.idx.msk [tilespmem:v36+s14+$0x0], $0xffff  }
0x241: {  	v47 =	vor.u32 v46, v26;
	v48 =	vld.idx.msk [tilespmem:v40+s14+$0x0], $0xffff;
	v1 =	vadd.f32 v3, v1;
	v2 =	vmul.f32 v2, v5  }
0x242: {  	v50 =	vor.u32 $0x4980, v0;
	v49 =	vor.u32 v46, v25;
	v3 =	vld.idx.msk [tilespmem:v38+s13+$0x0], $0xffff  }
0x243: {  	v52 =	vor.u32 v50, v26;
	v51 =	vld.idx.msk [tilespmem:v42+s13+$0x0], $0xffff;
	v1 =	vadd.f32 v2, v1;
	v2 =	vmul.f32 v11, v39  }
0x244: {  	v53 =	vor.u32 $0x4A00, v0;
	v12 =	vor.u32 v50, v25;
	v7 =	vld.idx.msk [tilespmem:v44+s14+$0x0], $0xffff  }
0x245: {  	v54 =	vor.u32 v53, v26;
	v1 =	vadd.f32 v2, v1;
	v2 =	vmul.f32 v45, v43  }
0x246: {  	v56 =	vor.u32 $0x4A80, v0;
	v55 =	vor.u32 v53, v25;
	v5 =	vld.idx.msk [tilespmem:v47+s13+$0x0], $0xffff  }
0x247: {  	v57 =	vor.u32 v56, v26;
	v1 =	vadd.f32 v2, v1;
	v2 =	vmul.f32 v48, v3;
	v3 =	vld.idx.msk [tilespmem:v49+s14+$0x0], $0xffff  }
0x248: {  	v60 =	vor.u32 $0x4B00, v0;
	v58 =	vld.idx.msk [tilespmem:v52+s13+$0x0], $0xffff;
	v59 =	vor.u32 v56, v25  }
0x249: {  	v63 =	vor.u32 v60, v25;
	v61 =	vld.idx.msk [tilespmem:v12+s14+$0x0], $0xffff;
	v1 =	vadd.f32 v2, v1;
	v2 =	vmul.f32 v7, v51  }
0x24a: {  	v28 =	vor.u32 $0x4B80, v0;
	v62 =	vor.u32 v60, v26;
	v6 =	vld.idx.msk [tilespmem:v54+s13+$0x0], $0xffff  }
0x24b: {  	v31 =	vor.u32 v28, v25;
	v1 =	vadd.f32 v2, v1;
	v2 =	vld.idx.msk [tilespmem:v55+s14+$0x0], $0xffff  }
0x24c: {  	v32 =	vor.u32 $0x4C00, v0;
	v30 =	vld.idx.msk [tilespmem:v57+s13+$0x0], $0xffff;
	v29 =	vor.u32 v28, v26;
	v3 =	vmul.f32 v3, v5  }
0x24d: {  	v33 =	vor.u32 v32, v26;
	v11 =	vld.idx.msk [tilespmem:v59+s14+$0x0], $0xffff  }
0x24e: {  	v36 =	vld.idx.msk [tilespmem:v63+s14+$0x0], $0xffff;
	v35 =	vor.u32 v32, v25;
	v1 =	vadd.f32 v3, v1;
	v3 =	vmul.f32 v61, v58  }
0x24f: {  	v37 =	vor.u32 $0x4C80, v0;
	v34 =	vld.idx.msk [tilespmem:v62+s13+$0x0], $0xffff  }
0x250: {  	v8 =	vld.idx.msk [tilespmem:v31+s14+$0x0], $0xffff;
	v38 =	vor.u32 v37, v26;
	v1 =	vadd.f32 v3, v1;
	v2 =	vmul.f32 v2, v6  }
0x251: {  	v40 =	vor.u32 $0x4D00, v0;
	v39 =	vor.u32 v37, v25;
	v3 =	vld.idx.msk [tilespmem:v29+s13+$0x0], $0xffff  }
0x252: {  	v42 =	vor.u32 v40, v26;
	v41 =	vld.idx.msk [tilespmem:v33+s13+$0x0], $0xffff;
	v1 =	vadd.f32 v2, v1;
	v2 =	vmul.f32 v11, v30  }
0x253: {  	v12 =	vor.u32 v40, v25;
	v43 =	vor.u32 $0x4D80, v0;
	v7 =	vld.idx.msk [tilespmem:v35+s14+$0x0], $0xffff  }
0x254: {  	v44 =	vor.u32 v43, v26;
	v1 =	vadd.f32 v2, v1;
	v2 =	vmul.f32 v36, v34  }
0x255: {  	v46 =	vor.u32 $0x4E00, v0;
	v45 =	vor.u32 v43, v25;
	v6 =	vld.idx.msk [tilespmem:v38+s13+$0x0], $0xffff  }
0x256: {  	v47 =	vor.u32 v46, v26;
	v1 =	vadd.f32 v2, v1;
	v2 =	vmul.f32 v8, v3;
	v3 =	vld.idx.msk [tilespmem:v39+s14+$0x0], $0xffff  }
0x257: {  	v50 =	vor.u32 $0x4E80, v0;
	v48 =	vld.idx.msk [tilespmem:v42+s13+$0x0], $0xffff;
	v49 =	vor.u32 v46, v25  }
0x258: {  	v53 =	vor.u32 v50, v25;
	v51 =	vld.idx.msk [tilespmem:v12+s14+$0x0], $0xffff;
	v1 =	vadd.f32 v2, v1;
	v2 =	vmul.f32 v7, v41  }
0x259: {  	v52 =	vor.u32 v50, v26;
	v54 =	vor.u32 $0x4F00, v0;
	v4 =	vld.idx.msk [tilespmem:v44+s13+$0x0], $0xffff  }
0x25a: {  	v57 =	vor.u32 v54, v25;
	v1 =	vadd.f32 v2, v1;
	v2 =	vld.idx.msk [tilespmem:v45+s14+$0x0], $0xffff  }
0x25b: {  	v56 =	vld.idx.msk [tilespmem:v47+s13+$0x0], $0xffff;
	v55 =	vor.u32 v54, v26;
	v58 =	vor.u32 $0x4F80, v0;
	v3 =	vmul.f32 v3, v6  }
0x25c: {  	v59 =	vor.u32 v58, v26;
	v11 =	vld.idx.msk [tilespmem:v49+s14+$0x0], $0xffff  }
0x25d: {  	v61 =	vld.idx.msk [tilespmem:v53+s14+$0x0], $0xffff;
	v60 =	vor.u32 v58, v25;
	v1 =	vadd.f32 v3, v1;
	v3 =	vmul.f32 v51, v48  }
0x25e: {  	v7 =	vld.idx.msk [tilespmem:v52+s13+$0x0], $0xffff  }
0x25f: {  	v62 =	vld.idx.msk [tilespmem:v57+s14+$0x0], $0xffff;
	v1 =	vadd.f32 v3, v1;
	v2 =	vmul.f32 v2, v4  }
0x260: {  	v3 =	vld.idx.msk [tilespmem:v55+s13+$0x0], $0xffff  }
0x261: {  	v63 =	vld.idx.msk [tilespmem:v59+s13+$0x0], $0xffff;
	v1 =	vadd.f32 v2, v1;
	v2 =	vmul.f32 v11, v56  }
0x262: {  	v5 =	vld.idx.msk [tilespmem:v60+s14+$0x0], $0xffff  }
0x263: {  	v1 =	vadd.f32 v2, v1;
	v2 =	vmul.f32 v61, v7;
	_ =	sdelay $0x1  }
0x264: {  	v1 =	vadd.f32 v2, v1;
	v2 =	vmul.f32 v62, v3;
	_ =	sdelay $0x1  }
0x265: {  	v1 =	vadd.f32 v2, v1;
	v2 =	vmul.f32 v5, v63;
	_ =	sdelay $0x1  }
0x266: {  	v1 =	vadd.f32 v2, v1;
	_ =	sdelay $0x1  }
0x267: {  	v1 =	vsub.f32 $0.0e+00, v1;
	_ =	sdelay $0x1  }
0x268: {  	v1 =	vmul.f32 $1.442695020e+00, v1;
	_ =	sdelay $0x1  }
0x269: {  	(erf) = vpow2.f32 v1;
	_ =	sdelay $0x8  }
0x26a: {  	v1 =	vpop (erf)  }
0x26b: {  	v1 =	vadd.f32 $1.000000000e+00, v1;
	_ =	sdelay $0x1  }
0x26c: {  	(erf) = vrcp.f32 v1;
	_ =	sdelay $0x7  }
0x26d: {  	s15 =	sadd.s32 $0x1, s15  }
0x26e: {  	s29 =	simm.s32 $0x186FC;
	p0 =	sne.s32 s15, s8;
	v1 =	vpop (erf)  }
.Ltmp1:
0x26f: {  	[tilespmem:s29+$0x0] =	vst.msk $0xf, v1;
	(pc) =	sbr.rel @p0 .LBB2_1-.Ltmp1, $4  }
0x270: {  	[hbm4b:s7+s4] =	stream.linear.scatter [tilespmem:s9], [sflag:$0x3], $0x200, $0x38;
	[tilespmem:$0x18780] =	vst v63  }
0x271: {  	_ =	swait.ge [sflag:s11], $0x200  }
0x272: {  	[sflag:s11] =	ssyncset.done $0x0  }
0x273: {  	[sflag:s11] =	ssyncadd.s32 $0xFFFFFE00  }
0x274: {  	_ =	sfence.sel $0x180000  }
0x275: {  	[bflag:$0x0] =	sbarrier.arrive $0xFFFF  }
0x276: {  	_ =	strace $0x90000047  }
0x277: {  	s0 =	stileid.u32;
	[bflag:$0x2] =	sbarrier.arrive $0xFFFF  }
0x278: {  	p0 =	sne.s32 s0, $0x0;
	s0 =	rddreg [dreg:$0x5]  }
0x279: {  	s0 =	sadd.s32 @!p0 $0x100000, s0  }
0x27a: {  	[sflag:s0] =	ssyncadd.tile.s32 @!p0 $0x1;
	_ =	shalt  }
.Lfunc_end2:
_tile_overlayer_lowered:
.L_overlay_start_2:
0x27b: {  	(tag) =	ssettag $0x2  }
0x27c: {  	s0 =	rddreg [dreg:$0x0];
	s2 =	stileid.u32  }
0x27d: {  	s1 =	rddreg [dreg:$0x1];
	p0 =	sne.s32 s2, $0x0  }
0x27e: {  	s3 =	rddreg [dreg:$0x2];
	[bflag:$0x3] =	sbarrier.arrive $0xFFFF;
	s2 =	simm.s32 @!p0 $0x1C03  }
0x27f: {  	[timem:s3], [sflag:s2] =	dma.local @!p0 [hbm:s0], s1  }
0x280: {  	s0 =	simm.s32 @!p0 $0x3  }
0x281: {  	_ =	swait.ge @!p0 [sflag:s0], s1  }
0x282: {  	s1 =	ssub.s32 @!p0 $0x0, s1;
	[sflag:s0] =	ssyncset.done @!p0 $0x0  }
0x283: {  	[sflag:s0] =	ssyncadd.s32 @!p0 s1  }
0x284: {  	[bflag:$0x3] =	sbarrier.arrive $0xFFFF  }
0x285: {  	_ =	shalt  }

</sc_bundles>
